<compile_context>
chip_gen: v7x
topology: tpu7x:2x2x1
jax: 0.10.2.dev20260603
libtpu: 0.0.44.dev20260713+nightly
codegen_flags: <defaults>
</compile_context>

<pallas_src>
import functools

import jax
import jax.numpy as jnp
from jax import lax
from jax.experimental import pallas as pl
from jax.experimental.pallas import tpu as pltpu
from jax.experimental.pallas import tpu_sc as plsc

N_NODES = 10000
HIDDEN = 128
N_EDGES = 320000

NC, NS = 2, 16
NW = NC * NS
N_PAD = 10240
CHUNK = 128
E_PAD = 327680
CHUNKS_PER_TILE = E_PAD // (NW * CHUNK)
ROWS_PER_TILE = N_PAD // NS

_MESH = plsc.VectorSubcoreMesh(core_axis_name="c", subcore_axis_name="s")



@functools.partial(
    pl.kernel,
    out_type=jax.ShapeDtypeStruct((NC, N_PAD, 1), jnp.float32),
    mesh=_MESH,
    compiler_params=pltpu.CompilerParams(needs_layout_passes=False),
    scratch_types=[
        pltpu.VMEM((CHUNKS_PER_TILE, CHUNK), jnp.int32),
        pltpu.VMEM((N_PAD,), jnp.float32),
        pltpu.VMEM((NS, ROWS_PER_TILE), jnp.float32),
        pltpu.VMEM((ROWS_PER_TILE, 1), jnp.float32),
        pltpu.VMEM_SHARED((NS, N_PAD), jnp.float32),
    ],
)
def _sc_degree(dst_hbm, out_hbm, dstbuf, hist, redbuf, colbuf, shared):
    c = lax.axis_index("c")
    s = lax.axis_index("s")
    wid = s * NC + c
    pltpu.sync_copy(dst_hbm.at[pl.ds(wid * CHUNKS_PER_TILE, CHUNKS_PER_TILE)],
                    dstbuf)
    zeros16 = jnp.zeros((16,), jnp.float32)
    ones16 = jnp.ones((16,), jnp.float32)
    iota16 = jax.lax.iota(jnp.int32, 16)

    def zero_body(i, carry):
        hist[pl.ds(i * 16, 16)] = zeros16
        return carry

    lax.fori_loop(0, N_PAD // 16, zero_body, 0)

    def chunk_body(k, carry):
        for j in range(CHUNK // 16):
            idx = dstbuf[k, pl.ds(j * 16, 16)]
            plsc.addupdate_scatter(hist, [idx], ones16)
        return carry

    lax.fori_loop(0, CHUNKS_PER_TILE, chunk_body, 0)
    pltpu.sync_copy(hist, shared.at[s])
    plsc.subcore_barrier()
    pltpu.sync_copy(shared.at[:, pl.ds(s * ROWS_PER_TILE, ROWS_PER_TILE)],
                    redbuf)

    def red_body(g, carry):
        acc16 = zeros16
        for r in range(NS):
            acc16 = acc16 + redbuf[r, pl.ds(g * 16, 16)]
        plsc.store_scatter(colbuf, [g * 16 + iota16, iota16 * 0], acc16)
        return carry

    lax.fori_loop(0, ROWS_PER_TILE // 16, red_body, 0)
    pltpu.sync_copy(colbuf, out_hbm.at[c, pl.ds(s * ROWS_PER_TILE, ROWS_PER_TILE)])


PF = 8
N_GROUPS = CHUNKS_PER_TILE // PF


@functools.partial(
    pl.kernel,
    out_type=jax.ShapeDtypeStruct((NC, N_PAD, HIDDEN), jnp.float32),
    mesh=_MESH,
    scratch_types=[
        pltpu.VMEM((2, PF, CHUNK), jnp.int32),
        pltpu.VMEM((2, PF, CHUNK), jnp.int32),
        pltpu.VMEM((CHUNK, HIDDEN), jnp.float32),
        pltpu.VMEM((CHUNK, HIDDEN), jnp.float32),
        pltpu.VMEM_SHARED((N_PAD, HIDDEN), jnp.float32),
        pltpu.SemaphoreType.DMA,
        pltpu.SemaphoreType.DMA,
        pltpu.SemaphoreType.DMA,
        pltpu.SemaphoreType.DMA,
        pltpu.SemaphoreType.DMA,
    ],
)
def _sc_scatter(hs_hbm, src_hbm, dst_hbm, zeros_hbm, out_hbm,
                srcg, dstg, rows0, rows1, acc, gs0, gs1, ss0, ss1, isem):
    c = lax.axis_index("c")
    s = lax.axis_index("s")
    wid = s * NC + c
    pltpu.sync_copy(zeros_hbm, acc.at[pl.ds(s * ROWS_PER_TILE, ROWS_PER_TILE)])
    plsc.subcore_barrier()
    base = wid * CHUNKS_PER_TILE
    pltpu.sync_copy(src_hbm.at[pl.ds(base, PF)], srcg.at[0])
    pltpu.sync_copy(dst_hbm.at[pl.ds(base, PF)], dstg.at[0])

    def group(g, carry):
        gb = lax.rem(g, 2)
        nb = lax.rem(g + 1, 2)

        @pl.when(g < N_GROUPS - 1)
        def _():
            nxt = pl.ds(base + (g + 1) * PF, PF)
            pltpu.async_copy(src_hbm.at[nxt], srcg.at[nb], isem)
            pltpu.async_copy(dst_hbm.at[nxt], dstg.at[nb], isem)

        for p in range(PF // 2):
            e0, e1 = 2 * p, 2 * p + 1
            @pl.when((g > 0) | (p > 0))
            def _():
                pltpu.make_async_copy(rows0, acc.at[dstg.at[gb, e0]], ss0).wait()
                pltpu.make_async_copy(rows1, acc.at[dstg.at[gb, e1]], ss1).wait()

            pltpu.async_copy(hs_hbm.at[srcg.at[gb, e0]], rows0, gs0)
            pltpu.async_copy(hs_hbm.at[srcg.at[gb, e1]], rows1, gs1)
            pltpu.make_async_copy(hs_hbm.at[srcg.at[gb, e0]], rows0, gs0).wait()
            pltpu.async_copy(rows0, acc.at[dstg.at[gb, e0]], ss0, add=True)
            pltpu.make_async_copy(hs_hbm.at[srcg.at[gb, e1]], rows1, gs1).wait()
            pltpu.async_copy(rows1, acc.at[dstg.at[gb, e1]], ss1, add=True)

        @pl.when(g < N_GROUPS - 1)
        def _():
            nxt = pl.ds(base + (g + 1) * PF, PF)
            pltpu.make_async_copy(src_hbm.at[nxt], srcg.at[nb], isem).wait()
            pltpu.make_async_copy(dst_hbm.at[nxt], dstg.at[nb], isem).wait()

        return carry

    lax.fori_loop(0, N_GROUPS, group, 0)
    pltpu.make_async_copy(rows0, acc.at[dstg.at[0, 0]], ss0).wait()
    pltpu.make_async_copy(rows1, acc.at[dstg.at[0, 1]], ss1).wait()
    plsc.subcore_barrier()
    sl = pl.ds(s * ROWS_PER_TILE, ROWS_PER_TILE)
    pltpu.sync_copy(acc.at[sl], out_hbm.at[c, sl])



_ROWS_BLK = 2048
_GRID = N_PAD // _ROWS_BLK


def _tc_pre_body(degp_ref, x_ref, w_ref, dinv_ref, hs_ref):
    deg = degp_ref[0] + degp_ref[1]
    dinv = lax.rsqrt(deg + 1.0)
    dinv_ref[...] = dinv
    h = jnp.dot(x_ref[...], w_ref[...], preferred_element_type=jnp.float32)
    hs_ref[...] = h * dinv


def _tc_mid_body(aggp_ref, hs_ref, dinv_ref, b_ref, w_ref, out_ref):
    dinv = dinv_ref[...]
    x2 = jnp.maximum(
        dinv * (aggp_ref[0] + aggp_ref[1] + hs_ref[...]) + b_ref[...], 0.0)
    out_ref[...] = jnp.dot(
        x2, w_ref[...], preferred_element_type=jnp.float32) * dinv


def _tc_fin_body(aggp_ref, hs_ref, dinv_ref, b_ref, out_ref):
    out_ref[...] = (dinv_ref[...] * (aggp_ref[0] + aggp_ref[1] + hs_ref[...])
                    + b_ref[...])


_tc_pre = pl.pallas_call(
    _tc_pre_body,
    grid=(_GRID,),
    in_specs=[
        pl.BlockSpec((NC, _ROWS_BLK, 1), lambda i: (0, i, 0)),
        pl.BlockSpec((_ROWS_BLK, HIDDEN), lambda i: (i, 0)),
        pl.BlockSpec((HIDDEN, HIDDEN), lambda i: (0, 0)),
    ],
    out_specs=[
        pl.BlockSpec((_ROWS_BLK, 1), lambda i: (i, 0)),
        pl.BlockSpec((_ROWS_BLK, HIDDEN), lambda i: (i, 0)),
    ],
    out_shape=[
        jax.ShapeDtypeStruct((N_PAD, 1), jnp.float32),
        jax.ShapeDtypeStruct((N_PAD, HIDDEN), jnp.float32),
    ],
)

_tc_mid = pl.pallas_call(
    _tc_mid_body,
    grid=(_GRID,),
    in_specs=[
        pl.BlockSpec((NC, _ROWS_BLK, HIDDEN), lambda i: (0, i, 0)),
        pl.BlockSpec((_ROWS_BLK, HIDDEN), lambda i: (i, 0)),
        pl.BlockSpec((_ROWS_BLK, 1), lambda i: (i, 0)),
        pl.BlockSpec((1, HIDDEN), lambda i: (0, 0)),
        pl.BlockSpec((HIDDEN, HIDDEN), lambda i: (0, 0)),
    ],
    out_specs=pl.BlockSpec((_ROWS_BLK, HIDDEN), lambda i: (i, 0)),
    out_shape=jax.ShapeDtypeStruct((N_PAD, HIDDEN), jnp.float32),
)

_tc_fin = pl.pallas_call(
    _tc_fin_body,
    grid=(_GRID,),
    in_specs=[
        pl.BlockSpec((NC, _ROWS_BLK, HIDDEN), lambda i: (0, i, 0)),
        pl.BlockSpec((_ROWS_BLK, HIDDEN), lambda i: (i, 0)),
        pl.BlockSpec((_ROWS_BLK, 1), lambda i: (i, 0)),
        pl.BlockSpec((1, HIDDEN), lambda i: (0, 0)),
    ],
    out_specs=pl.BlockSpec((_ROWS_BLK, HIDDEN), lambda i: (i, 0)),
    out_shape=jax.ShapeDtypeStruct((N_PAD, HIDDEN), jnp.float32),
)



def kernel(node_hidden, edge_hidden, edge_index, W1, b1, W2, b2, W3, b3):
    src = edge_index[0].astype(jnp.int32)
    dst = edge_index[1].astype(jnp.int32)
    pad = E_PAD - N_EDGES
    src2 = jnp.concatenate([src, jnp.zeros((pad,), jnp.int32)])
    dst2 = jnp.concatenate([dst, jnp.full((pad,), N_NODES, jnp.int32)])
    src2 = src2.reshape(E_PAD // CHUNK, CHUNK)
    dst2 = dst2.reshape(E_PAD // CHUNK, CHUNK)

    x = jnp.pad(node_hidden, ((0, N_PAD - N_NODES), (0, 0)))
    zerosH = jnp.zeros((ROWS_PER_TILE, HIDDEN), jnp.float32)

    degp = _sc_degree(dst2)
    dinv, hs = _tc_pre(degp, x, W1)

    aggp = _sc_scatter(hs, src2, dst2, zerosH)
    hs = _tc_mid(aggp, hs, dinv, b1.reshape(1, HIDDEN), W2)

    aggp = _sc_scatter(hs, src2, dst2, zerosH)
    hs = _tc_mid(aggp, hs, dinv, b2.reshape(1, HIDDEN), W3)

    aggp = _sc_scatter(hs, src2, dst2, zerosH)
    out = _tc_fin(aggp, hs, dinv, b3.reshape(1, HIDDEN))

    return (out[:N_NODES], edge_hidden)

# --- scband reference (transcript-rebuilt; emitter-appended) ---
"""Pipeline reference for scband-gcn-processor-9294309228961 (READ-ONLY COPY).

The authoritative reference and input builder live on the scoring server;
editing this copy changes nothing except your own understanding.
"""

import jax, jax.numpy as jnp
import numpy as np

N_NODES = 10000
N_EDGES = 320000
HIDDEN = 128
D_EDGE = 16


def setup_inputs(seed: int = 0) -> dict:
    key = jax.random.key(seed)
    ks = jax.random.split(key, 10)
    node_hidden = jax.random.normal(ks[0], (N_NODES, HIDDEN), dtype=jnp.float32)
    edge_hidden = jax.random.normal(ks[1], (N_EDGES, D_EDGE), dtype=jnp.float32)
    edge_index = jax.random.randint(ks[2], (2, N_EDGES), 0, N_NODES, dtype=jnp.int64)
    scale = 1.0 / np.sqrt(HIDDEN)
    W1 = jax.random.normal(ks[3], (HIDDEN, HIDDEN), dtype=jnp.float32) * scale
    b1 = jnp.zeros((HIDDEN,), dtype=jnp.float32)
    W2 = jax.random.normal(ks[4], (HIDDEN, HIDDEN), dtype=jnp.float32) * scale
    b2 = jnp.zeros((HIDDEN,), dtype=jnp.float32)
    W3 = jax.random.normal(ks[5], (HIDDEN, HIDDEN), dtype=jnp.float32) * scale
    b3 = jnp.zeros((HIDDEN,), dtype=jnp.float32)
    return {"node_hidden": node_hidden, "edge_hidden": edge_hidden,
            "edge_index": edge_index, "W1": W1, "b1": b1,
            "W2": W2, "b2": b2, "W3": W3, "b3": b3}


def _gcn_conv(x, src, dst, W, b, num_nodes):
    # GCNConv: add self-loops, symmetric normalization D^-1/2 (A+I) D^-1/2 X W + b
    loop = jnp.arange(num_nodes, dtype=src.dtype)
    src2 = jnp.concatenate([src, loop])
    dst2 = jnp.concatenate([dst, loop])
    deg = jnp.zeros((num_nodes,), dtype=x.dtype).at[dst2].add(1.0)
    dinv = jnp.where(deg > 0, 1.0 / jnp.sqrt(deg), 0.0)
    norm = dinv[src2] * dinv[dst2]
    h = x @ W
    msg = h[src2] * norm[:, None]
    out = jnp.zeros_like(h).at[dst2].add(msg)
    return out + b


def reference(node_hidden, edge_hidden, edge_index, W1, b1, W2, b2, W3, b3):
    src = edge_index[0]
    dst = edge_index[1]
    n = node_hidden.shape[0]
    h = _gcn_conv(node_hidden, src, dst, W1, b1, n)
    h = jax.nn.relu(h)
    h = _gcn_conv(h, src, dst, W2, b2, n)
    h = jax.nn.relu(h)
    h = _gcn_conv(h, src, dst, W3, b3, n)
    return (h, edge_hidden)

if __name__ == "__main__":
    import jax
    _d = setup_inputs()
    print(jax.jit(kernel)(*tuple(_d.values())))

</pallas_src>

<mosaic_0001>
#map = affine_map<(d0, d1) -> (0, 0)>
#map1 = affine_map<(d0, d1) -> (0, 0, 0)>
module attributes {stable_mosaic.version = 14 : i64} {
  func.func @_sc_scatter(%arg0: i32, %arg1: i32, %arg2: memref<10240x128xf32, #tpu.memory_space<hbm>>, %arg3: memref<2560x128xi32, #tpu.memory_space<hbm>>, %arg4: memref<2560x128xi32, #tpu.memory_space<hbm>>, %arg5: memref<640x128xf32, #tpu.memory_space<hbm>>, %arg6: memref<2x10240x128xf32, #tpu.memory_space<hbm>>, %arg7: memref<2x8x128xi32, #tpu.memory_space<vmem>>, %arg8: memref<2x8x128xi32, #tpu.memory_space<vmem>>, %arg9: memref<128x128xf32, #tpu.memory_space<vmem>>, %arg10: memref<128x128xf32, #tpu.memory_space<vmem>>, %arg11: memref<10240x128xf32, #tpu.memory_space<vmem_shared>>, %arg12: memref<!tpu.dma_semaphore, #tpu.memory_space<semaphore_mem>>, %arg13: memref<!tpu.dma_semaphore, #tpu.memory_space<semaphore_mem>>, %arg14: memref<!tpu.dma_semaphore, #tpu.memory_space<semaphore_mem>>, %arg15: memref<!tpu.dma_semaphore, #tpu.memory_space<semaphore_mem>>, %arg16: memref<!tpu.dma_semaphore, #tpu.memory_space<semaphore_mem>>) attributes {dimension_semantics = [#tpu.dimension_semantics<core_parallel>, #tpu.dimension_semantics<subcore_parallel>], iteration_bounds = array<i64: 2, 16>, scalar_prefetch = 0 : i64, scratch_operands = 10 : i64, tpu.core_type = #tpu.core_type<sc_vector_subcore>, window_params = [{transform_indices = #map}, {transform_indices = #map}, {transform_indices = #map}, {transform_indices = #map}, {transform_indices = #map1}]} {
    %mul3A = arith.constant 2 : i32
    %mul3A_0 = arith.muli %arg1, %mul3A : i32
    %add3A = arith.addi %mul3A_0, %arg0 : i32
    %mul3A_1 = arith.constant 640 : i32
    %mul3A_2 = arith.muli %arg1, %mul3A_1 : i32
    "tpu.region"() ({
      %run_scoped3A_29 = tpu.sem_alloc : memref<!tpu.dma_semaphore, #tpu.memory_space<semaphore_mem>>
      %dma_start3A = arith.constant 0 : i32
      %dma_start3A_30 = tpu.memref_slice %arg11[%mul3A_2, %dma_start3A] : memref<10240x128xf32, #tpu.memory_space<vmem_shared>> -> memref<640x128xf32, #tpu.memory_space<vmem_shared>>
      tpu.enqueue_dma source(%arg5 : memref<640x128xf32, #tpu.memory_space<hbm>>) target(%dma_start3A_30 : memref<640x128xf32, #tpu.memory_space<vmem_shared>>) target_semaphore(%run_scoped3A_29 : memref<!tpu.dma_semaphore, #tpu.memory_space<semaphore_mem>>)
      %dma_wait3A_31 = arith.constant 0 : i32
      %dma_wait3A_32 = tpu.memref_slice %arg11[%mul3A_2, %dma_wait3A_31] : memref<10240x128xf32, #tpu.memory_space<vmem_shared>> -> memref<640x128xf32, #tpu.memory_space<vmem_shared>>
      tpu.wait_dma2 semaphore(%run_scoped3A_29 : memref<!tpu.dma_semaphore, #tpu.memory_space<semaphore_mem>>) src(%arg5 : memref<640x128xf32, #tpu.memory_space<hbm>>) dst(%dma_wait3A_32 : memref<640x128xf32, #tpu.memory_space<vmem_shared>>)
      tpu.yield
    }) : () -> ()
    %barrier3A = arith.constant 0 : index
    tpu.barrier barrier_id(%barrier3A)
    %mul3A_3 = arith.constant 80 : i32
    %mul3A_4 = arith.muli %add3A, %mul3A_3 : i32
    %run_scoped3A = arith.constant 0 : i32
    "tpu.region"() ({
      %run_scoped3A_29 = tpu.sem_alloc : memref<!tpu.dma_semaphore, #tpu.memory_space<semaphore_mem>>
      %dma_start3A = arith.constant 0 : i32
      %dma_start3A_30 = arith.constant 0 : i32
      %dma_start3A_31 = tpu.memref_slice %arg7[%run_scoped3A, %dma_start3A, %dma_start3A_30] : memref<2x8x128xi32, #tpu.memory_space<vmem>> -> memref<1x8x128xi32, #tpu.memory_space<vmem>>
      %dma_start3A_32 = tpu.memref_squeeze %dma_start3A_31 : memref<1x8x128xi32, #tpu.memory_space<vmem>> -> memref<8x128xi32, #tpu.memory_space<vmem>>
      %dma_start3A_33 = arith.constant 0 : i32
      %dma_start3A_34 = tpu.memref_slice %arg3[%mul3A_4, %dma_start3A_33] : memref<2560x128xi32, #tpu.memory_space<hbm>> -> memref<8x128xi32, #tpu.memory_space<hbm>>
      %dma_start3A_35 = arith.constant 0 : i32
      %dma_start3A_36 = arith.constant 0 : i32
      %dma_start3A_37 = tpu.memref_slice %arg7[%run_scoped3A, %dma_start3A_35, %dma_start3A_36] : memref<2x8x128xi32, #tpu.memory_space<vmem>> -> memref<1x8x128xi32, #tpu.memory_space<vmem>>
      %dma_start3A_38 = tpu.memref_squeeze %dma_start3A_37 : memref<1x8x128xi32, #tpu.memory_space<vmem>> -> memref<8x128xi32, #tpu.memory_space<vmem>>
      %dma_start3A_39 = arith.constant 0 : i32
      %dma_start3A_40 = tpu.memref_slice %arg3[%mul3A_4, %dma_start3A_39] : memref<2560x128xi32, #tpu.memory_space<hbm>> -> memref<8x128xi32, #tpu.memory_space<hbm>>
      tpu.enqueue_dma source(%dma_start3A_40 : memref<8x128xi32, #tpu.memory_space<hbm>>) target(%dma_start3A_38 : memref<8x128xi32, #tpu.memory_space<vmem>>) target_semaphore(%run_scoped3A_29 : memref<!tpu.dma_semaphore, #tpu.memory_space<semaphore_mem>>)
      %dma_wait3A_41 = arith.constant 0 : i32
      %dma_wait3A_42 = arith.constant 0 : i32
      %dma_wait3A_43 = tpu.memref_slice %arg7[%run_scoped3A, %dma_wait3A_41, %dma_wait3A_42] : memref<2x8x128xi32, #tpu.memory_space<vmem>> -> memref<1x8x128xi32, #tpu.memory_space<vmem>>
      %dma_wait3A_44 = tpu.memref_squeeze %dma_wait3A_43 : memref<1x8x128xi32, #tpu.memory_space<vmem>> -> memref<8x128xi32, #tpu.memory_space<vmem>>
      %dma_wait3A_45 = arith.constant 0 : i32
      %dma_wait3A_46 = tpu.memref_slice %arg3[%mul3A_4, %dma_wait3A_45] : memref<2560x128xi32, #tpu.memory_space<hbm>> -> memref<8x128xi32, #tpu.memory_space<hbm>>
      %dma_wait3A_47 = arith.constant 0 : i32
      %dma_wait3A_48 = arith.constant 0 : i32
      %dma_wait3A_49 = tpu.memref_slice %arg7[%run_scoped3A, %dma_wait3A_47, %dma_wait3A_48] : memref<2x8x128xi32, #tpu.memory_space<vmem>> -> memref<1x8x128xi32, #tpu.memory_space<vmem>>
      %dma_wait3A_50 = tpu.memref_squeeze %dma_wait3A_49 : memref<1x8x128xi32, #tpu.memory_space<vmem>> -> memref<8x128xi32, #tpu.memory_space<vmem>>
      %dma_wait3A_51 = arith.constant 0 : i32
      %dma_wait3A_52 = tpu.memref_slice %arg3[%mul3A_4, %dma_wait3A_51] : memref<2560x128xi32, #tpu.memory_space<hbm>> -> memref<8x128xi32, #tpu.memory_space<hbm>>
      tpu.wait_dma2 semaphore(%run_scoped3A_29 : memref<!tpu.dma_semaphore, #tpu.memory_space<semaphore_mem>>) src(%dma_wait3A_52 : memref<8x128xi32, #tpu.memory_space<hbm>>) dst(%dma_wait3A_50 : memref<8x128xi32, #tpu.memory_space<vmem>>)
      tpu.yield
    }) : () -> ()
    %run_scoped3A_5 = arith.constant 0 : i32
    "tpu.region"() ({
      %run_scoped3A_29 = tpu.sem_alloc : memref<!tpu.dma_semaphore, #tpu.memory_space<semaphore_mem>>
      %dma_start3A = arith.constant 0 : i32
      %dma_start3A_30 = arith.constant 0 : i32
      %dma_start3A_31 = tpu.memref_slice %arg8[%run_scoped3A_5, %dma_start3A, %dma_start3A_30] : memref<2x8x128xi32, #tpu.memory_space<vmem>> -> memref<1x8x128xi32, #tpu.memory_space<vmem>>
      %dma_start3A_32 = tpu.memref_squeeze %dma_start3A_31 : memref<1x8x128xi32, #tpu.memory_space<vmem>> -> memref<8x128xi32, #tpu.memory_space<vmem>>
      %dma_start3A_33 = arith.constant 0 : i32
      %dma_start3A_34 = tpu.memref_slice %arg4[%mul3A_4, %dma_start3A_33] : memref<2560x128xi32, #tpu.memory_space<hbm>> -> memref<8x128xi32, #tpu.memory_space<hbm>>
      %dma_start3A_35 = arith.constant 0 : i32
      %dma_start3A_36 = arith.constant 0 : i32
      %dma_start3A_37 = tpu.memref_slice %arg8[%run_scoped3A_5, %dma_start3A_35, %dma_start3A_36] : memref<2x8x128xi32, #tpu.memory_space<vmem>> -> memref<1x8x128xi32, #tpu.memory_space<vmem>>
      %dma_start3A_38 = tpu.memref_squeeze %dma_start3A_37 : memref<1x8x128xi32, #tpu.memory_space<vmem>> -> memref<8x128xi32, #tpu.memory_space<vmem>>
      %dma_start3A_39 = arith.constant 0 : i32
      %dma_start3A_40 = tpu.memref_slice %arg4[%mul3A_4, %dma_start3A_39] : memref<2560x128xi32, #tpu.memory_space<hbm>> -> memref<8x128xi32, #tpu.memory_space<hbm>>
      tpu.enqueue_dma source(%dma_start3A_40 : memref<8x128xi32, #tpu.memory_space<hbm>>) target(%dma_start3A_38 : memref<8x128xi32, #tpu.memory_space<vmem>>) target_semaphore(%run_scoped3A_29 : memref<!tpu.dma_semaphore, #tpu.memory_space<semaphore_mem>>)
      %dma_wait3A_41 = arith.constant 0 : i32
      %dma_wait3A_42 = arith.constant 0 : i32
      %dma_wait3A_43 = tpu.memref_slice %arg8[%run_scoped3A_5, %dma_wait3A_41, %dma_wait3A_42] : memref<2x8x128xi32, #tpu.memory_space<vmem>> -> memref<1x8x128xi32, #tpu.memory_space<vmem>>
      %dma_wait3A_44 = tpu.memref_squeeze %dma_wait3A_43 : memref<1x8x128xi32, #tpu.memory_space<vmem>> -> memref<8x128xi32, #tpu.memory_space<vmem>>
      %dma_wait3A_45 = arith.constant 0 : i32
      %dma_wait3A_46 = tpu.memref_slice %arg4[%mul3A_4, %dma_wait3A_45] : memref<2560x128xi32, #tpu.memory_space<hbm>> -> memref<8x128xi32, #tpu.memory_space<hbm>>
      %dma_wait3A_47 = arith.constant 0 : i32
      %dma_wait3A_48 = arith.constant 0 : i32
      %dma_wait3A_49 = tpu.memref_slice %arg8[%run_scoped3A_5, %dma_wait3A_47, %dma_wait3A_48] : memref<2x8x128xi32, #tpu.memory_space<vmem>> -> memref<1x8x128xi32, #tpu.memory_space<vmem>>
      %dma_wait3A_50 = tpu.memref_squeeze %dma_wait3A_49 : memref<1x8x128xi32, #tpu.memory_space<vmem>> -> memref<8x128xi32, #tpu.memory_space<vmem>>
      %dma_wait3A_51 = arith.constant 0 : i32
      %dma_wait3A_52 = tpu.memref_slice %arg4[%mul3A_4, %dma_wait3A_51] : memref<2560x128xi32, #tpu.memory_space<hbm>> -> memref<8x128xi32, #tpu.memory_space<hbm>>
      tpu.wait_dma2 semaphore(%run_scoped3A_29 : memref<!tpu.dma_semaphore, #tpu.memory_space<semaphore_mem>>) src(%dma_wait3A_52 : memref<8x128xi32, #tpu.memory_space<hbm>>) dst(%dma_wait3A_50 : memref<8x128xi32, #tpu.memory_space<vmem>>)
      tpu.yield
    }) : () -> ()
    %scan3A = arith.constant 0 : i32
    %scan3A_6 = arith.constant 0 : i32
    %scan3A_7 = arith.constant 10 : i32
    %scan3A_8 = arith.addi %scan3A_6, %scan3A_7 : i32
    %scan3A_9 = arith.constant 1 : i32
    scf.for %scan3A_29 = %scan3A_6 to %scan3A_8 step %scan3A_9  : i32 {
      %rem3A = arith.constant 2 : i32
      %rem3A_30 = arith.remsi %scan3A_29, %rem3A : i32
      %add3A_31 = arith.constant 1 : i32
      %add3A_32 = arith.addi %scan3A_29, %add3A_31 : i32
      %rem3A_33 = arith.constant 2 : i32
      %rem3A_34 = arith.remsi %add3A_32, %rem3A_33 : i32
      %lt3A = arith.constant 9 : i32
      %lt3A_35 = arith.cmpi slt, %scan3A_29, %lt3A : i32
      %convert_element_type3A = arith.extui %lt3A_35 : i1 to i32
      %cond3A = arith.constant 0 : i32
      %cond3A_36 = arith.cmpi ne, %convert_element_type3A, %cond3A : i32
      scf.if %cond3A_36 {
        %add3A_235 = arith.constant 1 : i32
        %add3A_236 = arith.addi %scan3A_29, %add3A_235 : i32
        %mul3A_237 = arith.constant 8 : i32
        %mul3A_238 = arith.muli %add3A_236, %mul3A_237 : i32
        %add3A_239 = arith.addi %mul3A_4, %mul3A_238 : i32
        %dma_start3A_240 = arith.constant 0 : i32
        %dma_start3A_241 = arith.constant 0 : i32
        %dma_start3A_242 = tpu.memref_slice %arg7[%rem3A_34, %dma_start3A_240, %dma_start3A_241] : memref<2x8x128xi32, #tpu.memory_space<vmem>> -> memref<1x8x128xi32, #tpu.memory_space<vmem>>
        %dma_start3A_243 = tpu.memref_squeeze %dma_start3A_242 : memref<1x8x128xi32, #tpu.memory_space<vmem>> -> memref<8x128xi32, #tpu.memory_space<vmem>>
        %dma_start3A_244 = arith.constant 0 : i32
        %dma_start3A_245 = tpu.memref_slice %arg3[%add3A_239, %dma_start3A_244] : memref<2560x128xi32, #tpu.memory_space<hbm>> -> memref<8x128xi32, #tpu.memory_space<hbm>>
        %dma_start3A_246 = arith.constant 0 : i32
        %dma_start3A_247 = arith.constant 0 : i32
        %dma_start3A_248 = tpu.memref_slice %arg7[%rem3A_34, %dma_start3A_246, %dma_start3A_247] : memref<2x8x128xi32, #tpu.memory_space<vmem>> -> memref<1x8x128xi32, #tpu.memory_space<vmem>>
        %dma_start3A_249 = tpu.memref_squeeze %dma_start3A_248 : memref<1x8x128xi32, #tpu.memory_space<vmem>> -> memref<8x128xi32, #tpu.memory_space<vmem>>
        %dma_start3A_250 = arith.constant 0 : i32
        %dma_start3A_251 = tpu.memref_slice %arg3[%add3A_239, %dma_start3A_250] : memref<2560x128xi32, #tpu.memory_space<hbm>> -> memref<8x128xi32, #tpu.memory_space<hbm>>
        tpu.enqueue_dma source(%dma_start3A_251 : memref<8x128xi32, #tpu.memory_space<hbm>>) target(%dma_start3A_249 : memref<8x128xi32, #tpu.memory_space<vmem>>) target_semaphore(%arg16 : memref<!tpu.dma_semaphore, #tpu.memory_space<semaphore_mem>>)
        %dma_start3A_252 = arith.constant 0 : i32
        %dma_start3A_253 = arith.constant 0 : i32
        %dma_start3A_254 = tpu.memref_slice %arg8[%rem3A_34, %dma_start3A_252, %dma_start3A_253] : memref<2x8x128xi32, #tpu.memory_space<vmem>> -> memref<1x8x128xi32, #tpu.memory_space<vmem>>
        %dma_start3A_255 = tpu.memref_squeeze %dma_start3A_254 : memref<1x8x128xi32, #tpu.memory_space<vmem>> -> memref<8x128xi32, #tpu.memory_space<vmem>>
        %dma_start3A_256 = arith.constant 0 : i32
        %dma_start3A_257 = tpu.memref_slice %arg4[%add3A_239, %dma_start3A_256] : memref<2560x128xi32, #tpu.memory_space<hbm>> -> memref<8x128xi32, #tpu.memory_space<hbm>>
        %dma_start3A_258 = arith.constant 0 : i32
        %dma_start3A_259 = arith.constant 0 : i32
        %dma_start3A_260 = tpu.memref_slice %arg8[%rem3A_34, %dma_start3A_258, %dma_start3A_259] : memref<2x8x128xi32, #tpu.memory_space<vmem>> -> memref<1x8x128xi32, #tpu.memory_space<vmem>>
        %dma_start3A_261 = tpu.memref_squeeze %dma_start3A_260 : memref<1x8x128xi32, #tpu.memory_space<vmem>> -> memref<8x128xi32, #tpu.memory_space<vmem>>
        %dma_start3A_262 = arith.constant 0 : i32
        %dma_start3A_263 = tpu.memref_slice %arg4[%add3A_239, %dma_start3A_262] : memref<2560x128xi32, #tpu.memory_space<hbm>> -> memref<8x128xi32, #tpu.memory_space<hbm>>
        tpu.enqueue_dma source(%dma_start3A_263 : memref<8x128xi32, #tpu.memory_space<hbm>>) target(%dma_start3A_261 : memref<8x128xi32, #tpu.memory_space<vmem>>) target_semaphore(%arg16 : memref<!tpu.dma_semaphore, #tpu.memory_space<semaphore_mem>>)
      } else {
      }
      %gt3A = arith.constant 0 : i32
      %gt3A_37 = arith.cmpi sgt, %scan3A_29, %gt3A : i32
      %or3A = arith.constant false
      %or3A_38 = arith.ori %gt3A_37, %or3A : i1
      %convert_element_type3A_39 = arith.extui %or3A_38 : i1 to i32
      %cond3A_40 = arith.constant 0 : i32
      %cond3A_41 = arith.cmpi ne, %convert_element_type3A_39, %cond3A_40 : i32
      scf.if %cond3A_41 {
        %dma_wait3A_235 = arith.constant 0 : i32
        %dma_wait3A_236 = arith.constant 0 : i32
        %dma_wait3A_237 = tpu.memref_slice %arg8[%rem3A_30, %dma_wait3A_235, %dma_wait3A_236] : memref<2x8x128xi32, #tpu.memory_space<vmem>> -> memref<1x1x128xi32, #tpu.memory_space<vmem>>
        %dma_wait3A_238 = tpu.memref_squeeze %dma_wait3A_237 : memref<1x1x128xi32, #tpu.memory_space<vmem>> -> memref<128xi32, #tpu.memory_space<vmem>>
        %dma_wait3A_239 = arith.constant 0 : i32
        %dma_wait3A_240 = arith.constant 0 : i32
        %dma_wait3A_241 = tpu.memref_slice %arg11[%dma_wait3A_239, %dma_wait3A_240] : memref<10240x128xf32, #tpu.memory_space<vmem_shared>> -> memref<10240x128xf32, #tpu.memory_space<vmem_shared>>
        tpu.wait_indirect_dma semaphore(%arg14 : memref<!tpu.dma_semaphore, #tpu.memory_space<semaphore_mem>>) src(%arg9 : memref<128x128xf32, #tpu.memory_space<vmem>>) dst(%dma_wait3A_241 : memref<10240x128xf32, #tpu.memory_space<vmem_shared>>)
        %dma_wait3A_242 = arith.constant 1 : i32
        %dma_wait3A_243 = arith.constant 0 : i32
        %dma_wait3A_244 = tpu.memref_slice %arg8[%rem3A_30, %dma_wait3A_242, %dma_wait3A_243] : memref<2x8x128xi32, #tpu.memory_space<vmem>> -> memref<1x1x128xi32, #tpu.memory_space<vmem>>
        %dma_wait3A_245 = tpu.memref_squeeze %dma_wait3A_244 : memref<1x1x128xi32, #tpu.memory_space<vmem>> -> memref<128xi32, #tpu.memory_space<vmem>>
        %dma_wait3A_246 = arith.constant 0 : i32
        %dma_wait3A_247 = arith.constant 0 : i32
        %dma_wait3A_248 = tpu.memref_slice %arg11[%dma_wait3A_246, %dma_wait3A_247] : memref<10240x128xf32, #tpu.memory_space<vmem_shared>> -> memref<10240x128xf32, #tpu.memory_space<vmem_shared>>
        tpu.wait_indirect_dma semaphore(%arg15 : memref<!tpu.dma_semaphore, #tpu.memory_space<semaphore_mem>>) src(%arg10 : memref<128x128xf32, #tpu.memory_space<vmem>>) dst(%dma_wait3A_248 : memref<10240x128xf32, #tpu.memory_space<vmem_shared>>)
      } else {
      }
      %dma_start3A = arith.constant 0 : i32
      %dma_start3A_42 = arith.constant 0 : i32
      %dma_start3A_43 = tpu.memref_slice %arg7[%rem3A_30, %dma_start3A, %dma_start3A_42] : memref<2x8x128xi32, #tpu.memory_space<vmem>> -> memref<1x1x128xi32, #tpu.memory_space<vmem>>
      %dma_start3A_44 = tpu.memref_squeeze %dma_start3A_43 : memref<1x1x128xi32, #tpu.memory_space<vmem>> -> memref<128xi32, #tpu.memory_space<vmem>>
      %dma_start3A_45 = arith.constant 0 : i32
      %dma_start3A_46 = arith.constant 0 : i32
      %dma_start3A_47 = tpu.memref_slice %arg2[%dma_start3A_45, %dma_start3A_46] : memref<10240x128xf32, #tpu.memory_space<hbm>> -> memref<10240x128xf32, #tpu.memory_space<hbm>>
      tpu.enqueue_indirect_dma source(%dma_start3A_47 : memref<10240x128xf32, #tpu.memory_space<hbm>>) target(%arg9 : memref<128x128xf32, #tpu.memory_space<vmem>>) offsets(%dma_start3A_44 : memref<128xi32, #tpu.memory_space<vmem>>) semaphore(%arg12 : memref<!tpu.dma_semaphore, #tpu.memory_space<semaphore_mem>>)
      %dma_start3A_48 = arith.constant 1 : i32
      %dma_start3A_49 = arith.constant 0 : i32
      %dma_start3A_50 = tpu.memref_slice %arg7[%rem3A_30, %dma_start3A_48, %dma_start3A_49] : memref<2x8x128xi32, #tpu.memory_space<vmem>> -> memref<1x1x128xi32, #tpu.memory_space<vmem>>
      %dma_start3A_51 = tpu.memref_squeeze %dma_start3A_50 : memref<1x1x128xi32, #tpu.memory_space<vmem>> -> memref<128xi32, #tpu.memory_space<vmem>>
      %dma_start3A_52 = arith.constant 0 : i32
      %dma_start3A_53 = arith.constant 0 : i32
      %dma_start3A_54 = tpu.memref_slice %arg2[%dma_start3A_52, %dma_start3A_53] : memref<10240x128xf32, #tpu.memory_space<hbm>> -> memref<10240x128xf32, #tpu.memory_space<hbm>>
      tpu.enqueue_indirect_dma source(%dma_start3A_54 : memref<10240x128xf32, #tpu.memory_space<hbm>>) target(%arg10 : memref<128x128xf32, #tpu.memory_space<vmem>>) offsets(%dma_start3A_51 : memref<128xi32, #tpu.memory_space<vmem>>) semaphore(%arg13 : memref<!tpu.dma_semaphore, #tpu.memory_space<semaphore_mem>>)
      %dma_wait3A_55 = arith.constant 0 : i32
      %dma_wait3A_56 = arith.constant 0 : i32
      %dma_wait3A_57 = tpu.memref_slice %arg7[%rem3A_30, %dma_wait3A_55, %dma_wait3A_56] : memref<2x8x128xi32, #tpu.memory_space<vmem>> -> memref<1x1x128xi32, #tpu.memory_space<vmem>>
      %dma_wait3A_58 = tpu.memref_squeeze %dma_wait3A_57 : memref<1x1x128xi32, #tpu.memory_space<vmem>> -> memref<128xi32, #tpu.memory_space<vmem>>
      %dma_wait3A_59 = arith.constant 0 : i32
      %dma_wait3A_60 = arith.constant 0 : i32
      %dma_wait3A_61 = tpu.memref_slice %arg2[%dma_wait3A_59, %dma_wait3A_60] : memref<10240x128xf32, #tpu.memory_space<hbm>> -> memref<10240x128xf32, #tpu.memory_space<hbm>>
      tpu.wait_indirect_dma semaphore(%arg12 : memref<!tpu.dma_semaphore, #tpu.memory_space<semaphore_mem>>) src(%dma_wait3A_61 : memref<10240x128xf32, #tpu.memory_space<hbm>>) dst(%arg9 : memref<128x128xf32, #tpu.memory_space<vmem>>)
      %dma_start3A_62 = arith.constant 0 : i32
      %dma_start3A_63 = arith.constant 0 : i32
      %dma_start3A_64 = tpu.memref_slice %arg8[%rem3A_30, %dma_start3A_62, %dma_start3A_63] : memref<2x8x128xi32, #tpu.memory_space<vmem>> -> memref<1x1x128xi32, #tpu.memory_space<vmem>>
      %dma_start3A_65 = tpu.memref_squeeze %dma_start3A_64 : memref<1x1x128xi32, #tpu.memory_space<vmem>> -> memref<128xi32, #tpu.memory_space<vmem>>
      %dma_start3A_66 = arith.constant 0 : i32
      %dma_start3A_67 = arith.constant 0 : i32
      %dma_start3A_68 = tpu.memref_slice %arg11[%dma_start3A_66, %dma_start3A_67] : memref<10240x128xf32, #tpu.memory_space<vmem_shared>> -> memref<10240x128xf32, #tpu.memory_space<vmem_shared>>
      tpu.enqueue_indirect_dma source(%arg9 : memref<128x128xf32, #tpu.memory_space<vmem>>) target(%dma_start3A_68 : memref<10240x128xf32, #tpu.memory_space<vmem_shared>>) offsets(%dma_start3A_65 : memref<128xi32, #tpu.memory_space<vmem>>) semaphore(%arg14 : memref<!tpu.dma_semaphore, #tpu.memory_space<semaphore_mem>>) {add = true}
      %dma_wait3A_69 = arith.constant 1 : i32
      %dma_wait3A_70 = arith.constant 0 : i32
      %dma_wait3A_71 = tpu.memref_slice %arg7[%rem3A_30, %dma_wait3A_69, %dma_wait3A_70] : memref<2x8x128xi32, #tpu.memory_space<vmem>> -> memref<1x1x128xi32, #tpu.memory_space<vmem>>
      %dma_wait3A_72 = tpu.memref_squeeze %dma_wait3A_71 : memref<1x1x128xi32, #tpu.memory_space<vmem>> -> memref<128xi32, #tpu.memory_space<vmem>>
      %dma_wait3A_73 = arith.constant 0 : i32
      %dma_wait3A_74 = arith.constant 0 : i32
      %dma_wait3A_75 = tpu.memref_slice %arg2[%dma_wait3A_73, %dma_wait3A_74] : memref<10240x128xf32, #tpu.memory_space<hbm>> -> memref<10240x128xf32, #tpu.memory_space<hbm>>
      tpu.wait_indirect_dma semaphore(%arg13 : memref<!tpu.dma_semaphore, #tpu.memory_space<semaphore_mem>>) src(%dma_wait3A_75 : memref<10240x128xf32, #tpu.memory_space<hbm>>) dst(%arg10 : memref<128x128xf32, #tpu.memory_space<vmem>>)
      %dma_start3A_76 = arith.constant 1 : i32
      %dma_start3A_77 = arith.constant 0 : i32
      %dma_start3A_78 = tpu.memref_slice %arg8[%rem3A_30, %dma_start3A_76, %dma_start3A_77] : memref<2x8x128xi32, #tpu.memory_space<vmem>> -> memref<1x1x128xi32, #tpu.memory_space<vmem>>
      %dma_start3A_79 = tpu.memref_squeeze %dma_start3A_78 : memref<1x1x128xi32, #tpu.memory_space<vmem>> -> memref<128xi32, #tpu.memory_space<vmem>>
      %dma_start3A_80 = arith.constant 0 : i32
      %dma_start3A_81 = arith.constant 0 : i32
      %dma_start3A_82 = tpu.memref_slice %arg11[%dma_start3A_80, %dma_start3A_81] : memref<10240x128xf32, #tpu.memory_space<vmem_shared>> -> memref<10240x128xf32, #tpu.memory_space<vmem_shared>>
      tpu.enqueue_indirect_dma source(%arg10 : memref<128x128xf32, #tpu.memory_space<vmem>>) target(%dma_start3A_82 : memref<10240x128xf32, #tpu.memory_space<vmem_shared>>) offsets(%dma_start3A_79 : memref<128xi32, #tpu.memory_space<vmem>>) semaphore(%arg15 : memref<!tpu.dma_semaphore, #tpu.memory_space<semaphore_mem>>) {add = true}
      %gt3A_83 = arith.constant 0 : i32
      %gt3A_84 = arith.cmpi sgt, %scan3A_29, %gt3A_83 : i32
      %or3A_85 = arith.constant true
      %or3A_86 = arith.ori %gt3A_84, %or3A_85 : i1
      %convert_element_type3A_87 = arith.extui %or3A_86 : i1 to i32
      %cond3A_88 = arith.constant 0 : i32
      %cond3A_89 = arith.cmpi ne, %convert_element_type3A_87, %cond3A_88 : i32
      scf.if %cond3A_89 {
        %dma_wait3A_235 = arith.constant 2 : i32
        %dma_wait3A_236 = arith.constant 0 : i32
        %dma_wait3A_237 = tpu.memref_slice %arg8[%rem3A_30, %dma_wait3A_235, %dma_wait3A_236] : memref<2x8x128xi32, #tpu.memory_space<vmem>> -> memref<1x1x128xi32, #tpu.memory_space<vmem>>
        %dma_wait3A_238 = tpu.memref_squeeze %dma_wait3A_237 : memref<1x1x128xi32, #tpu.memory_space<vmem>> -> memref<128xi32, #tpu.memory_space<vmem>>
        %dma_wait3A_239 = arith.constant 0 : i32
        %dma_wait3A_240 = arith.constant 0 : i32
        %dma_wait3A_241 = tpu.memref_slice %arg11[%dma_wait3A_239, %dma_wait3A_240] : memref<10240x128xf32, #tpu.memory_space<vmem_shared>> -> memref<10240x128xf32, #tpu.memory_space<vmem_shared>>
        tpu.wait_indirect_dma semaphore(%arg14 : memref<!tpu.dma_semaphore, #tpu.memory_space<semaphore_mem>>) src(%arg9 : memref<128x128xf32, #tpu.memory_space<vmem>>) dst(%dma_wait3A_241 : memref<10240x128xf32, #tpu.memory_space<vmem_shared>>)
        %dma_wait3A_242 = arith.constant 3 : i32
        %dma_wait3A_243 = arith.constant 0 : i32
        %dma_wait3A_244 = tpu.memref_slice %arg8[%rem3A_30, %dma_wait3A_242, %dma_wait3A_243] : memref<2x8x128xi32, #tpu.memory_space<vmem>> -> memref<1x1x128xi32, #tpu.memory_space<vmem>>
        %dma_wait3A_245 = tpu.memref_squeeze %dma_wait3A_244 : memref<1x1x128xi32, #tpu.memory_space<vmem>> -> memref<128xi32, #tpu.memory_space<vmem>>
        %dma_wait3A_246 = arith.constant 0 : i32
        %dma_wait3A_247 = arith.constant 0 : i32
        %dma_wait3A_248 = tpu.memref_slice %arg11[%dma_wait3A_246, %dma_wait3A_247] : memref<10240x128xf32, #tpu.memory_space<vmem_shared>> -> memref<10240x128xf32, #tpu.memory_space<vmem_shared>>
        tpu.wait_indirect_dma semaphore(%arg15 : memref<!tpu.dma_semaphore, #tpu.memory_space<semaphore_mem>>) src(%arg10 : memref<128x128xf32, #tpu.memory_space<vmem>>) dst(%dma_wait3A_248 : memref<10240x128xf32, #tpu.memory_space<vmem_shared>>)
      } else {
      }
      %dma_start3A_90 = arith.constant 2 : i32
      %dma_start3A_91 = arith.constant 0 : i32
      %dma_start3A_92 = tpu.memref_slice %arg7[%rem3A_30, %dma_start3A_90, %dma_start3A_91] : memref<2x8x128xi32, #tpu.memory_space<vmem>> -> memref<1x1x128xi32, #tpu.memory_space<vmem>>
      %dma_start3A_93 = tpu.memref_squeeze %dma_start3A_92 : memref<1x1x128xi32, #tpu.memory_space<vmem>> -> memref<128xi32, #tpu.memory_space<vmem>>
      %dma_start3A_94 = arith.constant 0 : i32
      %dma_start3A_95 = arith.constant 0 : i32
      %dma_start3A_96 = tpu.memref_slice %arg2[%dma_start3A_94, %dma_start3A_95] : memref<10240x128xf32, #tpu.memory_space<hbm>> -> memref<10240x128xf32, #tpu.memory_space<hbm>>
      tpu.enqueue_indirect_dma source(%dma_start3A_96 : memref<10240x128xf32, #tpu.memory_space<hbm>>) target(%arg9 : memref<128x128xf32, #tpu.memory_space<vmem>>) offsets(%dma_start3A_93 : memref<128xi32, #tpu.memory_space<vmem>>) semaphore(%arg12 : memref<!tpu.dma_semaphore, #tpu.memory_space<semaphore_mem>>)
      %dma_start3A_97 = arith.constant 3 : i32
      %dma_start3A_98 = arith.constant 0 : i32
      %dma_start3A_99 = tpu.memref_slice %arg7[%rem3A_30, %dma_start3A_97, %dma_start3A_98] : memref<2x8x128xi32, #tpu.memory_space<vmem>> -> memref<1x1x128xi32, #tpu.memory_space<vmem>>
      %dma_start3A_100 = tpu.memref_squeeze %dma_start3A_99 : memref<1x1x128xi32, #tpu.memory_space<vmem>> -> memref<128xi32, #tpu.memory_space<vmem>>
      %dma_start3A_101 = arith.constant 0 : i32
      %dma_start3A_102 = arith.constant 0 : i32
      %dma_start3A_103 = tpu.memref_slice %arg2[%dma_start3A_101, %dma_start3A_102] : memref<10240x128xf32, #tpu.memory_space<hbm>> -> memref<10240x128xf32, #tpu.memory_space<hbm>>
      tpu.enqueue_indirect_dma source(%dma_start3A_103 : memref<10240x128xf32, #tpu.memory_space<hbm>>) target(%arg10 : memref<128x128xf32, #tpu.memory_space<vmem>>) offsets(%dma_start3A_100 : memref<128xi32, #tpu.memory_space<vmem>>) semaphore(%arg13 : memref<!tpu.dma_semaphore, #tpu.memory_space<semaphore_mem>>)
      %dma_wait3A_104 = arith.constant 2 : i32
      %dma_wait3A_105 = arith.constant 0 : i32
      %dma_wait3A_106 = tpu.memref_slice %arg7[%rem3A_30, %dma_wait3A_104, %dma_wait3A_105] : memref<2x8x128xi32, #tpu.memory_space<vmem>> -> memref<1x1x128xi32, #tpu.memory_space<vmem>>
      %dma_wait3A_107 = tpu.memref_squeeze %dma_wait3A_106 : memref<1x1x128xi32, #tpu.memory_space<vmem>> -> memref<128xi32, #tpu.memory_space<vmem>>
      %dma_wait3A_108 = arith.constant 0 : i32
      %dma_wait3A_109 = arith.constant 0 : i32
      %dma_wait3A_110 = tpu.memref_slice %arg2[%dma_wait3A_108, %dma_wait3A_109] : memref<10240x128xf32, #tpu.memory_space<hbm>> -> memref<10240x128xf32, #tpu.memory_space<hbm>>
      tpu.wait_indirect_dma semaphore(%arg12 : memref<!tpu.dma_semaphore, #tpu.memory_space<semaphore_mem>>) src(%dma_wait3A_110 : memref<10240x128xf32, #tpu.memory_space<hbm>>) dst(%arg9 : memref<128x128xf32, #tpu.memory_space<vmem>>)
      %dma_start3A_111 = arith.constant 2 : i32
      %dma_start3A_112 = arith.constant 0 : i32
      %dma_start3A_113 = tpu.memref_slice %arg8[%rem3A_30, %dma_start3A_111, %dma_start3A_112] : memref<2x8x128xi32, #tpu.memory_space<vmem>> -> memref<1x1x128xi32, #tpu.memory_space<vmem>>
      %dma_start3A_114 = tpu.memref_squeeze %dma_start3A_113 : memref<1x1x128xi32, #tpu.memory_space<vmem>> -> memref<128xi32, #tpu.memory_space<vmem>>
      %dma_start3A_115 = arith.constant 0 : i32
      %dma_start3A_116 = arith.constant 0 : i32
      %dma_start3A_117 = tpu.memref_slice %arg11[%dma_start3A_115, %dma_start3A_116] : memref<10240x128xf32, #tpu.memory_space<vmem_shared>> -> memref<10240x128xf32, #tpu.memory_space<vmem_shared>>
      tpu.enqueue_indirect_dma source(%arg9 : memref<128x128xf32, #tpu.memory_space<vmem>>) target(%dma_start3A_117 : memref<10240x128xf32, #tpu.memory_space<vmem_shared>>) offsets(%dma_start3A_114 : memref<128xi32, #tpu.memory_space<vmem>>) semaphore(%arg14 : memref<!tpu.dma_semaphore, #tpu.memory_space<semaphore_mem>>) {add = true}
      %dma_wait3A_118 = arith.constant 3 : i32
      %dma_wait3A_119 = arith.constant 0 : i32
      %dma_wait3A_120 = tpu.memref_slice %arg7[%rem3A_30, %dma_wait3A_118, %dma_wait3A_119] : memref<2x8x128xi32, #tpu.memory_space<vmem>> -> memref<1x1x128xi32, #tpu.memory_space<vmem>>
      %dma_wait3A_121 = tpu.memref_squeeze %dma_wait3A_120 : memref<1x1x128xi32, #tpu.memory_space<vmem>> -> memref<128xi32, #tpu.memory_space<vmem>>
      %dma_wait3A_122 = arith.constant 0 : i32
      %dma_wait3A_123 = arith.constant 0 : i32
      %dma_wait3A_124 = tpu.memref_slice %arg2[%dma_wait3A_122, %dma_wait3A_123] : memref<10240x128xf32, #tpu.memory_space<hbm>> -> memref<10240x128xf32, #tpu.memory_space<hbm>>
      tpu.wait_indirect_dma semaphore(%arg13 : memref<!tpu.dma_semaphore, #tpu.memory_space<semaphore_mem>>) src(%dma_wait3A_124 : memref<10240x128xf32, #tpu.memory_space<hbm>>) dst(%arg10 : memref<128x128xf32, #tpu.memory_space<vmem>>)
      %dma_start3A_125 = arith.constant 3 : i32
      %dma_start3A_126 = arith.constant 0 : i32
      %dma_start3A_127 = tpu.memref_slice %arg8[%rem3A_30, %dma_start3A_125, %dma_start3A_126] : memref<2x8x128xi32, #tpu.memory_space<vmem>> -> memref<1x1x128xi32, #tpu.memory_space<vmem>>
      %dma_start3A_128 = tpu.memref_squeeze %dma_start3A_127 : memref<1x1x128xi32, #tpu.memory_space<vmem>> -> memref<128xi32, #tpu.memory_space<vmem>>
      %dma_start3A_129 = arith.constant 0 : i32
      %dma_start3A_130 = arith.constant 0 : i32
      %dma_start3A_131 = tpu.memref_slice %arg11[%dma_start3A_129, %dma_start3A_130] : memref<10240x128xf32, #tpu.memory_space<vmem_shared>> -> memref<10240x128xf32, #tpu.memory_space<vmem_shared>>
      tpu.enqueue_indirect_dma source(%arg10 : memref<128x128xf32, #tpu.memory_space<vmem>>) target(%dma_start3A_131 : memref<10240x128xf32, #tpu.memory_space<vmem_shared>>) offsets(%dma_start3A_128 : memref<128xi32, #tpu.memory_space<vmem>>) semaphore(%arg15 : memref<!tpu.dma_semaphore, #tpu.memory_space<semaphore_mem>>) {add = true}
      %gt3A_132 = arith.constant 0 : i32
      %gt3A_133 = arith.cmpi sgt, %scan3A_29, %gt3A_132 : i32
      %or3A_134 = arith.constant true
      %or3A_135 = arith.ori %gt3A_133, %or3A_134 : i1
      %convert_element_type3A_136 = arith.extui %or3A_135 : i1 to i32
      %cond3A_137 = arith.constant 0 : i32
      %cond3A_138 = arith.cmpi ne, %convert_element_type3A_136, %cond3A_137 : i32
      scf.if %cond3A_138 {
        %dma_wait3A_235 = arith.constant 4 : i32
        %dma_wait3A_236 = arith.constant 0 : i32
        %dma_wait3A_237 = tpu.memref_slice %arg8[%rem3A_30, %dma_wait3A_235, %dma_wait3A_236] : memref<2x8x128xi32, #tpu.memory_space<vmem>> -> memref<1x1x128xi32, #tpu.memory_space<vmem>>
        %dma_wait3A_238 = tpu.memref_squeeze %dma_wait3A_237 : memref<1x1x128xi32, #tpu.memory_space<vmem>> -> memref<128xi32, #tpu.memory_space<vmem>>
        %dma_wait3A_239 = arith.constant 0 : i32
        %dma_wait3A_240 = arith.constant 0 : i32
        %dma_wait3A_241 = tpu.memref_slice %arg11[%dma_wait3A_239, %dma_wait3A_240] : memref<10240x128xf32, #tpu.memory_space<vmem_shared>> -> memref<10240x128xf32, #tpu.memory_space<vmem_shared>>
        tpu.wait_indirect_dma semaphore(%arg14 : memref<!tpu.dma_semaphore, #tpu.memory_space<semaphore_mem>>) src(%arg9 : memref<128x128xf32, #tpu.memory_space<vmem>>) dst(%dma_wait3A_241 : memref<10240x128xf32, #tpu.memory_space<vmem_shared>>)
        %dma_wait3A_242 = arith.constant 5 : i32
        %dma_wait3A_243 = arith.constant 0 : i32
        %dma_wait3A_244 = tpu.memref_slice %arg8[%rem3A_30, %dma_wait3A_242, %dma_wait3A_243] : memref<2x8x128xi32, #tpu.memory_space<vmem>> -> memref<1x1x128xi32, #tpu.memory_space<vmem>>
        %dma_wait3A_245 = tpu.memref_squeeze %dma_wait3A_244 : memref<1x1x128xi32, #tpu.memory_space<vmem>> -> memref<128xi32, #tpu.memory_space<vmem>>
        %dma_wait3A_246 = arith.constant 0 : i32
        %dma_wait3A_247 = arith.constant 0 : i32
        %dma_wait3A_248 = tpu.memref_slice %arg11[%dma_wait3A_246, %dma_wait3A_247] : memref<10240x128xf32, #tpu.memory_space<vmem_shared>> -> memref<10240x128xf32, #tpu.memory_space<vmem_shared>>
        tpu.wait_indirect_dma semaphore(%arg15 : memref<!tpu.dma_semaphore, #tpu.memory_space<semaphore_mem>>) src(%arg10 : memref<128x128xf32, #tpu.memory_space<vmem>>) dst(%dma_wait3A_248 : memref<10240x128xf32, #tpu.memory_space<vmem_shared>>)
      } else {
      }
      %dma_start3A_139 = arith.constant 4 : i32
      %dma_start3A_140 = arith.constant 0 : i32
      %dma_start3A_141 = tpu.memref_slice %arg7[%rem3A_30, %dma_start3A_139, %dma_start3A_140] : memref<2x8x128xi32, #tpu.memory_space<vmem>> -> memref<1x1x128xi32, #tpu.memory_space<vmem>>
      %dma_start3A_142 = tpu.memref_squeeze %dma_start3A_141 : memref<1x1x128xi32, #tpu.memory_space<vmem>> -> memref<128xi32, #tpu.memory_space<vmem>>
      %dma_start3A_143 = arith.constant 0 : i32
      %dma_start3A_144 = arith.constant 0 : i32
      %dma_start3A_145 = tpu.memref_slice %arg2[%dma_start3A_143, %dma_start3A_144] : memref<10240x128xf32, #tpu.memory_space<hbm>> -> memref<10240x128xf32, #tpu.memory_space<hbm>>
      tpu.enqueue_indirect_dma source(%dma_start3A_145 : memref<10240x128xf32, #tpu.memory_space<hbm>>) target(%arg9 : memref<128x128xf32, #tpu.memory_space<vmem>>) offsets(%dma_start3A_142 : memref<128xi32, #tpu.memory_space<vmem>>) semaphore(%arg12 : memref<!tpu.dma_semaphore, #tpu.memory_space<semaphore_mem>>)
      %dma_start3A_146 = arith.constant 5 : i32
      %dma_start3A_147 = arith.constant 0 : i32
      %dma_start3A_148 = tpu.memref_slice %arg7[%rem3A_30, %dma_start3A_146, %dma_start3A_147] : memref<2x8x128xi32, #tpu.memory_space<vmem>> -> memref<1x1x128xi32, #tpu.memory_space<vmem>>
      %dma_start3A_149 = tpu.memref_squeeze %dma_start3A_148 : memref<1x1x128xi32, #tpu.memory_space<vmem>> -> memref<128xi32, #tpu.memory_space<vmem>>
      %dma_start3A_150 = arith.constant 0 : i32
      %dma_start3A_151 = arith.constant 0 : i32
      %dma_start3A_152 = tpu.memref_slice %arg2[%dma_start3A_150, %dma_start3A_151] : memref<10240x128xf32, #tpu.memory_space<hbm>> -> memref<10240x128xf32, #tpu.memory_space<hbm>>
      tpu.enqueue_indirect_dma source(%dma_start3A_152 : memref<10240x128xf32, #tpu.memory_space<hbm>>) target(%arg10 : memref<128x128xf32, #tpu.memory_space<vmem>>) offsets(%dma_start3A_149 : memref<128xi32, #tpu.memory_space<vmem>>) semaphore(%arg13 : memref<!tpu.dma_semaphore, #tpu.memory_space<semaphore_mem>>)
      %dma_wait3A_153 = arith.constant 4 : i32
      %dma_wait3A_154 = arith.constant 0 : i32
      %dma_wait3A_155 = tpu.memref_slice %arg7[%rem3A_30, %dma_wait3A_153, %dma_wait3A_154] : memref<2x8x128xi32, #tpu.memory_space<vmem>> -> memref<1x1x128xi32, #tpu.memory_space<vmem>>
      %dma_wait3A_156 = tpu.memref_squeeze %dma_wait3A_155 : memref<1x1x128xi32, #tpu.memory_space<vmem>> -> memref<128xi32, #tpu.memory_space<vmem>>
      %dma_wait3A_157 = arith.constant 0 : i32
      %dma_wait3A_158 = arith.constant 0 : i32
      %dma_wait3A_159 = tpu.memref_slice %arg2[%dma_wait3A_157, %dma_wait3A_158] : memref<10240x128xf32, #tpu.memory_space<hbm>> -> memref<10240x128xf32, #tpu.memory_space<hbm>>
      tpu.wait_indirect_dma semaphore(%arg12 : memref<!tpu.dma_semaphore, #tpu.memory_space<semaphore_mem>>) src(%dma_wait3A_159 : memref<10240x128xf32, #tpu.memory_space<hbm>>) dst(%arg9 : memref<128x128xf32, #tpu.memory_space<vmem>>)
      %dma_start3A_160 = arith.constant 4 : i32
      %dma_start3A_161 = arith.constant 0 : i32
      %dma_start3A_162 = tpu.memref_slice %arg8[%rem3A_30, %dma_start3A_160, %dma_start3A_161] : memref<2x8x128xi32, #tpu.memory_space<vmem>> -> memref<1x1x128xi32, #tpu.memory_space<vmem>>
      %dma_start3A_163 = tpu.memref_squeeze %dma_start3A_162 : memref<1x1x128xi32, #tpu.memory_space<vmem>> -> memref<128xi32, #tpu.memory_space<vmem>>
      %dma_start3A_164 = arith.constant 0 : i32
      %dma_start3A_165 = arith.constant 0 : i32
      %dma_start3A_166 = tpu.memref_slice %arg11[%dma_start3A_164, %dma_start3A_165] : memref<10240x128xf32, #tpu.memory_space<vmem_shared>> -> memref<10240x128xf32, #tpu.memory_space<vmem_shared>>
      tpu.enqueue_indirect_dma source(%arg9 : memref<128x128xf32, #tpu.memory_space<vmem>>) target(%dma_start3A_166 : memref<10240x128xf32, #tpu.memory_space<vmem_shared>>) offsets(%dma_start3A_163 : memref<128xi32, #tpu.memory_space<vmem>>) semaphore(%arg14 : memref<!tpu.dma_semaphore, #tpu.memory_space<semaphore_mem>>) {add = true}
      %dma_wait3A_167 = arith.constant 5 : i32
      %dma_wait3A_168 = arith.constant 0 : i32
      %dma_wait3A_169 = tpu.memref_slice %arg7[%rem3A_30, %dma_wait3A_167, %dma_wait3A_168] : memref<2x8x128xi32, #tpu.memory_space<vmem>> -> memref<1x1x128xi32, #tpu.memory_space<vmem>>
      %dma_wait3A_170 = tpu.memref_squeeze %dma_wait3A_169 : memref<1x1x128xi32, #tpu.memory_space<vmem>> -> memref<128xi32, #tpu.memory_space<vmem>>
      %dma_wait3A_171 = arith.constant 0 : i32
      %dma_wait3A_172 = arith.constant 0 : i32
      %dma_wait3A_173 = tpu.memref_slice %arg2[%dma_wait3A_171, %dma_wait3A_172] : memref<10240x128xf32, #tpu.memory_space<hbm>> -> memref<10240x128xf32, #tpu.memory_space<hbm>>
      tpu.wait_indirect_dma semaphore(%arg13 : memref<!tpu.dma_semaphore, #tpu.memory_space<semaphore_mem>>) src(%dma_wait3A_173 : memref<10240x128xf32, #tpu.memory_space<hbm>>) dst(%arg10 : memref<128x128xf32, #tpu.memory_space<vmem>>)
      %dma_start3A_174 = arith.constant 5 : i32
      %dma_start3A_175 = arith.constant 0 : i32
      %dma_start3A_176 = tpu.memref_slice %arg8[%rem3A_30, %dma_start3A_174, %dma_start3A_175] : memref<2x8x128xi32, #tpu.memory_space<vmem>> -> memref<1x1x128xi32, #tpu.memory_space<vmem>>
      %dma_start3A_177 = tpu.memref_squeeze %dma_start3A_176 : memref<1x1x128xi32, #tpu.memory_space<vmem>> -> memref<128xi32, #tpu.memory_space<vmem>>
      %dma_start3A_178 = arith.constant 0 : i32
      %dma_start3A_179 = arith.constant 0 : i32
      %dma_start3A_180 = tpu.memref_slice %arg11[%dma_start3A_178, %dma_start3A_179] : memref<10240x128xf32, #tpu.memory_space<vmem_shared>> -> memref<10240x128xf32, #tpu.memory_space<vmem_shared>>
      tpu.enqueue_indirect_dma source(%arg10 : memref<128x128xf32, #tpu.memory_space<vmem>>) target(%dma_start3A_180 : memref<10240x128xf32, #tpu.memory_space<vmem_shared>>) offsets(%dma_start3A_177 : memref<128xi32, #tpu.memory_space<vmem>>) semaphore(%arg15 : memref<!tpu.dma_semaphore, #tpu.memory_space<semaphore_mem>>) {add = true}
      %gt3A_181 = arith.constant 0 : i32
      %gt3A_182 = arith.cmpi sgt, %scan3A_29, %gt3A_181 : i32
      %or3A_183 = arith.constant true
      %or3A_184 = arith.ori %gt3A_182, %or3A_183 : i1
      %convert_element_type3A_185 = arith.extui %or3A_184 : i1 to i32
      %cond3A_186 = arith.constant 0 : i32
      %cond3A_187 = arith.cmpi ne, %convert_element_type3A_185, %cond3A_186 : i32
      scf.if %cond3A_187 {
        %dma_wait3A_235 = arith.constant 6 : i32
        %dma_wait3A_236 = arith.constant 0 : i32
        %dma_wait3A_237 = tpu.memref_slice %arg8[%rem3A_30, %dma_wait3A_235, %dma_wait3A_236] : memref<2x8x128xi32, #tpu.memory_space<vmem>> -> memref<1x1x128xi32, #tpu.memory_space<vmem>>
        %dma_wait3A_238 = tpu.memref_squeeze %dma_wait3A_237 : memref<1x1x128xi32, #tpu.memory_space<vmem>> -> memref<128xi32, #tpu.memory_space<vmem>>
        %dma_wait3A_239 = arith.constant 0 : i32
        %dma_wait3A_240 = arith.constant 0 : i32
        %dma_wait3A_241 = tpu.memref_slice %arg11[%dma_wait3A_239, %dma_wait3A_240] : memref<10240x128xf32, #tpu.memory_space<vmem_shared>> -> memref<10240x128xf32, #tpu.memory_space<vmem_shared>>
        tpu.wait_indirect_dma semaphore(%arg14 : memref<!tpu.dma_semaphore, #tpu.memory_space<semaphore_mem>>) src(%arg9 : memref<128x128xf32, #tpu.memory_space<vmem>>) dst(%dma_wait3A_241 : memref<10240x128xf32, #tpu.memory_space<vmem_shared>>)
        %dma_wait3A_242 = arith.constant 7 : i32
        %dma_wait3A_243 = arith.constant 0 : i32
        %dma_wait3A_244 = tpu.memref_slice %arg8[%rem3A_30, %dma_wait3A_242, %dma_wait3A_243] : memref<2x8x128xi32, #tpu.memory_space<vmem>> -> memref<1x1x128xi32, #tpu.memory_space<vmem>>
        %dma_wait3A_245 = tpu.memref_squeeze %dma_wait3A_244 : memref<1x1x128xi32, #tpu.memory_space<vmem>> -> memref<128xi32, #tpu.memory_space<vmem>>
        %dma_wait3A_246 = arith.constant 0 : i32
        %dma_wait3A_247 = arith.constant 0 : i32
        %dma_wait3A_248 = tpu.memref_slice %arg11[%dma_wait3A_246, %dma_wait3A_247] : memref<10240x128xf32, #tpu.memory_space<vmem_shared>> -> memref<10240x128xf32, #tpu.memory_space<vmem_shared>>
        tpu.wait_indirect_dma semaphore(%arg15 : memref<!tpu.dma_semaphore, #tpu.memory_space<semaphore_mem>>) src(%arg10 : memref<128x128xf32, #tpu.memory_space<vmem>>) dst(%dma_wait3A_248 : memref<10240x128xf32, #tpu.memory_space<vmem_shared>>)
      } else {
      }
      %dma_start3A_188 = arith.constant 6 : i32
      %dma_start3A_189 = arith.constant 0 : i32
      %dma_start3A_190 = tpu.memref_slice %arg7[%rem3A_30, %dma_start3A_188, %dma_start3A_189] : memref<2x8x128xi32, #tpu.memory_space<vmem>> -> memref<1x1x128xi32, #tpu.memory_space<vmem>>
      %dma_start3A_191 = tpu.memref_squeeze %dma_start3A_190 : memref<1x1x128xi32, #tpu.memory_space<vmem>> -> memref<128xi32, #tpu.memory_space<vmem>>
      %dma_start3A_192 = arith.constant 0 : i32
      %dma_start3A_193 = arith.constant 0 : i32
      %dma_start3A_194 = tpu.memref_slice %arg2[%dma_start3A_192, %dma_start3A_193] : memref<10240x128xf32, #tpu.memory_space<hbm>> -> memref<10240x128xf32, #tpu.memory_space<hbm>>
      tpu.enqueue_indirect_dma source(%dma_start3A_194 : memref<10240x128xf32, #tpu.memory_space<hbm>>) target(%arg9 : memref<128x128xf32, #tpu.memory_space<vmem>>) offsets(%dma_start3A_191 : memref<128xi32, #tpu.memory_space<vmem>>) semaphore(%arg12 : memref<!tpu.dma_semaphore, #tpu.memory_space<semaphore_mem>>)
      %dma_start3A_195 = arith.constant 7 : i32
      %dma_start3A_196 = arith.constant 0 : i32
      %dma_start3A_197 = tpu.memref_slice %arg7[%rem3A_30, %dma_start3A_195, %dma_start3A_196] : memref<2x8x128xi32, #tpu.memory_space<vmem>> -> memref<1x1x128xi32, #tpu.memory_space<vmem>>
      %dma_start3A_198 = tpu.memref_squeeze %dma_start3A_197 : memref<1x1x128xi32, #tpu.memory_space<vmem>> -> memref<128xi32, #tpu.memory_space<vmem>>
      %dma_start3A_199 = arith.constant 0 : i32
      %dma_start3A_200 = arith.constant 0 : i32
      %dma_start3A_201 = tpu.memref_slice %arg2[%dma_start3A_199, %dma_start3A_200] : memref<10240x128xf32, #tpu.memory_space<hbm>> -> memref<10240x128xf32, #tpu.memory_space<hbm>>
      tpu.enqueue_indirect_dma source(%dma_start3A_201 : memref<10240x128xf32, #tpu.memory_space<hbm>>) target(%arg10 : memref<128x128xf32, #tpu.memory_space<vmem>>) offsets(%dma_start3A_198 : memref<128xi32, #tpu.memory_space<vmem>>) semaphore(%arg13 : memref<!tpu.dma_semaphore, #tpu.memory_space<semaphore_mem>>)
      %dma_wait3A_202 = arith.constant 6 : i32
      %dma_wait3A_203 = arith.constant 0 : i32
      %dma_wait3A_204 = tpu.memref_slice %arg7[%rem3A_30, %dma_wait3A_202, %dma_wait3A_203] : memref<2x8x128xi32, #tpu.memory_space<vmem>> -> memref<1x1x128xi32, #tpu.memory_space<vmem>>
      %dma_wait3A_205 = tpu.memref_squeeze %dma_wait3A_204 : memref<1x1x128xi32, #tpu.memory_space<vmem>> -> memref<128xi32, #tpu.memory_space<vmem>>
      %dma_wait3A_206 = arith.constant 0 : i32
      %dma_wait3A_207 = arith.constant 0 : i32
      %dma_wait3A_208 = tpu.memref_slice %arg2[%dma_wait3A_206, %dma_wait3A_207] : memref<10240x128xf32, #tpu.memory_space<hbm>> -> memref<10240x128xf32, #tpu.memory_space<hbm>>
      tpu.wait_indirect_dma semaphore(%arg12 : memref<!tpu.dma_semaphore, #tpu.memory_space<semaphore_mem>>) src(%dma_wait3A_208 : memref<10240x128xf32, #tpu.memory_space<hbm>>) dst(%arg9 : memref<128x128xf32, #tpu.memory_space<vmem>>)
      %dma_start3A_209 = arith.constant 6 : i32
      %dma_start3A_210 = arith.constant 0 : i32
      %dma_start3A_211 = tpu.memref_slice %arg8[%rem3A_30, %dma_start3A_209, %dma_start3A_210] : memref<2x8x128xi32, #tpu.memory_space<vmem>> -> memref<1x1x128xi32, #tpu.memory_space<vmem>>
      %dma_start3A_212 = tpu.memref_squeeze %dma_start3A_211 : memref<1x1x128xi32, #tpu.memory_space<vmem>> -> memref<128xi32, #tpu.memory_space<vmem>>
      %dma_start3A_213 = arith.constant 0 : i32
      %dma_start3A_214 = arith.constant 0 : i32
      %dma_start3A_215 = tpu.memref_slice %arg11[%dma_start3A_213, %dma_start3A_214] : memref<10240x128xf32, #tpu.memory_space<vmem_shared>> -> memref<10240x128xf32, #tpu.memory_space<vmem_shared>>
      tpu.enqueue_indirect_dma source(%arg9 : memref<128x128xf32, #tpu.memory_space<vmem>>) target(%dma_start3A_215 : memref<10240x128xf32, #tpu.memory_space<vmem_shared>>) offsets(%dma_start3A_212 : memref<128xi32, #tpu.memory_space<vmem>>) semaphore(%arg14 : memref<!tpu.dma_semaphore, #tpu.memory_space<semaphore_mem>>) {add = true}
      %dma_wait3A_216 = arith.constant 7 : i32
      %dma_wait3A_217 = arith.constant 0 : i32
      %dma_wait3A_218 = tpu.memref_slice %arg7[%rem3A_30, %dma_wait3A_216, %dma_wait3A_217] : memref<2x8x128xi32, #tpu.memory_space<vmem>> -> memref<1x1x128xi32, #tpu.memory_space<vmem>>
      %dma_wait3A_219 = tpu.memref_squeeze %dma_wait3A_218 : memref<1x1x128xi32, #tpu.memory_space<vmem>> -> memref<128xi32, #tpu.memory_space<vmem>>
      %dma_wait3A_220 = arith.constant 0 : i32
      %dma_wait3A_221 = arith.constant 0 : i32
      %dma_wait3A_222 = tpu.memref_slice %arg2[%dma_wait3A_220, %dma_wait3A_221] : memref<10240x128xf32, #tpu.memory_space<hbm>> -> memref<10240x128xf32, #tpu.memory_space<hbm>>
      tpu.wait_indirect_dma semaphore(%arg13 : memref<!tpu.dma_semaphore, #tpu.memory_space<semaphore_mem>>) src(%dma_wait3A_222 : memref<10240x128xf32, #tpu.memory_space<hbm>>) dst(%arg10 : memref<128x128xf32, #tpu.memory_space<vmem>>)
      %dma_start3A_223 = arith.constant 7 : i32
      %dma_start3A_224 = arith.constant 0 : i32
      %dma_start3A_225 = tpu.memref_slice %arg8[%rem3A_30, %dma_start3A_223, %dma_start3A_224] : memref<2x8x128xi32, #tpu.memory_space<vmem>> -> memref<1x1x128xi32, #tpu.memory_space<vmem>>
      %dma_start3A_226 = tpu.memref_squeeze %dma_start3A_225 : memref<1x1x128xi32, #tpu.memory_space<vmem>> -> memref<128xi32, #tpu.memory_space<vmem>>
      %dma_start3A_227 = arith.constant 0 : i32
      %dma_start3A_228 = arith.constant 0 : i32
      %dma_start3A_229 = tpu.memref_slice %arg11[%dma_start3A_227, %dma_start3A_228] : memref<10240x128xf32, #tpu.memory_space<vmem_shared>> -> memref<10240x128xf32, #tpu.memory_space<vmem_shared>>
      tpu.enqueue_indirect_dma source(%arg10 : memref<128x128xf32, #tpu.memory_space<vmem>>) target(%dma_start3A_229 : memref<10240x128xf32, #tpu.memory_space<vmem_shared>>) offsets(%dma_start3A_226 : memref<128xi32, #tpu.memory_space<vmem>>) semaphore(%arg15 : memref<!tpu.dma_semaphore, #tpu.memory_space<semaphore_mem>>) {add = true}
      %lt3A_230 = arith.constant 9 : i32
      %lt3A_231 = arith.cmpi slt, %scan3A_29, %lt3A_230 : i32
      %convert_element_type3A_232 = arith.extui %lt3A_231 : i1 to i32
      %cond3A_233 = arith.constant 0 : i32
      %cond3A_234 = arith.cmpi ne, %convert_element_type3A_232, %cond3A_233 : i32
      scf.if %cond3A_234 {
        %add3A_235 = arith.constant 1 : i32
        %add3A_236 = arith.addi %scan3A_29, %add3A_235 : i32
        %mul3A_237 = arith.constant 8 : i32
        %mul3A_238 = arith.muli %add3A_236, %mul3A_237 : i32
        %add3A_239 = arith.addi %mul3A_4, %mul3A_238 : i32
        %dma_wait3A_240 = arith.constant 0 : i32
        %dma_wait3A_241 = arith.constant 0 : i32
        %dma_wait3A_242 = tpu.memref_slice %arg7[%rem3A_34, %dma_wait3A_240, %dma_wait3A_241] : memref<2x8x128xi32, #tpu.memory_space<vmem>> -> memref<1x8x128xi32, #tpu.memory_space<vmem>>
        %dma_wait3A_243 = tpu.memref_squeeze %dma_wait3A_242 : memref<1x8x128xi32, #tpu.memory_space<vmem>> -> memref<8x128xi32, #tpu.memory_space<vmem>>
        %dma_wait3A_244 = arith.constant 0 : i32
        %dma_wait3A_245 = tpu.memref_slice %arg3[%add3A_239, %dma_wait3A_244] : memref<2560x128xi32, #tpu.memory_space<hbm>> -> memref<8x128xi32, #tpu.memory_space<hbm>>
        %dma_wait3A_246 = arith.constant 0 : i32
        %dma_wait3A_247 = arith.constant 0 : i32
        %dma_wait3A_248 = tpu.memref_slice %arg7[%rem3A_34, %dma_wait3A_246, %dma_wait3A_247] : memref<2x8x128xi32, #tpu.memory_space<vmem>> -> memref<1x8x128xi32, #tpu.memory_space<vmem>>
        %dma_wait3A_249 = tpu.memref_squeeze %dma_wait3A_248 : memref<1x8x128xi32, #tpu.memory_space<vmem>> -> memref<8x128xi32, #tpu.memory_space<vmem>>
        %dma_wait3A_250 = arith.constant 0 : i32
        %dma_wait3A_251 = tpu.memref_slice %arg3[%add3A_239, %dma_wait3A_250] : memref<2560x128xi32, #tpu.memory_space<hbm>> -> memref<8x128xi32, #tpu.memory_space<hbm>>
        tpu.wait_dma2 semaphore(%arg16 : memref<!tpu.dma_semaphore, #tpu.memory_space<semaphore_mem>>) src(%dma_wait3A_251 : memref<8x128xi32, #tpu.memory_space<hbm>>) dst(%dma_wait3A_249 : memref<8x128xi32, #tpu.memory_space<vmem>>)
        %dma_wait3A_252 = arith.constant 0 : i32
        %dma_wait3A_253 = arith.constant 0 : i32
        %dma_wait3A_254 = tpu.memref_slice %arg8[%rem3A_34, %dma_wait3A_252, %dma_wait3A_253] : memref<2x8x128xi32, #tpu.memory_space<vmem>> -> memref<1x8x128xi32, #tpu.memory_space<vmem>>
        %dma_wait3A_255 = tpu.memref_squeeze %dma_wait3A_254 : memref<1x8x128xi32, #tpu.memory_space<vmem>> -> memref<8x128xi32, #tpu.memory_space<vmem>>
        %dma_wait3A_256 = arith.constant 0 : i32
        %dma_wait3A_257 = tpu.memref_slice %arg4[%add3A_239, %dma_wait3A_256] : memref<2560x128xi32, #tpu.memory_space<hbm>> -> memref<8x128xi32, #tpu.memory_space<hbm>>
        %dma_wait3A_258 = arith.constant 0 : i32
        %dma_wait3A_259 = arith.constant 0 : i32
        %dma_wait3A_260 = tpu.memref_slice %arg8[%rem3A_34, %dma_wait3A_258, %dma_wait3A_259] : memref<2x8x128xi32, #tpu.memory_space<vmem>> -> memref<1x8x128xi32, #tpu.memory_space<vmem>>
        %dma_wait3A_261 = tpu.memref_squeeze %dma_wait3A_260 : memref<1x8x128xi32, #tpu.memory_space<vmem>> -> memref<8x128xi32, #tpu.memory_space<vmem>>
        %dma_wait3A_262 = arith.constant 0 : i32
        %dma_wait3A_263 = tpu.memref_slice %arg4[%add3A_239, %dma_wait3A_262] : memref<2560x128xi32, #tpu.memory_space<hbm>> -> memref<8x128xi32, #tpu.memory_space<hbm>>
        tpu.wait_dma2 semaphore(%arg16 : memref<!tpu.dma_semaphore, #tpu.memory_space<semaphore_mem>>) src(%dma_wait3A_263 : memref<8x128xi32, #tpu.memory_space<hbm>>) dst(%dma_wait3A_261 : memref<8x128xi32, #tpu.memory_space<vmem>>)
      } else {
      }
    }
    %scan3A_10 = arith.constant 10 : i32
    %dma_wait3A = arith.constant 0 : i32
    %dma_wait3A_11 = arith.constant 0 : i32
    %dma_wait3A_12 = arith.constant 0 : i32
    %dma_wait3A_13 = tpu.memref_slice %arg8[%dma_wait3A, %dma_wait3A_11, %dma_wait3A_12] : memref<2x8x128xi32, #tpu.memory_space<vmem>> -> memref<1x1x128xi32, #tpu.memory_space<vmem>>
    %dma_wait3A_14 = tpu.memref_squeeze %dma_wait3A_13 : memref<1x1x128xi32, #tpu.memory_space<vmem>> -> memref<128xi32, #tpu.memory_space<vmem>>
    %dma_wait3A_15 = arith.constant 0 : i32
    %dma_wait3A_16 = arith.constant 0 : i32
    %dma_wait3A_17 = tpu.memref_slice %arg11[%dma_wait3A_15, %dma_wait3A_16] : memref<10240x128xf32, #tpu.memory_space<vmem_shared>> -> memref<10240x128xf32, #tpu.memory_space<vmem_shared>>
    tpu.wait_indirect_dma semaphore(%arg14 : memref<!tpu.dma_semaphore, #tpu.memory_space<semaphore_mem>>) src(%arg9 : memref<128x128xf32, #tpu.memory_space<vmem>>) dst(%dma_wait3A_17 : memref<10240x128xf32, #tpu.memory_space<vmem_shared>>)
    %dma_wait3A_18 = arith.constant 0 : i32
    %dma_wait3A_19 = arith.constant 1 : i32
    %dma_wait3A_20 = arith.constant 0 : i32
    %dma_wait3A_21 = tpu.memref_slice %arg8[%dma_wait3A_18, %dma_wait3A_19, %dma_wait3A_20] : memref<2x8x128xi32, #tpu.memory_space<vmem>> -> memref<1x1x128xi32, #tpu.memory_space<vmem>>
    %dma_wait3A_22 = tpu.memref_squeeze %dma_wait3A_21 : memref<1x1x128xi32, #tpu.memory_space<vmem>> -> memref<128xi32, #tpu.memory_space<vmem>>
    %dma_wait3A_23 = arith.constant 0 : i32
    %dma_wait3A_24 = arith.constant 0 : i32
    %dma_wait3A_25 = tpu.memref_slice %arg11[%dma_wait3A_23, %dma_wait3A_24] : memref<10240x128xf32, #tpu.memory_space<vmem_shared>> -> memref<10240x128xf32, #tpu.memory_space<vmem_shared>>
    tpu.wait_indirect_dma semaphore(%arg15 : memref<!tpu.dma_semaphore, #tpu.memory_space<semaphore_mem>>) src(%arg10 : memref<128x128xf32, #tpu.memory_space<vmem>>) dst(%dma_wait3A_25 : memref<10240x128xf32, #tpu.memory_space<vmem_shared>>)
    %barrier3A_26 = arith.constant 0 : index
    tpu.barrier barrier_id(%barrier3A_26)
    %mul3A_27 = arith.constant 640 : i32
    %mul3A_28 = arith.muli %arg1, %mul3A_27 : i32
    "tpu.region"() ({
      %run_scoped3A_29 = tpu.sem_alloc : memref<!tpu.dma_semaphore, #tpu.memory_space<semaphore_mem>>
      %dma_start3A = arith.constant 0 : i32
      %dma_start3A_30 = tpu.memref_slice %arg6[%arg0, %mul3A_28, %dma_start3A] : memref<2x10240x128xf32, #tpu.memory_space<hbm>> -> memref<1x640x128xf32, #tpu.memory_space<hbm>>
      %dma_start3A_31 = tpu.memref_squeeze %dma_start3A_30 : memref<1x640x128xf32, #tpu.memory_space<hbm>> -> memref<640x128xf32, #tpu.memory_space<hbm>>
      %dma_start3A_32 = arith.constant 0 : i32
      %dma_start3A_33 = tpu.memref_slice %arg11[%mul3A_28, %dma_start3A_32] : memref<10240x128xf32, #tpu.memory_space<vmem_shared>> -> memref<640x128xf32, #tpu.memory_space<vmem_shared>>
      tpu.enqueue_dma source(%dma_start3A_33 : memref<640x128xf32, #tpu.memory_space<vmem_shared>>) target(%dma_start3A_31 : memref<640x128xf32, #tpu.memory_space<hbm>>) target_semaphore(%run_scoped3A_29 : memref<!tpu.dma_semaphore, #tpu.memory_space<semaphore_mem>>)
      %dma_wait3A_34 = arith.constant 0 : i32
      %dma_wait3A_35 = tpu.memref_slice %arg6[%arg0, %mul3A_28, %dma_wait3A_34] : memref<2x10240x128xf32, #tpu.memory_space<hbm>> -> memref<1x640x128xf32, #tpu.memory_space<hbm>>
      %dma_wait3A_36 = tpu.memref_squeeze %dma_wait3A_35 : memref<1x640x128xf32, #tpu.memory_space<hbm>> -> memref<640x128xf32, #tpu.memory_space<hbm>>
      %dma_wait3A_37 = arith.constant 0 : i32
      %dma_wait3A_38 = tpu.memref_slice %arg11[%mul3A_28, %dma_wait3A_37] : memref<10240x128xf32, #tpu.memory_space<vmem_shared>> -> memref<640x128xf32, #tpu.memory_space<vmem_shared>>
      tpu.wait_dma2 semaphore(%run_scoped3A_29 : memref<!tpu.dma_semaphore, #tpu.memory_space<semaphore_mem>>) src(%dma_wait3A_38 : memref<640x128xf32, #tpu.memory_space<vmem_shared>>) dst(%dma_wait3A_36 : memref<640x128xf32, #tpu.memory_space<hbm>>)
      tpu.yield
    }) : () -> ()
    return
  }
}

#map = affine_map<(d0, d1) -> (0, 0)>
#map1 = affine_map<(d0, d1) -> (0, 0, 0)>
module attributes {stable_mosaic.version = 14 : i64} {
  func.func @_sc_scatter(%arg0: i32, %arg1: i32, %arg2: memref<10240x128xf32, #tpu.memory_space<hbm>>, %arg3: memref<2560x128xi32, #tpu.memory_space<hbm>>, %arg4: memref<2560x128xi32, #tpu.memory_space<hbm>>, %arg5: memref<640x128xf32, #tpu.memory_space<hbm>>, %arg6: memref<2x10240x128xf32, #tpu.memory_space<hbm>>, %arg7: memref<2x8x128xi32, #tpu.memory_space<vmem>>, %arg8: memref<2x8x128xi32, #tpu.memory_space<vmem>>, %arg9: memref<128x128xf32, #tpu.memory_space<vmem>>, %arg10: memref<128x128xf32, #tpu.memory_space<vmem>>, %arg11: memref<10240x128xf32, #tpu.memory_space<vmem_shared>>, %arg12: memref<!tpu.dma_semaphore, #tpu.memory_space<semaphore_mem>>, %arg13: memref<!tpu.dma_semaphore, #tpu.memory_space<semaphore_mem>>, %arg14: memref<!tpu.dma_semaphore, #tpu.memory_space<semaphore_mem>>, %arg15: memref<!tpu.dma_semaphore, #tpu.memory_space<semaphore_mem>>, %arg16: memref<!tpu.dma_semaphore, #tpu.memory_space<semaphore_mem>>) attributes {dimension_semantics = [#tpu.dimension_semantics<core_parallel>, #tpu.dimension_semantics<subcore_parallel>], iteration_bounds = array<i64: 2, 16>, scalar_prefetch = 0 : i64, scratch_operands = 10 : i64, tpu.core_type = #tpu.core_type<sc_vector_subcore>, window_params = [{transform_indices = #map}, {transform_indices = #map}, {transform_indices = #map}, {transform_indices = #map}, {transform_indices = #map1}]} {
    %mul3A = arith.constant 2 : i32
    %mul3A_0 = arith.muli %arg1, %mul3A : i32
    %add3A = arith.addi %mul3A_0, %arg0 : i32
    %mul3A_1 = arith.constant 640 : i32
    %mul3A_2 = arith.muli %arg1, %mul3A_1 : i32
    "tpu.region"() ({
      %run_scoped3A_29 = tpu.sem_alloc : memref<!tpu.dma_semaphore, #tpu.memory_space<semaphore_mem>>
      %dma_start3A = arith.constant 0 : i32
      %dma_start3A_30 = tpu.memref_slice %arg11[%mul3A_2, %dma_start3A] : memref<10240x128xf32, #tpu.memory_space<vmem_shared>> -> memref<640x128xf32, #tpu.memory_space<vmem_shared>>
      tpu.enqueue_dma source(%arg5 : memref<640x128xf32, #tpu.memory_space<hbm>>) target(%dma_start3A_30 : memref<640x128xf32, #tpu.memory_space<vmem_shared>>) target_semaphore(%run_scoped3A_29 : memref<!tpu.dma_semaphore, #tpu.memory_space<semaphore_mem>>)
      %dma_wait3A_31 = arith.constant 0 : i32
      %dma_wait3A_32 = tpu.memref_slice %arg11[%mul3A_2, %dma_wait3A_31] : memref<10240x128xf32, #tpu.memory_space<vmem_shared>> -> memref<640x128xf32, #tpu.memory_space<vmem_shared>>
      tpu.wait_dma2 semaphore(%run_scoped3A_29 : memref<!tpu.dma_semaphore, #tpu.memory_space<semaphore_mem>>) src(%arg5 : memref<640x128xf32, #tpu.memory_space<hbm>>) dst(%dma_wait3A_32 : memref<640x128xf32, #tpu.memory_space<vmem_shared>>)
      tpu.yield
    }) : () -> ()
    %barrier3A = arith.constant 0 : index
    tpu.barrier barrier_id(%barrier3A)
    %mul3A_3 = arith.constant 80 : i32
    %mul3A_4 = arith.muli %add3A, %mul3A_3 : i32
    %run_scoped3A = arith.constant 0 : i32
    "tpu.region"() ({
      %run_scoped3A_29 = tpu.sem_alloc : memref<!tpu.dma_semaphore, #tpu.memory_space<semaphore_mem>>
      %dma_start3A = arith.constant 0 : i32
      %dma_start3A_30 = arith.constant 0 : i32
      %dma_start3A_31 = tpu.memref_slice %arg7[%run_scoped3A, %dma_start3A, %dma_start3A_30] : memref<2x8x128xi32, #tpu.memory_space<vmem>> -> memref<1x8x128xi32, #tpu.memory_space<vmem>>
      %dma_start3A_32 = tpu.memref_squeeze %dma_start3A_31 : memref<1x8x128xi32, #tpu.memory_space<vmem>> -> memref<8x128xi32, #tpu.memory_space<vmem>>
      %dma_start3A_33 = arith.constant 0 : i32
      %dma_start3A_34 = tpu.memref_slice %arg3[%mul3A_4, %dma_start3A_33] : memref<2560x128xi32, #tpu.memory_space<hbm>> -> memref<8x128xi32, #tpu.memory_space<hbm>>
      %dma_start3A_35 = arith.constant 0 : i32
      %dma_start3A_36 = arith.constant 0 : i32
      %dma_start3A_37 = tpu.memref_slice %arg7[%run_scoped3A, %dma_start3A_35, %dma_start3A_36] : memref<2x8x128xi32, #tpu.memory_space<vmem>> -> memref<1x8x128xi32, #tpu.memory_space<vmem>>
      %dma_start3A_38 = tpu.memref_squeeze %dma_start3A_37 : memref<1x8x128xi32, #tpu.memory_space<vmem>> -> memref<8x128xi32, #tpu.memory_space<vmem>>
      %dma_start3A_39 = arith.constant 0 : i32
      %dma_start3A_40 = tpu.memref_slice %arg3[%mul3A_4, %dma_start3A_39] : memref<2560x128xi32, #tpu.memory_space<hbm>> -> memref<8x128xi32, #tpu.memory_space<hbm>>
      tpu.enqueue_dma source(%dma_start3A_40 : memref<8x128xi32, #tpu.memory_space<hbm>>) target(%dma_start3A_38 : memref<8x128xi32, #tpu.memory_space<vmem>>) target_semaphore(%run_scoped3A_29 : memref<!tpu.dma_semaphore, #tpu.memory_space<semaphore_mem>>)
      %dma_wait3A_41 = arith.constant 0 : i32
      %dma_wait3A_42 = arith.constant 0 : i32
      %dma_wait3A_43 = tpu.memref_slice %arg7[%run_scoped3A, %dma_wait3A_41, %dma_wait3A_42] : memref<2x8x128xi32, #tpu.memory_space<vmem>> -> memref<1x8x128xi32, #tpu.memory_space<vmem>>
      %dma_wait3A_44 = tpu.memref_squeeze %dma_wait3A_43 : memref<1x8x128xi32, #tpu.memory_space<vmem>> -> memref<8x128xi32, #tpu.memory_space<vmem>>
      %dma_wait3A_45 = arith.constant 0 : i32
      %dma_wait3A_46 = tpu.memref_slice %arg3[%mul3A_4, %dma_wait3A_45] : memref<2560x128xi32, #tpu.memory_space<hbm>> -> memref<8x128xi32, #tpu.memory_space<hbm>>
      %dma_wait3A_47 = arith.constant 0 : i32
      %dma_wait3A_48 = arith.constant 0 : i32
      %dma_wait3A_49 = tpu.memref_slice %arg7[%run_scoped3A, %dma_wait3A_47, %dma_wait3A_48] : memref<2x8x128xi32, #tpu.memory_space<vmem>> -> memref<1x8x128xi32, #tpu.memory_space<vmem>>
      %dma_wait3A_50 = tpu.memref_squeeze %dma_wait3A_49 : memref<1x8x128xi32, #tpu.memory_space<vmem>> -> memref<8x128xi32, #tpu.memory_space<vmem>>
      %dma_wait3A_51 = arith.constant 0 : i32
      %dma_wait3A_52 = tpu.memref_slice %arg3[%mul3A_4, %dma_wait3A_51] : memref<2560x128xi32, #tpu.memory_space<hbm>> -> memref<8x128xi32, #tpu.memory_space<hbm>>
      tpu.wait_dma2 semaphore(%run_scoped3A_29 : memref<!tpu.dma_semaphore, #tpu.memory_space<semaphore_mem>>) src(%dma_wait3A_52 : memref<8x128xi32, #tpu.memory_space<hbm>>) dst(%dma_wait3A_50 : memref<8x128xi32, #tpu.memory_space<vmem>>)
      tpu.yield
    }) : () -> ()
    %run_scoped3A_5 = arith.constant 0 : i32
    "tpu.region"() ({
      %run_scoped3A_29 = tpu.sem_alloc : memref<!tpu.dma_semaphore, #tpu.memory_space<semaphore_mem>>
      %dma_start3A = arith.constant 0 : i32
      %dma_start3A_30 = arith.constant 0 : i32
      %dma_start3A_31 = tpu.memref_slice %arg8[%run_scoped3A_5, %dma_start3A, %dma_start3A_30] : memref<2x8x128xi32, #tpu.memory_space<vmem>> -> memref<1x8x128xi32, #tpu.memory_space<vmem>>
      %dma_start3A_32 = tpu.memref_squeeze %dma_start3A_31 : memref<1x8x128xi32, #tpu.memory_space<vmem>> -> memref<8x128xi32, #tpu.memory_space<vmem>>
      %dma_start3A_33 = arith.constant 0 : i32
      %dma_start3A_34 = tpu.memref_slice %arg4[%mul3A_4, %dma_start3A_33] : memref<2560x128xi32, #tpu.memory_space<hbm>> -> memref<8x128xi32, #tpu.memory_space<hbm>>
      %dma_start3A_35 = arith.constant 0 : i32
      %dma_start3A_36 = arith.constant 0 : i32
      %dma_start3A_37 = tpu.memref_slice %arg8[%run_scoped3A_5, %dma_start3A_35, %dma_start3A_36] : memref<2x8x128xi32, #tpu.memory_space<vmem>> -> memref<1x8x128xi32, #tpu.memory_space<vmem>>
      %dma_start3A_38 = tpu.memref_squeeze %dma_start3A_37 : memref<1x8x128xi32, #tpu.memory_space<vmem>> -> memref<8x128xi32, #tpu.memory_space<vmem>>
      %dma_start3A_39 = arith.constant 0 : i32
      %dma_start3A_40 = tpu.memref_slice %arg4[%mul3A_4, %dma_start3A_39] : memref<2560x128xi32, #tpu.memory_space<hbm>> -> memref<8x128xi32, #tpu.memory_space<hbm>>
      tpu.enqueue_dma source(%dma_start3A_40 : memref<8x128xi32, #tpu.memory_space<hbm>>) target(%dma_start3A_38 : memref<8x128xi32, #tpu.memory_space<vmem>>) target_semaphore(%run_scoped3A_29 : memref<!tpu.dma_semaphore, #tpu.memory_space<semaphore_mem>>)
      %dma_wait3A_41 = arith.constant 0 : i32
      %dma_wait3A_42 = arith.constant 0 : i32
      %dma_wait3A_43 = tpu.memref_slice %arg8[%run_scoped3A_5, %dma_wait3A_41, %dma_wait3A_42] : memref<2x8x128xi32, #tpu.memory_space<vmem>> -> memref<1x8x128xi32, #tpu.memory_space<vmem>>
      %dma_wait3A_44 = tpu.memref_squeeze %dma_wait3A_43 : memref<1x8x128xi32, #tpu.memory_space<vmem>> -> memref<8x128xi32, #tpu.memory_space<vmem>>
      %dma_wait3A_45 = arith.constant 0 : i32
      %dma_wait3A_46 = tpu.memref_slice %arg4[%mul3A_4, %dma_wait3A_45] : memref<2560x128xi32, #tpu.memory_space<hbm>> -> memref<8x128xi32, #tpu.memory_space<hbm>>
      %dma_wait3A_47 = arith.constant 0 : i32
      %dma_wait3A_48 = arith.constant 0 : i32
      %dma_wait3A_49 = tpu.memref_slice %arg8[%run_scoped3A_5, %dma_wait3A_47, %dma_wait3A_48] : memref<2x8x128xi32, #tpu.memory_space<vmem>> -> memref<1x8x128xi32, #tpu.memory_space<vmem>>
      %dma_wait3A_50 = tpu.memref_squeeze %dma_wait3A_49 : memref<1x8x128xi32, #tpu.memory_space<vmem>> -> memref<8x128xi32, #tpu.memory_space<vmem>>
      %dma_wait3A_51 = arith.constant 0 : i32
      %dma_wait3A_52 = tpu.memref_slice %arg4[%mul3A_4, %dma_wait3A_51] : memref<2560x128xi32, #tpu.memory_space<hbm>> -> memref<8x128xi32, #tpu.memory_space<hbm>>
      tpu.wait_dma2 semaphore(%run_scoped3A_29 : memref<!tpu.dma_semaphore, #tpu.memory_space<semaphore_mem>>) src(%dma_wait3A_52 : memref<8x128xi32, #tpu.memory_space<hbm>>) dst(%dma_wait3A_50 : memref<8x128xi32, #tpu.memory_space<vmem>>)
      tpu.yield
    }) : () -> ()
    %scan3A = arith.constant 0 : i32
    %scan3A_6 = arith.constant 0 : i32
    %scan3A_7 = arith.constant 10 : i32
    %scan3A_8 = arith.addi %scan3A_6, %scan3A_7 : i32
    %scan3A_9 = arith.constant 1 : i32
    scf.for %scan3A_29 = %scan3A_6 to %scan3A_8 step %scan3A_9  : i32 {
      %rem3A = arith.constant 2 : i32
      %rem3A_30 = arith.remsi %scan3A_29, %rem3A : i32
      %add3A_31 = arith.constant 1 : i32
      %add3A_32 = arith.addi %scan3A_29, %add3A_31 : i32
      %rem3A_33 = arith.constant 2 : i32
      %rem3A_34 = arith.remsi %add3A_32, %rem3A_33 : i32
      %lt3A = arith.constant 9 : i32
      %lt3A_35 = arith.cmpi slt, %scan3A_29, %lt3A : i32
      %convert_element_type3A = arith.extui %lt3A_35 : i1 to i32
      %cond3A = arith.constant 0 : i32
      %cond3A_36 = arith.cmpi ne, %convert_element_type3A, %cond3A : i32
      scf.if %cond3A_36 {
        %add3A_235 = arith.constant 1 : i32
        %add3A_236 = arith.addi %scan3A_29, %add3A_235 : i32
        %mul3A_237 = arith.constant 8 : i32
        %mul3A_238 = arith.muli %add3A_236, %mul3A_237 : i32
        %add3A_239 = arith.addi %mul3A_4, %mul3A_238 : i32
        %dma_start3A_240 = arith.constant 0 : i32
        %dma_start3A_241 = arith.constant 0 : i32
        %dma_start3A_242 = tpu.memref_slice %arg7[%rem3A_34, %dma_start3A_240, %dma_start3A_241] : memref<2x8x128xi32, #tpu.memory_space<vmem>> -> memref<1x8x128xi32, #tpu.memory_space<vmem>>
        %dma_start3A_243 = tpu.memref_squeeze %dma_start3A_242 : memref<1x8x128xi32, #tpu.memory_space<vmem>> -> memref<8x128xi32, #tpu.memory_space<vmem>>
        %dma_start3A_244 = arith.constant 0 : i32
        %dma_start3A_245 = tpu.memref_slice %arg3[%add3A_239, %dma_start3A_244] : memref<2560x128xi32, #tpu.memory_space<hbm>> -> memref<8x128xi32, #tpu.memory_space<hbm>>
        %dma_start3A_246 = arith.constant 0 : i32
        %dma_start3A_247 = arith.constant 0 : i32
        %dma_start3A_248 = tpu.memref_slice %arg7[%rem3A_34, %dma_start3A_246, %dma_start3A_247] : memref<2x8x128xi32, #tpu.memory_space<vmem>> -> memref<1x8x128xi32, #tpu.memory_space<vmem>>
        %dma_start3A_249 = tpu.memref_squeeze %dma_start3A_248 : memref<1x8x128xi32, #tpu.memory_space<vmem>> -> memref<8x128xi32, #tpu.memory_space<vmem>>
        %dma_start3A_250 = arith.constant 0 : i32
        %dma_start3A_251 = tpu.memref_slice %arg3[%add3A_239, %dma_start3A_250] : memref<2560x128xi32, #tpu.memory_space<hbm>> -> memref<8x128xi32, #tpu.memory_space<hbm>>
        tpu.enqueue_dma source(%dma_start3A_251 : memref<8x128xi32, #tpu.memory_space<hbm>>) target(%dma_start3A_249 : memref<8x128xi32, #tpu.memory_space<vmem>>) target_semaphore(%arg16 : memref<!tpu.dma_semaphore, #tpu.memory_space<semaphore_mem>>)
        %dma_start3A_252 = arith.constant 0 : i32
        %dma_start3A_253 = arith.constant 0 : i32
        %dma_start3A_254 = tpu.memref_slice %arg8[%rem3A_34, %dma_start3A_252, %dma_start3A_253] : memref<2x8x128xi32, #tpu.memory_space<vmem>> -> memref<1x8x128xi32, #tpu.memory_space<vmem>>
        %dma_start3A_255 = tpu.memref_squeeze %dma_start3A_254 : memref<1x8x128xi32, #tpu.memory_space<vmem>> -> memref<8x128xi32, #tpu.memory_space<vmem>>
        %dma_start3A_256 = arith.constant 0 : i32
        %dma_start3A_257 = tpu.memref_slice %arg4[%add3A_239, %dma_start3A_256] : memref<2560x128xi32, #tpu.memory_space<hbm>> -> memref<8x128xi32, #tpu.memory_space<hbm>>
        %dma_start3A_258 = arith.constant 0 : i32
        %dma_start3A_259 = arith.constant 0 : i32
        %dma_start3A_260 = tpu.memref_slice %arg8[%rem3A_34, %dma_start3A_258, %dma_start3A_259] : memref<2x8x128xi32, #tpu.memory_space<vmem>> -> memref<1x8x128xi32, #tpu.memory_space<vmem>>
        %dma_start3A_261 = tpu.memref_squeeze %dma_start3A_260 : memref<1x8x128xi32, #tpu.memory_space<vmem>> -> memref<8x128xi32, #tpu.memory_space<vmem>>
        %dma_start3A_262 = arith.constant 0 : i32
        %dma_start3A_263 = tpu.memref_slice %arg4[%add3A_239, %dma_start3A_262] : memref<2560x128xi32, #tpu.memory_space<hbm>> -> memref<8x128xi32, #tpu.memory_space<hbm>>
        tpu.enqueue_dma source(%dma_start3A_263 : memref<8x128xi32, #tpu.memory_space<hbm>>) target(%dma_start3A_261 : memref<8x128xi32, #tpu.memory_space<vmem>>) target_semaphore(%arg16 : memref<!tpu.dma_semaphore, #tpu.memory_space<semaphore_mem>>)
      } else {
      }
      %gt3A = arith.constant 0 : i32
      %gt3A_37 = arith.cmpi sgt, %scan3A_29, %gt3A : i32
      %or3A = arith.constant false
      %or3A_38 = arith.ori %gt3A_37, %or3A : i1
      %convert_element_type3A_39 = arith.extui %or3A_38 : i1 to i32
      %cond3A_40 = arith.constant 0 : i32
      %cond3A_41 = arith.cmpi ne, %convert_element_type3A_39, %cond3A_40 : i32
      scf.if %cond3A_41 {
        %dma_wait3A_235 = arith.constant 0 : i32
        %dma_wait3A_236 = arith.constant 0 : i32
        %dma_wait3A_237 = tpu.memref_slice %arg8[%rem3A_30, %dma_wait3A_235, %dma_wait3A_236] : memref<2x8x128xi32, #tpu.memory_space<vmem>> -> memref<1x1x128xi32, #tpu.memory_space<vmem>>
        %dma_wait3A_238 = tpu.memref_squeeze %dma_wait3A_237 : memref<1x1x128xi32, #tpu.memory_space<vmem>> -> memref<128xi32, #tpu.memory_space<vmem>>
        %dma_wait3A_239 = arith.constant 0 : i32
        %dma_wait3A_240 = arith.constant 0 : i32
        %dma_wait3A_241 = tpu.memref_slice %arg11[%dma_wait3A_239, %dma_wait3A_240] : memref<10240x128xf32, #tpu.memory_space<vmem_shared>> -> memref<10240x128xf32, #tpu.memory_space<vmem_shared>>
        tpu.wait_indirect_dma semaphore(%arg14 : memref<!tpu.dma_semaphore, #tpu.memory_space<semaphore_mem>>) src(%arg9 : memref<128x128xf32, #tpu.memory_space<vmem>>) dst(%dma_wait3A_241 : memref<10240x128xf32, #tpu.memory_space<vmem_shared>>)
        %dma_wait3A_242 = arith.constant 1 : i32
        %dma_wait3A_243 = arith.constant 0 : i32
        %dma_wait3A_244 = tpu.memref_slice %arg8[%rem3A_30, %dma_wait3A_242, %dma_wait3A_243] : memref<2x8x128xi32, #tpu.memory_space<vmem>> -> memref<1x1x128xi32, #tpu.memory_space<vmem>>
        %dma_wait3A_245 = tpu.memref_squeeze %dma_wait3A_244 : memref<1x1x128xi32, #tpu.memory_space<vmem>> -> memref<128xi32, #tpu.memory_space<vmem>>
        %dma_wait3A_246 = arith.constant 0 : i32
        %dma_wait3A_247 = arith.constant 0 : i32
        %dma_wait3A_248 = tpu.memref_slice %arg11[%dma_wait3A_246, %dma_wait3A_247] : memref<10240x128xf32, #tpu.memory_space<vmem_shared>> -> memref<10240x128xf32, #tpu.memory_space<vmem_shared>>
        tpu.wait_indirect_dma semaphore(%arg15 : memref<!tpu.dma_semaphore, #tpu.memory_space<semaphore_mem>>) src(%arg10 : memref<128x128xf32, #tpu.memory_space<vmem>>) dst(%dma_wait3A_248 : memref<10240x128xf32, #tpu.memory_space<vmem_shared>>)
      } else {
      }
      %dma_start3A = arith.constant 0 : i32
      %dma_start3A_42 = arith.constant 0 : i32
      %dma_start3A_43 = tpu.memref_slice %arg7[%rem3A_30, %dma_start3A, %dma_start3A_42] : memref<2x8x128xi32, #tpu.memory_space<vmem>> -> memref<1x1x128xi32, #tpu.memory_space<vmem>>
      %dma_start3A_44 = tpu.memref_squeeze %dma_start3A_43 : memref<1x1x128xi32, #tpu.memory_space<vmem>> -> memref<128xi32, #tpu.memory_space<vmem>>
      %dma_start3A_45 = arith.constant 0 : i32
      %dma_start3A_46 = arith.constant 0 : i32
      %dma_start3A_47 = tpu.memref_slice %arg2[%dma_start3A_45, %dma_start3A_46] : memref<10240x128xf32, #tpu.memory_space<hbm>> -> memref<10240x128xf32, #tpu.memory_space<hbm>>
      tpu.enqueue_indirect_dma source(%dma_start3A_47 : memref<10240x128xf32, #tpu.memory_space<hbm>>) target(%arg9 : memref<128x128xf32, #tpu.memory_space<vmem>>) offsets(%dma_start3A_44 : memref<128xi32, #tpu.memory_space<vmem>>) semaphore(%arg12 : memref<!tpu.dma_semaphore, #tpu.memory_space<semaphore_mem>>)
      %dma_start3A_48 = arith.constant 1 : i32
      %dma_start3A_49 = arith.constant 0 : i32
      %dma_start3A_50 = tpu.memref_slice %arg7[%rem3A_30, %dma_start3A_48, %dma_start3A_49] : memref<2x8x128xi32, #tpu.memory_space<vmem>> -> memref<1x1x128xi32, #tpu.memory_space<vmem>>
      %dma_start3A_51 = tpu.memref_squeeze %dma_start3A_50 : memref<1x1x128xi32, #tpu.memory_space<vmem>> -> memref<128xi32, #tpu.memory_space<vmem>>
      %dma_start3A_52 = arith.constant 0 : i32
      %dma_start3A_53 = arith.constant 0 : i32
      %dma_start3A_54 = tpu.memref_slice %arg2[%dma_start3A_52, %dma_start3A_53] : memref<10240x128xf32, #tpu.memory_space<hbm>> -> memref<10240x128xf32, #tpu.memory_space<hbm>>
      tpu.enqueue_indirect_dma source(%dma_start3A_54 : memref<10240x128xf32, #tpu.memory_space<hbm>>) target(%arg10 : memref<128x128xf32, #tpu.memory_space<vmem>>) offsets(%dma_start3A_51 : memref<128xi32, #tpu.memory_space<vmem>>) semaphore(%arg13 : memref<!tpu.dma_semaphore, #tpu.memory_space<semaphore_mem>>)
      %dma_wait3A_55 = arith.constant 0 : i32
      %dma_wait3A_56 = arith.constant 0 : i32
      %dma_wait3A_57 = tpu.memref_slice %arg7[%rem3A_30, %dma_wait3A_55, %dma_wait3A_56] : memref<2x8x128xi32, #tpu.memory_space<vmem>> -> memref<1x1x128xi32, #tpu.memory_space<vmem>>
      %dma_wait3A_58 = tpu.memref_squeeze %dma_wait3A_57 : memref<1x1x128xi32, #tpu.memory_space<vmem>> -> memref<128xi32, #tpu.memory_space<vmem>>
      %dma_wait3A_59 = arith.constant 0 : i32
      %dma_wait3A_60 = arith.constant 0 : i32
      %dma_wait3A_61 = tpu.memref_slice %arg2[%dma_wait3A_59, %dma_wait3A_60] : memref<10240x128xf32, #tpu.memory_space<hbm>> -> memref<10240x128xf32, #tpu.memory_space<hbm>>
      tpu.wait_indirect_dma semaphore(%arg12 : memref<!tpu.dma_semaphore, #tpu.memory_space<semaphore_mem>>) src(%dma_wait3A_61 : memref<10240x128xf32, #tpu.memory_space<hbm>>) dst(%arg9 : memref<128x128xf32, #tpu.memory_space<vmem>>)
      %dma_start3A_62 = arith.constant 0 : i32
      %dma_start3A_63 = arith.constant 0 : i32
      %dma_start3A_64 = tpu.memref_slice %arg8[%rem3A_30, %dma_start3A_62, %dma_start3A_63] : memref<2x8x128xi32, #tpu.memory_space<vmem>> -> memref<1x1x128xi32, #tpu.memory_space<vmem>>
      %dma_start3A_65 = tpu.memref_squeeze %dma_start3A_64 : memref<1x1x128xi32, #tpu.memory_space<vmem>> -> memref<128xi32, #tpu.memory_space<vmem>>
      %dma_start3A_66 = arith.constant 0 : i32
      %dma_start3A_67 = arith.constant 0 : i32
      %dma_start3A_68 = tpu.memref_slice %arg11[%dma_start3A_66, %dma_start3A_67] : memref<10240x128xf32, #tpu.memory_space<vmem_shared>> -> memref<10240x128xf32, #tpu.memory_space<vmem_shared>>
      tpu.enqueue_indirect_dma source(%arg9 : memref<128x128xf32, #tpu.memory_space<vmem>>) target(%dma_start3A_68 : memref<10240x128xf32, #tpu.memory_space<vmem_shared>>) offsets(%dma_start3A_65 : memref<128xi32, #tpu.memory_space<vmem>>) semaphore(%arg14 : memref<!tpu.dma_semaphore, #tpu.memory_space<semaphore_mem>>) {add = true}
      %dma_wait3A_69 = arith.constant 1 : i32
      %dma_wait3A_70 = arith.constant 0 : i32
      %dma_wait3A_71 = tpu.memref_slice %arg7[%rem3A_30, %dma_wait3A_69, %dma_wait3A_70] : memref<2x8x128xi32, #tpu.memory_space<vmem>> -> memref<1x1x128xi32, #tpu.memory_space<vmem>>
      %dma_wait3A_72 = tpu.memref_squeeze %dma_wait3A_71 : memref<1x1x128xi32, #tpu.memory_space<vmem>> -> memref<128xi32, #tpu.memory_space<vmem>>
      %dma_wait3A_73 = arith.constant 0 : i32
      %dma_wait3A_74 = arith.constant 0 : i32
      %dma_wait3A_75 = tpu.memref_slice %arg2[%dma_wait3A_73, %dma_wait3A_74] : memref<10240x128xf32, #tpu.memory_space<hbm>> -> memref<10240x128xf32, #tpu.memory_space<hbm>>
      tpu.wait_indirect_dma semaphore(%arg13 : memref<!tpu.dma_semaphore, #tpu.memory_space<semaphore_mem>>) src(%dma_wait3A_75 : memref<10240x128xf32, #tpu.memory_space<hbm>>) dst(%arg10 : memref<128x128xf32, #tpu.memory_space<vmem>>)
      %dma_start3A_76 = arith.constant 1 : i32
      %dma_start3A_77 = arith.constant 0 : i32
      %dma_start3A_78 = tpu.memref_slice %arg8[%rem3A_30, %dma_start3A_76, %dma_start3A_77] : memref<2x8x128xi32, #tpu.memory_space<vmem>> -> memref<1x1x128xi32, #tpu.memory_space<vmem>>
      %dma_start3A_79 = tpu.memref_squeeze %dma_start3A_78 : memref<1x1x128xi32, #tpu.memory_space<vmem>> -> memref<128xi32, #tpu.memory_space<vmem>>
      %dma_start3A_80 = arith.constant 0 : i32
      %dma_start3A_81 = arith.constant 0 : i32
      %dma_start3A_82 = tpu.memref_slice %arg11[%dma_start3A_80, %dma_start3A_81] : memref<10240x128xf32, #tpu.memory_space<vmem_shared>> -> memref<10240x128xf32, #tpu.memory_space<vmem_shared>>
      tpu.enqueue_indirect_dma source(%arg10 : memref<128x128xf32, #tpu.memory_space<vmem>>) target(%dma_start3A_82 : memref<10240x128xf32, #tpu.memory_space<vmem_shared>>) offsets(%dma_start3A_79 : memref<128xi32, #tpu.memory_space<vmem>>) semaphore(%arg15 : memref<!tpu.dma_semaphore, #tpu.memory_space<semaphore_mem>>) {add = true}
      %gt3A_83 = arith.constant 0 : i32
      %gt3A_84 = arith.cmpi sgt, %scan3A_29, %gt3A_83 : i32
      %or3A_85 = arith.constant true
      %or3A_86 = arith.ori %gt3A_84, %or3A_85 : i1
      %convert_element_type3A_87 = arith.extui %or3A_86 : i1 to i32
      %cond3A_88 = arith.constant 0 : i32
      %cond3A_89 = arith.cmpi ne, %convert_element_type3A_87, %cond3A_88 : i32
      scf.if %cond3A_89 {
        %dma_wait3A_235 = arith.constant 2 : i32
        %dma_wait3A_236 = arith.constant 0 : i32
        %dma_wait3A_237 = tpu.memref_slice %arg8[%rem3A_30, %dma_wait3A_235, %dma_wait3A_236] : memref<2x8x128xi32, #tpu.memory_space<vmem>> -> memref<1x1x128xi32, #tpu.memory_space<vmem>>
        %dma_wait3A_238 = tpu.memref_squeeze %dma_wait3A_237 : memref<1x1x128xi32, #tpu.memory_space<vmem>> -> memref<128xi32, #tpu.memory_space<vmem>>
        %dma_wait3A_239 = arith.constant 0 : i32
        %dma_wait3A_240 = arith.constant 0 : i32
        %dma_wait3A_241 = tpu.memref_slice %arg11[%dma_wait3A_239, %dma_wait3A_240] : memref<10240x128xf32, #tpu.memory_space<vmem_shared>> -> memref<10240x128xf32, #tpu.memory_space<vmem_shared>>
        tpu.wait_indirect_dma semaphore(%arg14 : memref<!tpu.dma_semaphore, #tpu.memory_space<semaphore_mem>>) src(%arg9 : memref<128x128xf32, #tpu.memory_space<vmem>>) dst(%dma_wait3A_241 : memref<10240x128xf32, #tpu.memory_space<vmem_shared>>)
        %dma_wait3A_242 = arith.constant 3 : i32
        %dma_wait3A_243 = arith.constant 0 : i32
        %dma_wait3A_244 = tpu.memref_slice %arg8[%rem3A_30, %dma_wait3A_242, %dma_wait3A_243] : memref<2x8x128xi32, #tpu.memory_space<vmem>> -> memref<1x1x128xi32, #tpu.memory_space<vmem>>
        %dma_wait3A_245 = tpu.memref_squeeze %dma_wait3A_244 : memref<1x1x128xi32, #tpu.memory_space<vmem>> -> memref<128xi32, #tpu.memory_space<vmem>>
        %dma_wait3A_246 = arith.constant 0 : i32
        %dma_wait3A_247 = arith.constant 0 : i32
        %dma_wait3A_248 = tpu.memref_slice %arg11[%dma_wait3A_246, %dma_wait3A_247] : memref<10240x128xf32, #tpu.memory_space<vmem_shared>> -> memref<10240x128xf32, #tpu.memory_space<vmem_shared>>
        tpu.wait_indirect_dma semaphore(%arg15 : memref<!tpu.dma_semaphore, #tpu.memory_space<semaphore_mem>>) src(%arg10 : memref<128x128xf32, #tpu.memory_space<vmem>>) dst(%dma_wait3A_248 : memref<10240x128xf32, #tpu.memory_space<vmem_shared>>)
      } else {
      }
      %dma_start3A_90 = arith.constant 2 : i32
      %dma_start3A_91 = arith.constant 0 : i32
      %dma_start3A_92 = tpu.memref_slice %arg7[%rem3A_30, %dma_start3A_90, %dma_start3A_91] : memref<2x8x128xi32, #tpu.memory_space<vmem>> -> memref<1x1x128xi32, #tpu.memory_space<vmem>>
      %dma_start3A_93 = tpu.memref_squeeze %dma_start3A_92 : memref<1x1x128xi32, #tpu.memory_space<vmem>> -> memref<128xi32, #tpu.memory_space<vmem>>
      %dma_start3A_94 = arith.constant 0 : i32
      %dma_start3A_95 = arith.constant 0 : i32
      %dma_start3A_96 = tpu.memref_slice %arg2[%dma_start3A_94, %dma_start3A_95] : memref<10240x128xf32, #tpu.memory_space<hbm>> -> memref<10240x128xf32, #tpu.memory_space<hbm>>
      tpu.enqueue_indirect_dma source(%dma_start3A_96 : memref<10240x128xf32, #tpu.memory_space<hbm>>) target(%arg9 : memref<128x128xf32, #tpu.memory_space<vmem>>) offsets(%dma_start3A_93 : memref<128xi32, #tpu.memory_space<vmem>>) semaphore(%arg12 : memref<!tpu.dma_semaphore, #tpu.memory_space<semaphore_mem>>)
      %dma_start3A_97 = arith.constant 3 : i32
      %dma_start3A_98 = arith.constant 0 : i32
      %dma_start3A_99 = tpu.memref_slice %arg7[%rem3A_30, %dma_start3A_97, %dma_start3A_98] : memref<2x8x128xi32, #tpu.memory_space<vmem>> -> memref<1x1x128xi32, #tpu.memory_space<vmem>>
      %dma_start3A_100 = tpu.memref_squeeze %dma_start3A_99 : memref<1x1x128xi32, #tpu.memory_space<vmem>> -> memref<128xi32, #tpu.memory_space<vmem>>
      %dma_start3A_101 = arith.constant 0 : i32
      %dma_start3A_102 = arith.constant 0 : i32
      %dma_start3A_103 = tpu.memref_slice %arg2[%dma_start3A_101, %dma_start3A_102] : memref<10240x128xf32, #tpu.memory_space<hbm>> -> memref<10240x128xf32, #tpu.memory_space<hbm>>
      tpu.enqueue_indirect_dma source(%dma_start3A_103 : memref<10240x128xf32, #tpu.memory_space<hbm>>) target(%arg10 : memref<128x128xf32, #tpu.memory_space<vmem>>) offsets(%dma_start3A_100 : memref<128xi32, #tpu.memory_space<vmem>>) semaphore(%arg13 : memref<!tpu.dma_semaphore, #tpu.memory_space<semaphore_mem>>)
      %dma_wait3A_104 = arith.constant 2 : i32
      %dma_wait3A_105 = arith.constant 0 : i32
      %dma_wait3A_106 = tpu.memref_slice %arg7[%rem3A_30, %dma_wait3A_104, %dma_wait3A_105] : memref<2x8x128xi32, #tpu.memory_space<vmem>> -> memref<1x1x128xi32, #tpu.memory_space<vmem>>
      %dma_wait3A_107 = tpu.memref_squeeze %dma_wait3A_106 : memref<1x1x128xi32, #tpu.memory_space<vmem>> -> memref<128xi32, #tpu.memory_space<vmem>>
      %dma_wait3A_108 = arith.constant 0 : i32
      %dma_wait3A_109 = arith.constant 0 : i32
      %dma_wait3A_110 = tpu.memref_slice %arg2[%dma_wait3A_108, %dma_wait3A_109] : memref<10240x128xf32, #tpu.memory_space<hbm>> -> memref<10240x128xf32, #tpu.memory_space<hbm>>
      tpu.wait_indirect_dma semaphore(%arg12 : memref<!tpu.dma_semaphore, #tpu.memory_space<semaphore_mem>>) src(%dma_wait3A_110 : memref<10240x128xf32, #tpu.memory_space<hbm>>) dst(%arg9 : memref<128x128xf32, #tpu.memory_space<vmem>>)
      %dma_start3A_111 = arith.constant 2 : i32
      %dma_start3A_112 = arith.constant 0 : i32
      %dma_start3A_113 = tpu.memref_slice %arg8[%rem3A_30, %dma_start3A_111, %dma_start3A_112] : memref<2x8x128xi32, #tpu.memory_space<vmem>> -> memref<1x1x128xi32, #tpu.memory_space<vmem>>
      %dma_start3A_114 = tpu.memref_squeeze %dma_start3A_113 : memref<1x1x128xi32, #tpu.memory_space<vmem>> -> memref<128xi32, #tpu.memory_space<vmem>>
      %dma_start3A_115 = arith.constant 0 : i32
      %dma_start3A_116 = arith.constant 0 : i32
      %dma_start3A_117 = tpu.memref_slice %arg11[%dma_start3A_115, %dma_start3A_116] : memref<10240x128xf32, #tpu.memory_space<vmem_shared>> -> memref<10240x128xf32, #tpu.memory_space<vmem_shared>>
      tpu.enqueue_indirect_dma source(%arg9 : memref<128x128xf32, #tpu.memory_space<vmem>>) target(%dma_start3A_117 : memref<10240x128xf32, #tpu.memory_space<vmem_shared>>) offsets(%dma_start3A_114 : memref<128xi32, #tpu.memory_space<vmem>>) semaphore(%arg14 : memref<!tpu.dma_semaphore, #tpu.memory_space<semaphore_mem>>) {add = true}
      %dma_wait3A_118 = arith.constant 3 : i32
      %dma_wait3A_119 = arith.constant 0 : i32
      %dma_wait3A_120 = tpu.memref_slice %arg7[%rem3A_30, %dma_wait3A_118, %dma_wait3A_119] : memref<2x8x128xi32, #tpu.memory_space<vmem>> -> memref<1x1x128xi32, #tpu.memory_space<vmem>>
      %dma_wait3A_121 = tpu.memref_squeeze %dma_wait3A_120 : memref<1x1x128xi32, #tpu.memory_space<vmem>> -> memref<128xi32, #tpu.memory_space<vmem>>
      %dma_wait3A_122 = arith.constant 0 : i32
      %dma_wait3A_123 = arith.constant 0 : i32
      %dma_wait3A_124 = tpu.memref_slice %arg2[%dma_wait3A_122, %dma_wait3A_123] : memref<10240x128xf32, #tpu.memory_space<hbm>> -> memref<10240x128xf32, #tpu.memory_space<hbm>>
      tpu.wait_indirect_dma semaphore(%arg13 : memref<!tpu.dma_semaphore, #tpu.memory_space<semaphore_mem>>) src(%dma_wait3A_124 : memref<10240x128xf32, #tpu.memory_space<hbm>>) dst(%arg10 : memref<128x128xf32, #tpu.memory_space<vmem>>)
      %dma_start3A_125 = arith.constant 3 : i32
      %dma_start3A_126 = arith.constant 0 : i32
      %dma_start3A_127 = tpu.memref_slice %arg8[%rem3A_30, %dma_start3A_125, %dma_start3A_126] : memref<2x8x128xi32, #tpu.memory_space<vmem>> -> memref<1x1x128xi32, #tpu.memory_space<vmem>>
      %dma_start3A_128 = tpu.memref_squeeze %dma_start3A_127 : memref<1x1x128xi32, #tpu.memory_space<vmem>> -> memref<128xi32, #tpu.memory_space<vmem>>
      %dma_start3A_129 = arith.constant 0 : i32
      %dma_start3A_130 = arith.constant 0 : i32
      %dma_start3A_131 = tpu.memref_slice %arg11[%dma_start3A_129, %dma_start3A_130] : memref<10240x128xf32, #tpu.memory_space<vmem_shared>> -> memref<10240x128xf32, #tpu.memory_space<vmem_shared>>
      tpu.enqueue_indirect_dma source(%arg10 : memref<128x128xf32, #tpu.memory_space<vmem>>) target(%dma_start3A_131 : memref<10240x128xf32, #tpu.memory_space<vmem_shared>>) offsets(%dma_start3A_128 : memref<128xi32, #tpu.memory_space<vmem>>) semaphore(%arg15 : memref<!tpu.dma_semaphore, #tpu.memory_space<semaphore_mem>>) {add = true}
      %gt3A_132 = arith.constant 0 : i32
      %gt3A_133 = arith.cmpi sgt, %scan3A_29, %gt3A_132 : i32
      %or3A_134 = arith.constant true
      %or3A_135 = arith.ori %gt3A_133, %or3A_134 : i1
      %convert_element_type3A_136 = arith.extui %or3A_135 : i1 to i32
      %cond3A_137 = arith.constant 0 : i32
      %cond3A_138 = arith.cmpi ne, %convert_element_type3A_136, %cond3A_137 : i32
      scf.if %cond3A_138 {
        %dma_wait3A_235 = arith.constant 4 : i32
        %dma_wait3A_236 = arith.constant 0 : i32
        %dma_wait3A_237 = tpu.memref_slice %arg8[%rem3A_30, %dma_wait3A_235, %dma_wait3A_236] : memref<2x8x128xi32, #tpu.memory_space<vmem>> -> memref<1x1x128xi32, #tpu.memory_space<vmem>>
        %dma_wait3A_238 = tpu.memref_squeeze %dma_wait3A_237 : memref<1x1x128xi32, #tpu.memory_space<vmem>> -> memref<128xi32, #tpu.memory_space<vmem>>
        %dma_wait3A_239 = arith.constant 0 : i32
        %dma_wait3A_240 = arith.constant 0 : i32
        %dma_wait3A_241 = tpu.memref_slice %arg11[%dma_wait3A_239, %dma_wait3A_240] : memref<10240x128xf32, #tpu.memory_space<vmem_shared>> -> memref<10240x128xf32, #tpu.memory_space<vmem_shared>>
        tpu.wait_indirect_dma semaphore(%arg14 : memref<!tpu.dma_semaphore, #tpu.memory_space<semaphore_mem>>) src(%arg9 : memref<128x128xf32, #tpu.memory_space<vmem>>) dst(%dma_wait3A_241 : memref<10240x128xf32, #tpu.memory_space<vmem_shared>>)
        %dma_wait3A_242 = arith.constant 5 : i32
        %dma_wait3A_243 = arith.constant 0 : i32
        %dma_wait3A_244 = tpu.memref_slice %arg8[%rem3A_30, %dma_wait3A_242, %dma_wait3A_243] : memref<2x8x128xi32, #tpu.memory_space<vmem>> -> memref<1x1x128xi32, #tpu.memory_space<vmem>>
        %dma_wait3A_245 = tpu.memref_squeeze %dma_wait3A_244 : memref<1x1x128xi32, #tpu.memory_space<vmem>> -> memref<128xi32, #tpu.memory_space<vmem>>
        %dma_wait3A_246 = arith.constant 0 : i32
        %dma_wait3A_247 = arith.constant 0 : i32
        %dma_wait3A_248 = tpu.memref_slice %arg11[%dma_wait3A_246, %dma_wait3A_247] : memref<10240x128xf32, #tpu.memory_space<vmem_shared>> -> memref<10240x128xf32, #tpu.memory_space<vmem_shared>>
        tpu.wait_indirect_dma semaphore(%arg15 : memref<!tpu.dma_semaphore, #tpu.memory_space<semaphore_mem>>) src(%arg10 : memref<128x128xf32, #tpu.memory_space<vmem>>) dst(%dma_wait3A_248 : memref<10240x128xf32, #tpu.memory_space<vmem_shared>>)
      } else {
      }
      %dma_start3A_139 = arith.constant 4 : i32
      %dma_start3A_140 = arith.constant 0 : i32
      %dma_start3A_141 = tpu.memref_slice %arg7[%rem3A_30, %dma_start3A_139, %dma_start3A_140] : memref<2x8x128xi32, #tpu.memory_space<vmem>> -> memref<1x1x128xi32, #tpu.memory_space<vmem>>
      %dma_start3A_142 = tpu.memref_squeeze %dma_start3A_141 : memref<1x1x128xi32, #tpu.memory_space<vmem>> -> memref<128xi32, #tpu.memory_space<vmem>>
      %dma_start3A_143 = arith.constant 0 : i32
      %dma_start3A_144 = arith.constant 0 : i32
      %dma_start3A_145 = tpu.memref_slice %arg2[%dma_start3A_143, %dma_start3A_144] : memref<10240x128xf32, #tpu.memory_space<hbm>> -> memref<10240x128xf32, #tpu.memory_space<hbm>>
      tpu.enqueue_indirect_dma source(%dma_start3A_145 : memref<10240x128xf32, #tpu.memory_space<hbm>>) target(%arg9 : memref<128x128xf32, #tpu.memory_space<vmem>>) offsets(%dma_start3A_142 : memref<128xi32, #tpu.memory_space<vmem>>) semaphore(%arg12 : memref<!tpu.dma_semaphore, #tpu.memory_space<semaphore_mem>>)
      %dma_start3A_146 = arith.constant 5 : i32
      %dma_start3A_147 = arith.constant 0 : i32
      %dma_start3A_148 = tpu.memref_slice %arg7[%rem3A_30, %dma_start3A_146, %dma_start3A_147] : memref<2x8x128xi32, #tpu.memory_space<vmem>> -> memref<1x1x128xi32, #tpu.memory_space<vmem>>
      %dma_start3A_149 = tpu.memref_squeeze %dma_start3A_148 : memref<1x1x128xi32, #tpu.memory_space<vmem>> -> memref<128xi32, #tpu.memory_space<vmem>>
      %dma_start3A_150 = arith.constant 0 : i32
      %dma_start3A_151 = arith.constant 0 : i32
      %dma_start3A_152 = tpu.memref_slice %arg2[%dma_start3A_150, %dma_start3A_151] : memref<10240x128xf32, #tpu.memory_space<hbm>> -> memref<10240x128xf32, #tpu.memory_space<hbm>>
      tpu.enqueue_indirect_dma source(%dma_start3A_152 : memref<10240x128xf32, #tpu.memory_space<hbm>>) target(%arg10 : memref<128x128xf32, #tpu.memory_space<vmem>>) offsets(%dma_start3A_149 : memref<128xi32, #tpu.memory_space<vmem>>) semaphore(%arg13 : memref<!tpu.dma_semaphore, #tpu.memory_space<semaphore_mem>>)
      %dma_wait3A_153 = arith.constant 4 : i32
      %dma_wait3A_154 = arith.constant 0 : i32
      %dma_wait3A_155 = tpu.memref_slice %arg7[%rem3A_30, %dma_wait3A_153, %dma_wait3A_154] : memref<2x8x128xi32, #tpu.memory_space<vmem>> -> memref<1x1x128xi32, #tpu.memory_space<vmem>>
      %dma_wait3A_156 = tpu.memref_squeeze %dma_wait3A_155 : memref<1x1x128xi32, #tpu.memory_space<vmem>> -> memref<128xi32, #tpu.memory_space<vmem>>
      %dma_wait3A_157 = arith.constant 0 : i32
      %dma_wait3A_158 = arith.constant 0 : i32
      %dma_wait3A_159 = tpu.memref_slice %arg2[%dma_wait3A_157, %dma_wait3A_158] : memref<10240x128xf32, #tpu.memory_space<hbm>> -> memref<10240x128xf32, #tpu.memory_space<hbm>>
      tpu.wait_indirect_dma semaphore(%arg12 : memref<!tpu.dma_semaphore, #tpu.memory_space<semaphore_mem>>) src(%dma_wait3A_159 : memref<10240x128xf32, #tpu.memory_space<hbm>>) dst(%arg9 : memref<128x128xf32, #tpu.memory_space<vmem>>)
      %dma_start3A_160 = arith.constant 4 : i32
      %dma_start3A_161 = arith.constant 0 : i32
      %dma_start3A_162 = tpu.memref_slice %arg8[%rem3A_30, %dma_start3A_160, %dma_start3A_161] : memref<2x8x128xi32, #tpu.memory_space<vmem>> -> memref<1x1x128xi32, #tpu.memory_space<vmem>>
      %dma_start3A_163 = tpu.memref_squeeze %dma_start3A_162 : memref<1x1x128xi32, #tpu.memory_space<vmem>> -> memref<128xi32, #tpu.memory_space<vmem>>
      %dma_start3A_164 = arith.constant 0 : i32
      %dma_start3A_165 = arith.constant 0 : i32
      %dma_start3A_166 = tpu.memref_slice %arg11[%dma_start3A_164, %dma_start3A_165] : memref<10240x128xf32, #tpu.memory_space<vmem_shared>> -> memref<10240x128xf32, #tpu.memory_space<vmem_shared>>
      tpu.enqueue_indirect_dma source(%arg9 : memref<128x128xf32, #tpu.memory_space<vmem>>) target(%dma_start3A_166 : memref<10240x128xf32, #tpu.memory_space<vmem_shared>>) offsets(%dma_start3A_163 : memref<128xi32, #tpu.memory_space<vmem>>) semaphore(%arg14 : memref<!tpu.dma_semaphore, #tpu.memory_space<semaphore_mem>>) {add = true}
      %dma_wait3A_167 = arith.constant 5 : i32
      %dma_wait3A_168 = arith.constant 0 : i32
      %dma_wait3A_169 = tpu.memref_slice %arg7[%rem3A_30, %dma_wait3A_167, %dma_wait3A_168] : memref<2x8x128xi32, #tpu.memory_space<vmem>> -> memref<1x1x128xi32, #tpu.memory_space<vmem>>
      %dma_wait3A_170 = tpu.memref_squeeze %dma_wait3A_169 : memref<1x1x128xi32, #tpu.memory_space<vmem>> -> memref<128xi32, #tpu.memory_space<vmem>>
      %dma_wait3A_171 = arith.constant 0 : i32
      %dma_wait3A_172 = arith.constant 0 : i32
      %dma_wait3A_173 = tpu.memref_slice %arg2[%dma_wait3A_171, %dma_wait3A_172] : memref<10240x128xf32, #tpu.memory_space<hbm>> -> memref<10240x128xf32, #tpu.memory_space<hbm>>
      tpu.wait_indirect_dma semaphore(%arg13 : memref<!tpu.dma_semaphore, #tpu.memory_space<semaphore_mem>>) src(%dma_wait3A_173 : memref<10240x128xf32, #tpu.memory_space<hbm>>) dst(%arg10 : memref<128x128xf32, #tpu.memory_space<vmem>>)
      %dma_start3A_174 = arith.constant 5 : i32
      %dma_start3A_175 = arith.constant 0 : i32
      %dma_start3A_176 = tpu.memref_slice %arg8[%rem3A_30, %dma_start3A_174, %dma_start3A_175] : memref<2x8x128xi32, #tpu.memory_space<vmem>> -> memref<1x1x128xi32, #tpu.memory_space<vmem>>
      %dma_start3A_177 = tpu.memref_squeeze %dma_start3A_176 : memref<1x1x128xi32, #tpu.memory_space<vmem>> -> memref<128xi32, #tpu.memory_space<vmem>>
      %dma_start3A_178 = arith.constant 0 : i32
      %dma_start3A_179 = arith.constant 0 : i32
      %dma_start3A_180 = tpu.memref_slice %arg11[%dma_start3A_178, %dma_start3A_179] : memref<10240x128xf32, #tpu.memory_space<vmem_shared>> -> memref<10240x128xf32, #tpu.memory_space<vmem_shared>>
      tpu.enqueue_indirect_dma source(%arg10 : memref<128x128xf32, #tpu.memory_space<vmem>>) target(%dma_start3A_180 : memref<10240x128xf32, #tpu.memory_space<vmem_shared>>) offsets(%dma_start3A_177 : memref<128xi32, #tpu.memory_space<vmem>>) semaphore(%arg15 : memref<!tpu.dma_semaphore, #tpu.memory_space<semaphore_mem>>) {add = true}
      %gt3A_181 = arith.constant 0 : i32
      %gt3A_182 = arith.cmpi sgt, %scan3A_29, %gt3A_181 : i32
      %or3A_183 = arith.constant true
      %or3A_184 = arith.ori %gt3A_182, %or3A_183 : i1
      %convert_element_type3A_185 = arith.extui %or3A_184 : i1 to i32
      %cond3A_186 = arith.constant 0 : i32
      %cond3A_187 = arith.cmpi ne, %convert_element_type3A_185, %cond3A_186 : i32
      scf.if %cond3A_187 {
        %dma_wait3A_235 = arith.constant 6 : i32
        %dma_wait3A_236 = arith.constant 0 : i32
        %dma_wait3A_237 = tpu.memref_slice %arg8[%rem3A_30, %dma_wait3A_235, %dma_wait3A_236] : memref<2x8x128xi32, #tpu.memory_space<vmem>> -> memref<1x1x128xi32, #tpu.memory_space<vmem>>
        %dma_wait3A_238 = tpu.memref_squeeze %dma_wait3A_237 : memref<1x1x128xi32, #tpu.memory_space<vmem>> -> memref<128xi32, #tpu.memory_space<vmem>>
        %dma_wait3A_239 = arith.constant 0 : i32
        %dma_wait3A_240 = arith.constant 0 : i32
        %dma_wait3A_241 = tpu.memref_slice %arg11[%dma_wait3A_239, %dma_wait3A_240] : memref<10240x128xf32, #tpu.memory_space<vmem_shared>> -> memref<10240x128xf32, #tpu.memory_space<vmem_shared>>
        tpu.wait_indirect_dma semaphore(%arg14 : memref<!tpu.dma_semaphore, #tpu.memory_space<semaphore_mem>>) src(%arg9 : memref<128x128xf32, #tpu.memory_space<vmem>>) dst(%dma_wait3A_241 : memref<10240x128xf32, #tpu.memory_space<vmem_shared>>)
        %dma_wait3A_242 = arith.constant 7 : i32
        %dma_wait3A_243 = arith.constant 0 : i32
        %dma_wait3A_244 = tpu.memref_slice %arg8[%rem3A_30, %dma_wait3A_242, %dma_wait3A_243] : memref<2x8x128xi32, #tpu.memory_space<vmem>> -> memref<1x1x128xi32, #tpu.memory_space<vmem>>
        %dma_wait3A_245 = tpu.memref_squeeze %dma_wait3A_244 : memref<1x1x128xi32, #tpu.memory_space<vmem>> -> memref<128xi32, #tpu.memory_space<vmem>>
        %dma_wait3A_246 = arith.constant 0 : i32
        %dma_wait3A_247 = arith.constant 0 : i32
        %dma_wait3A_248 = tpu.memref_slice %arg11[%dma_wait3A_246, %dma_wait3A_247] : memref<10240x128xf32, #tpu.memory_space<vmem_shared>> -> memref<10240x128xf32, #tpu.memory_space<vmem_shared>>
        tpu.wait_indirect_dma semaphore(%arg15 : memref<!tpu.dma_semaphore, #tpu.memory_space<semaphore_mem>>) src(%arg10 : memref<128x128xf32, #tpu.memory_space<vmem>>) dst(%dma_wait3A_248 : memref<10240x128xf32, #tpu.memory_space<vmem_shared>>)
      } else {
      }
      %dma_start3A_188 = arith.constant 6 : i32
      %dma_start3A_189 = arith.constant 0 : i32
      %dma_start3A_190 = tpu.memref_slice %arg7[%rem3A_30, %dma_start3A_188, %dma_start3A_189] : memref<2x8x128xi32, #tpu.memory_space<vmem>> -> memref<1x1x128xi32, #tpu.memory_space<vmem>>
      %dma_start3A_191 = tpu.memref_squeeze %dma_start3A_190 : memref<1x1x128xi32, #tpu.memory_space<vmem>> -> memref<128xi32, #tpu.memory_space<vmem>>
      %dma_start3A_192 = arith.constant 0 : i32
      %dma_start3A_193 = arith.constant 0 : i32
      %dma_start3A_194 = tpu.memref_slice %arg2[%dma_start3A_192, %dma_start3A_193] : memref<10240x128xf32, #tpu.memory_space<hbm>> -> memref<10240x128xf32, #tpu.memory_space<hbm>>
      tpu.enqueue_indirect_dma source(%dma_start3A_194 : memref<10240x128xf32, #tpu.memory_space<hbm>>) target(%arg9 : memref<128x128xf32, #tpu.memory_space<vmem>>) offsets(%dma_start3A_191 : memref<128xi32, #tpu.memory_space<vmem>>) semaphore(%arg12 : memref<!tpu.dma_semaphore, #tpu.memory_space<semaphore_mem>>)
      %dma_start3A_195 = arith.constant 7 : i32
      %dma_start3A_196 = arith.constant 0 : i32
      %dma_start3A_197 = tpu.memref_slice %arg7[%rem3A_30, %dma_start3A_195, %dma_start3A_196] : memref<2x8x128xi32, #tpu.memory_space<vmem>> -> memref<1x1x128xi32, #tpu.memory_space<vmem>>
      %dma_start3A_198 = tpu.memref_squeeze %dma_start3A_197 : memref<1x1x128xi32, #tpu.memory_space<vmem>> -> memref<128xi32, #tpu.memory_space<vmem>>
      %dma_start3A_199 = arith.constant 0 : i32
      %dma_start3A_200 = arith.constant 0 : i32
      %dma_start3A_201 = tpu.memref_slice %arg2[%dma_start3A_199, %dma_start3A_200] : memref<10240x128xf32, #tpu.memory_space<hbm>> -> memref<10240x128xf32, #tpu.memory_space<hbm>>
      tpu.enqueue_indirect_dma source(%dma_start3A_201 : memref<10240x128xf32, #tpu.memory_space<hbm>>) target(%arg10 : memref<128x128xf32, #tpu.memory_space<vmem>>) offsets(%dma_start3A_198 : memref<128xi32, #tpu.memory_space<vmem>>) semaphore(%arg13 : memref<!tpu.dma_semaphore, #tpu.memory_space<semaphore_mem>>)
      %dma_wait3A_202 = arith.constant 6 : i32
      %dma_wait3A_203 = arith.constant 0 : i32
      %dma_wait3A_204 = tpu.memref_slice %arg7[%rem3A_30, %dma_wait3A_202, %dma_wait3A_203] : memref<2x8x128xi32, #tpu.memory_space<vmem>> -> memref<1x1x128xi32, #tpu.memory_space<vmem>>
      %dma_wait3A_205 = tpu.memref_squeeze %dma_wait3A_204 : memref<1x1x128xi32, #tpu.memory_space<vmem>> -> memref<128xi32, #tpu.memory_space<vmem>>
      %dma_wait3A_206 = arith.constant 0 : i32
      %dma_wait3A_207 = arith.constant 0 : i32
      %dma_wait3A_208 = tpu.memref_slice %arg2[%dma_wait3A_206, %dma_wait3A_207] : memref<10240x128xf32, #tpu.memory_space<hbm>> -> memref<10240x128xf32, #tpu.memory_space<hbm>>
      tpu.wait_indirect_dma semaphore(%arg12 : memref<!tpu.dma_semaphore, #tpu.memory_space<semaphore_mem>>) src(%dma_wait3A_208 : memref<10240x128xf32, #tpu.memory_space<hbm>>) dst(%arg9 : memref<128x128xf32, #tpu.memory_space<vmem>>)
      %dma_start3A_209 = arith.constant 6 : i32
      %dma_start3A_210 = arith.constant 0 : i32
      %dma_start3A_211 = tpu.memref_slice %arg8[%rem3A_30, %dma_start3A_209, %dma_start3A_210] : memref<2x8x128xi32, #tpu.memory_space<vmem>> -> memref<1x1x128xi32, #tpu.memory_space<vmem>>
      %dma_start3A_212 = tpu.memref_squeeze %dma_start3A_211 : memref<1x1x128xi32, #tpu.memory_space<vmem>> -> memref<128xi32, #tpu.memory_space<vmem>>
      %dma_start3A_213 = arith.constant 0 : i32
      %dma_start3A_214 = arith.constant 0 : i32
      %dma_start3A_215 = tpu.memref_slice %arg11[%dma_start3A_213, %dma_start3A_214] : memref<10240x128xf32, #tpu.memory_space<vmem_shared>> -> memref<10240x128xf32, #tpu.memory_space<vmem_shared>>
      tpu.enqueue_indirect_dma source(%arg9 : memref<128x128xf32, #tpu.memory_space<vmem>>) target(%dma_start3A_215 : memref<10240x128xf32, #tpu.memory_space<vmem_shared>>) offsets(%dma_start3A_212 : memref<128xi32, #tpu.memory_space<vmem>>) semaphore(%arg14 : memref<!tpu.dma_semaphore, #tpu.memory_space<semaphore_mem>>) {add = true}
      %dma_wait3A_216 = arith.constant 7 : i32
      %dma_wait3A_217 = arith.constant 0 : i32
      %dma_wait3A_218 = tpu.memref_slice %arg7[%rem3A_30, %dma_wait3A_216, %dma_wait3A_217] : memref<2x8x128xi32, #tpu.memory_space<vmem>> -> memref<1x1x128xi32, #tpu.memory_space<vmem>>
      %dma_wait3A_219 = tpu.memref_squeeze %dma_wait3A_218 : memref<1x1x128xi32, #tpu.memory_space<vmem>> -> memref<128xi32, #tpu.memory_space<vmem>>
      %dma_wait3A_220 = arith.constant 0 : i32
      %dma_wait3A_221 = arith.constant 0 : i32
      %dma_wait3A_222 = tpu.memref_slice %arg2[%dma_wait3A_220, %dma_wait3A_221] : memref<10240x128xf32, #tpu.memory_space<hbm>> -> memref<10240x128xf32, #tpu.memory_space<hbm>>
      tpu.wait_indirect_dma semaphore(%arg13 : memref<!tpu.dma_semaphore, #tpu.memory_space<semaphore_mem>>) src(%dma_wait3A_222 : memref<10240x128xf32, #tpu.memory_space<hbm>>) dst(%arg10 : memref<128x128xf32, #tpu.memory_space<vmem>>)
      %dma_start3A_223 = arith.constant 7 : i32
      %dma_start3A_224 = arith.constant 0 : i32
      %dma_start3A_225 = tpu.memref_slice %arg8[%rem3A_30, %dma_start3A_223, %dma_start3A_224] : memref<2x8x128xi32, #tpu.memory_space<vmem>> -> memref<1x1x128xi32, #tpu.memory_space<vmem>>
      %dma_start3A_226 = tpu.memref_squeeze %dma_start3A_225 : memref<1x1x128xi32, #tpu.memory_space<vmem>> -> memref<128xi32, #tpu.memory_space<vmem>>
      %dma_start3A_227 = arith.constant 0 : i32
      %dma_start3A_228 = arith.constant 0 : i32
      %dma_start3A_229 = tpu.memref_slice %arg11[%dma_start3A_227, %dma_start3A_228] : memref<10240x128xf32, #tpu.memory_space<vmem_shared>> -> memref<10240x128xf32, #tpu.memory_space<vmem_shared>>
      tpu.enqueue_indirect_dma source(%arg10 : memref<128x128xf32, #tpu.memory_space<vmem>>) target(%dma_start3A_229 : memref<10240x128xf32, #tpu.memory_space<vmem_shared>>) offsets(%dma_start3A_226 : memref<128xi32, #tpu.memory_space<vmem>>) semaphore(%arg15 : memref<!tpu.dma_semaphore, #tpu.memory_space<semaphore_mem>>) {add = true}
      %lt3A_230 = arith.constant 9 : i32
      %lt3A_231 = arith.cmpi slt, %scan3A_29, %lt3A_230 : i32
      %convert_element_type3A_232 = arith.extui %lt3A_231 : i1 to i32
      %cond3A_233 = arith.constant 0 : i32
      %cond3A_234 = arith.cmpi ne, %convert_element_type3A_232, %cond3A_233 : i32
      scf.if %cond3A_234 {
        %add3A_235 = arith.constant 1 : i32
        %add3A_236 = arith.addi %scan3A_29, %add3A_235 : i32
        %mul3A_237 = arith.constant 8 : i32
        %mul3A_238 = arith.muli %add3A_236, %mul3A_237 : i32
        %add3A_239 = arith.addi %mul3A_4, %mul3A_238 : i32
        %dma_wait3A_240 = arith.constant 0 : i32
        %dma_wait3A_241 = arith.constant 0 : i32
        %dma_wait3A_242 = tpu.memref_slice %arg7[%rem3A_34, %dma_wait3A_240, %dma_wait3A_241] : memref<2x8x128xi32, #tpu.memory_space<vmem>> -> memref<1x8x128xi32, #tpu.memory_space<vmem>>
        %dma_wait3A_243 = tpu.memref_squeeze %dma_wait3A_242 : memref<1x8x128xi32, #tpu.memory_space<vmem>> -> memref<8x128xi32, #tpu.memory_space<vmem>>
        %dma_wait3A_244 = arith.constant 0 : i32
        %dma_wait3A_245 = tpu.memref_slice %arg3[%add3A_239, %dma_wait3A_244] : memref<2560x128xi32, #tpu.memory_space<hbm>> -> memref<8x128xi32, #tpu.memory_space<hbm>>
        %dma_wait3A_246 = arith.constant 0 : i32
        %dma_wait3A_247 = arith.constant 0 : i32
        %dma_wait3A_248 = tpu.memref_slice %arg7[%rem3A_34, %dma_wait3A_246, %dma_wait3A_247] : memref<2x8x128xi32, #tpu.memory_space<vmem>> -> memref<1x8x128xi32, #tpu.memory_space<vmem>>
        %dma_wait3A_249 = tpu.memref_squeeze %dma_wait3A_248 : memref<1x8x128xi32, #tpu.memory_space<vmem>> -> memref<8x128xi32, #tpu.memory_space<vmem>>
        %dma_wait3A_250 = arith.constant 0 : i32
        %dma_wait3A_251 = tpu.memref_slice %arg3[%add3A_239, %dma_wait3A_250] : memref<2560x128xi32, #tpu.memory_space<hbm>> -> memref<8x128xi32, #tpu.memory_space<hbm>>
        tpu.wait_dma2 semaphore(%arg16 : memref<!tpu.dma_semaphore, #tpu.memory_space<semaphore_mem>>) src(%dma_wait3A_251 : memref<8x128xi32, #tpu.memory_space<hbm>>) dst(%dma_wait3A_249 : memref<8x128xi32, #tpu.memory_space<vmem>>)
        %dma_wait3A_252 = arith.constant 0 : i32
        %dma_wait3A_253 = arith.constant 0 : i32
        %dma_wait3A_254 = tpu.memref_slice %arg8[%rem3A_34, %dma_wait3A_252, %dma_wait3A_253] : memref<2x8x128xi32, #tpu.memory_space<vmem>> -> memref<1x8x128xi32, #tpu.memory_space<vmem>>
        %dma_wait3A_255 = tpu.memref_squeeze %dma_wait3A_254 : memref<1x8x128xi32, #tpu.memory_space<vmem>> -> memref<8x128xi32, #tpu.memory_space<vmem>>
        %dma_wait3A_256 = arith.constant 0 : i32
        %dma_wait3A_257 = tpu.memref_slice %arg4[%add3A_239, %dma_wait3A_256] : memref<2560x128xi32, #tpu.memory_space<hbm>> -> memref<8x128xi32, #tpu.memory_space<hbm>>
        %dma_wait3A_258 = arith.constant 0 : i32
        %dma_wait3A_259 = arith.constant 0 : i32
        %dma_wait3A_260 = tpu.memref_slice %arg8[%rem3A_34, %dma_wait3A_258, %dma_wait3A_259] : memref<2x8x128xi32, #tpu.memory_space<vmem>> -> memref<1x8x128xi32, #tpu.memory_space<vmem>>
        %dma_wait3A_261 = tpu.memref_squeeze %dma_wait3A_260 : memref<1x8x128xi32, #tpu.memory_space<vmem>> -> memref<8x128xi32, #tpu.memory_space<vmem>>
        %dma_wait3A_262 = arith.constant 0 : i32
        %dma_wait3A_263 = tpu.memref_slice %arg4[%add3A_239, %dma_wait3A_262] : memref<2560x128xi32, #tpu.memory_space<hbm>> -> memref<8x128xi32, #tpu.memory_space<hbm>>
        tpu.wait_dma2 semaphore(%arg16 : memref<!tpu.dma_semaphore, #tpu.memory_space<semaphore_mem>>) src(%dma_wait3A_263 : memref<8x128xi32, #tpu.memory_space<hbm>>) dst(%dma_wait3A_261 : memref<8x128xi32, #tpu.memory_space<vmem>>)
      } else {
      }
    }
    %scan3A_10 = arith.constant 10 : i32
    %dma_wait3A = arith.constant 0 : i32
    %dma_wait3A_11 = arith.constant 0 : i32
    %dma_wait3A_12 = arith.constant 0 : i32
    %dma_wait3A_13 = tpu.memref_slice %arg8[%dma_wait3A, %dma_wait3A_11, %dma_wait3A_12] : memref<2x8x128xi32, #tpu.memory_space<vmem>> -> memref<1x1x128xi32, #tpu.memory_space<vmem>>
    %dma_wait3A_14 = tpu.memref_squeeze %dma_wait3A_13 : memref<1x1x128xi32, #tpu.memory_space<vmem>> -> memref<128xi32, #tpu.memory_space<vmem>>
    %dma_wait3A_15 = arith.constant 0 : i32
    %dma_wait3A_16 = arith.constant 0 : i32
    %dma_wait3A_17 = tpu.memref_slice %arg11[%dma_wait3A_15, %dma_wait3A_16] : memref<10240x128xf32, #tpu.memory_space<vmem_shared>> -> memref<10240x128xf32, #tpu.memory_space<vmem_shared>>
    tpu.wait_indirect_dma semaphore(%arg14 : memref<!tpu.dma_semaphore, #tpu.memory_space<semaphore_mem>>) src(%arg9 : memref<128x128xf32, #tpu.memory_space<vmem>>) dst(%dma_wait3A_17 : memref<10240x128xf32, #tpu.memory_space<vmem_shared>>)
    %dma_wait3A_18 = arith.constant 0 : i32
    %dma_wait3A_19 = arith.constant 1 : i32
    %dma_wait3A_20 = arith.constant 0 : i32
    %dma_wait3A_21 = tpu.memref_slice %arg8[%dma_wait3A_18, %dma_wait3A_19, %dma_wait3A_20] : memref<2x8x128xi32, #tpu.memory_space<vmem>> -> memref<1x1x128xi32, #tpu.memory_space<vmem>>
    %dma_wait3A_22 = tpu.memref_squeeze %dma_wait3A_21 : memref<1x1x128xi32, #tpu.memory_space<vmem>> -> memref<128xi32, #tpu.memory_space<vmem>>
    %dma_wait3A_23 = arith.constant 0 : i32
    %dma_wait3A_24 = arith.constant 0 : i32
    %dma_wait3A_25 = tpu.memref_slice %arg11[%dma_wait3A_23, %dma_wait3A_24] : memref<10240x128xf32, #tpu.memory_space<vmem_shared>> -> memref<10240x128xf32, #tpu.memory_space<vmem_shared>>
    tpu.wait_indirect_dma semaphore(%arg15 : memref<!tpu.dma_semaphore, #tpu.memory_space<semaphore_mem>>) src(%arg10 : memref<128x128xf32, #tpu.memory_space<vmem>>) dst(%dma_wait3A_25 : memref<10240x128xf32, #tpu.memory_space<vmem_shared>>)
    %barrier3A_26 = arith.constant 0 : index
    tpu.barrier barrier_id(%barrier3A_26)
    %mul3A_27 = arith.constant 640 : i32
    %mul3A_28 = arith.muli %arg1, %mul3A_27 : i32
    "tpu.region"() ({
      %run_scoped3A_29 = tpu.sem_alloc : memref<!tpu.dma_semaphore, #tpu.memory_space<semaphore_mem>>
      %dma_start3A = arith.constant 0 : i32
      %dma_start3A_30 = tpu.memref_slice %arg6[%arg0, %mul3A_28, %dma_start3A] : memref<2x10240x128xf32, #tpu.memory_space<hbm>> -> memref<1x640x128xf32, #tpu.memory_space<hbm>>
      %dma_start3A_31 = tpu.memref_squeeze %dma_start3A_30 : memref<1x640x128xf32, #tpu.memory_space<hbm>> -> memref<640x128xf32, #tpu.memory_space<hbm>>
      %dma_start3A_32 = arith.constant 0 : i32
      %dma_start3A_33 = tpu.memref_slice %arg11[%mul3A_28, %dma_start3A_32] : memref<10240x128xf32, #tpu.memory_space<vmem_shared>> -> memref<640x128xf32, #tpu.memory_space<vmem_shared>>
      tpu.enqueue_dma source(%dma_start3A_33 : memref<640x128xf32, #tpu.memory_space<vmem_shared>>) target(%dma_start3A_31 : memref<640x128xf32, #tpu.memory_space<hbm>>) target_semaphore(%run_scoped3A_29 : memref<!tpu.dma_semaphore, #tpu.memory_space<semaphore_mem>>)
      %dma_wait3A_34 = arith.constant 0 : i32
      %dma_wait3A_35 = tpu.memref_slice %arg6[%arg0, %mul3A_28, %dma_wait3A_34] : memref<2x10240x128xf32, #tpu.memory_space<hbm>> -> memref<1x640x128xf32, #tpu.memory_space<hbm>>
      %dma_wait3A_36 = tpu.memref_squeeze %dma_wait3A_35 : memref<1x640x128xf32, #tpu.memory_space<hbm>> -> memref<640x128xf32, #tpu.memory_space<hbm>>
      %dma_wait3A_37 = arith.constant 0 : i32
      %dma_wait3A_38 = tpu.memref_slice %arg11[%mul3A_28, %dma_wait3A_37] : memref<10240x128xf32, #tpu.memory_space<vmem_shared>> -> memref<640x128xf32, #tpu.memory_space<vmem_shared>>
      tpu.wait_dma2 semaphore(%run_scoped3A_29 : memref<!tpu.dma_semaphore, #tpu.memory_space<semaphore_mem>>) src(%dma_wait3A_38 : memref<640x128xf32, #tpu.memory_space<vmem_shared>>) dst(%dma_wait3A_36 : memref<640x128xf32, #tpu.memory_space<hbm>>)
      tpu.yield
    }) : () -> ()
    return
  }
}

#map = affine_map<(d0, d1) -> (0, 0)>
#map1 = affine_map<(d0, d1) -> (0, 0, 0)>
module attributes {stable_mosaic.version = 14 : i64} {
  func.func @_sc_degree(%arg0: i32, %arg1: i32, %arg2: memref<2560x128xi32, #tpu.memory_space<hbm>>, %arg3: memref<2x10240x1xf32, #tpu.memory_space<hbm>>, %arg4: memref<80x128xi32, #tpu.memory_space<vmem>>, %arg5: memref<10240xf32, #tpu.memory_space<vmem>>, %arg6: memref<16x640xf32, #tpu.memory_space<vmem>>, %arg7: memref<640x1xf32, #tpu.memory_space<vmem>>, %arg8: memref<16x10240xf32, #tpu.memory_space<vmem_shared>>) attributes {dimension_semantics = [#tpu.dimension_semantics<core_parallel>, #tpu.dimension_semantics<subcore_parallel>], iteration_bounds = array<i64: 2, 16>, scalar_prefetch = 0 : i64, scratch_operands = 5 : i64, tpu.core_type = #tpu.core_type<sc_vector_subcore>, window_params = [{transform_indices = #map}, {transform_indices = #map1}]} {
    %mul3A = arith.constant 2 : i32
    %mul3A_0 = arith.muli %arg1, %mul3A : i32
    %add3A = arith.addi %mul3A_0, %arg0 : i32
    %mul3A_1 = arith.constant 80 : i32
    %mul3A_2 = arith.muli %add3A, %mul3A_1 : i32
    "tpu.region"() ({
      %run_scoped3A = tpu.sem_alloc : memref<!tpu.dma_semaphore, #tpu.memory_space<semaphore_mem>>
      %dma_start3A = arith.constant 0 : i32
      %dma_start3A_27 = tpu.memref_slice %arg2[%mul3A_2, %dma_start3A] : memref<2560x128xi32, #tpu.memory_space<hbm>> -> memref<80x128xi32, #tpu.memory_space<hbm>>
      %dma_start3A_28 = arith.constant 0 : i32
      %dma_start3A_29 = tpu.memref_slice %arg2[%mul3A_2, %dma_start3A_28] : memref<2560x128xi32, #tpu.memory_space<hbm>> -> memref<80x128xi32, #tpu.memory_space<hbm>>
      tpu.enqueue_dma source(%dma_start3A_29 : memref<80x128xi32, #tpu.memory_space<hbm>>) target(%arg4 : memref<80x128xi32, #tpu.memory_space<vmem>>) target_semaphore(%run_scoped3A : memref<!tpu.dma_semaphore, #tpu.memory_space<semaphore_mem>>)
      %dma_wait3A = arith.constant 0 : i32
      %dma_wait3A_30 = tpu.memref_slice %arg2[%mul3A_2, %dma_wait3A] : memref<2560x128xi32, #tpu.memory_space<hbm>> -> memref<80x128xi32, #tpu.memory_space<hbm>>
      %dma_wait3A_31 = arith.constant 0 : i32
      %dma_wait3A_32 = tpu.memref_slice %arg2[%mul3A_2, %dma_wait3A_31] : memref<2560x128xi32, #tpu.memory_space<hbm>> -> memref<80x128xi32, #tpu.memory_space<hbm>>
      tpu.wait_dma2 semaphore(%run_scoped3A : memref<!tpu.dma_semaphore, #tpu.memory_space<semaphore_mem>>) src(%dma_wait3A_32 : memref<80x128xi32, #tpu.memory_space<hbm>>) dst(%arg4 : memref<80x128xi32, #tpu.memory_space<vmem>>)
      tpu.yield
    }) : () -> ()
    %broadcast_in_dim3A = arith.constant 0.000000e+00 : f32
    %broadcast_in_dim3A_3 = vector.broadcast %broadcast_in_dim3A : f32 to vector<16xf32>
    %broadcast_in_dim3A_4 = arith.constant 1.000000e+00 : f32
    %broadcast_in_dim3A_5 = vector.broadcast %broadcast_in_dim3A_4 : f32 to vector<16xf32>
    %iota3A = tpu.iota {dimensions = array<i32: 0>} : vector<16xi32>
    %scan3A = arith.constant 0 : i32
    %scan3A_6 = arith.constant 0 : i32
    %scan3A_7 = arith.constant 640 : i32
    %scan3A_8 = arith.addi %scan3A_6, %scan3A_7 : i32
    %scan3A_9 = arith.constant 1 : i32
    scf.for %scan3A_27 = %scan3A_6 to %scan3A_8 step %scan3A_9  : i32 {
      %mul3A_28 = arith.constant 16 : i32
      %mul3A_29 = arith.muli %scan3A_27, %mul3A_28 : i32
      %swap3A = arith.index_cast %mul3A_29 : i32 to index
      %swap3A_30 = tpu.vector_load %arg5[%swap3A] {strides = array<i32>} : memref<10240xf32, #tpu.memory_space<vmem>>, vector<16xf32>,
      tpu.vector_store %arg5[%swap3A], %broadcast_in_dim3A_3 {strides = array<i32>} : memref<10240xf32, #tpu.memory_space<vmem>>, vector<16xf32>,
    }
    %scan3A_10 = arith.constant 640 : i32
    %scan3A_11 = arith.constant 0 : i32
    %scan3A_12 = arith.constant 0 : i32
    %scan3A_13 = arith.constant 80 : i32
    %scan3A_14 = arith.addi %scan3A_12, %scan3A_13 : i32
    %scan3A_15 = arith.constant 1 : i32
    scf.for %scan3A_27 = %scan3A_12 to %scan3A_14 step %scan3A_15  : i32 {
      %get3A = arith.index_cast %scan3A_27 : i32 to index
      %get3A_28 = arith.constant 0 : index
      %get3A_29 = tpu.vector_load %arg4[%get3A, %get3A_28] {strides = array<i32>} : memref<80x128xi32, #tpu.memory_space<vmem>>, vector<16xi32>,
      tpu.vector_store_idx %arg5[%get3A_29], %broadcast_in_dim3A_5 {add = true} : memref<10240xf32, #tpu.memory_space<vmem>>[vector<16xi32>], vector<16xf32>,
      %get3A_30 = arith.index_cast %scan3A_27 : i32 to index
      %get3A_31 = arith.constant 16 : index
      %get3A_32 = tpu.vector_load %arg4[%get3A_30, %get3A_31] {strides = array<i32>} : memref<80x128xi32, #tpu.memory_space<vmem>>, vector<16xi32>,
      tpu.vector_store_idx %arg5[%get3A_32], %broadcast_in_dim3A_5 {add = true} : memref<10240xf32, #tpu.memory_space<vmem>>[vector<16xi32>], vector<16xf32>,
      %get3A_33 = arith.index_cast %scan3A_27 : i32 to index
      %get3A_34 = arith.constant 32 : index
      %get3A_35 = tpu.vector_load %arg4[%get3A_33, %get3A_34] {strides = array<i32>} : memref<80x128xi32, #tpu.memory_space<vmem>>, vector<16xi32>,
      tpu.vector_store_idx %arg5[%get3A_35], %broadcast_in_dim3A_5 {add = true} : memref<10240xf32, #tpu.memory_space<vmem>>[vector<16xi32>], vector<16xf32>,
      %get3A_36 = arith.index_cast %scan3A_27 : i32 to index
      %get3A_37 = arith.constant 48 : index
      %get3A_38 = tpu.vector_load %arg4[%get3A_36, %get3A_37] {strides = array<i32>} : memref<80x128xi32, #tpu.memory_space<vmem>>, vector<16xi32>,
      tpu.vector_store_idx %arg5[%get3A_38], %broadcast_in_dim3A_5 {add = true} : memref<10240xf32, #tpu.memory_space<vmem>>[vector<16xi32>], vector<16xf32>,
      %get3A_39 = arith.index_cast %scan3A_27 : i32 to index
      %get3A_40 = arith.constant 64 : index
      %get3A_41 = tpu.vector_load %arg4[%get3A_39, %get3A_40] {strides = array<i32>} : memref<80x128xi32, #tpu.memory_space<vmem>>, vector<16xi32>,
      tpu.vector_store_idx %arg5[%get3A_41], %broadcast_in_dim3A_5 {add = true} : memref<10240xf32, #tpu.memory_space<vmem>>[vector<16xi32>], vector<16xf32>,
      %get3A_42 = arith.index_cast %scan3A_27 : i32 to index
      %get3A_43 = arith.constant 80 : index
      %get3A_44 = tpu.vector_load %arg4[%get3A_42, %get3A_43] {strides = array<i32>} : memref<80x128xi32, #tpu.memory_space<vmem>>, vector<16xi32>,
      tpu.vector_store_idx %arg5[%get3A_44], %broadcast_in_dim3A_5 {add = true} : memref<10240xf32, #tpu.memory_space<vmem>>[vector<16xi32>], vector<16xf32>,
      %get3A_45 = arith.index_cast %scan3A_27 : i32 to index
      %get3A_46 = arith.constant 96 : index
      %get3A_47 = tpu.vector_load %arg4[%get3A_45, %get3A_46] {strides = array<i32>} : memref<80x128xi32, #tpu.memory_space<vmem>>, vector<16xi32>,
      tpu.vector_store_idx %arg5[%get3A_47], %broadcast_in_dim3A_5 {add = true} : memref<10240xf32, #tpu.memory_space<vmem>>[vector<16xi32>], vector<16xf32>,
      %get3A_48 = arith.index_cast %scan3A_27 : i32 to index
      %get3A_49 = arith.constant 112 : index
      %get3A_50 = tpu.vector_load %arg4[%get3A_48, %get3A_49] {strides = array<i32>} : memref<80x128xi32, #tpu.memory_space<vmem>>, vector<16xi32>,
      tpu.vector_store_idx %arg5[%get3A_50], %broadcast_in_dim3A_5 {add = true} : memref<10240xf32, #tpu.memory_space<vmem>>[vector<16xi32>], vector<16xf32>,
    }
    %scan3A_16 = arith.constant 80 : i32
    "tpu.region"() ({
      %run_scoped3A = tpu.sem_alloc : memref<!tpu.dma_semaphore, #tpu.memory_space<semaphore_mem>>
      %dma_start3A = arith.constant 0 : i32
      %dma_start3A_27 = tpu.memref_slice %arg8[%arg1, %dma_start3A] : memref<16x10240xf32, #tpu.memory_space<vmem_shared>> -> memref<1x10240xf32, #tpu.memory_space<vmem_shared>>
      %dma_start3A_28 = tpu.memref_squeeze %dma_start3A_27 : memref<1x10240xf32, #tpu.memory_space<vmem_shared>> -> memref<10240xf32, #tpu.memory_space<vmem_shared>>
      %dma_start3A_29 = arith.constant 0 : i32
      %dma_start3A_30 = tpu.memref_slice %arg8[%arg1, %dma_start3A_29] : memref<16x10240xf32, #tpu.memory_space<vmem_shared>> -> memref<1x10240xf32, #tpu.memory_space<vmem_shared>>
      %dma_start3A_31 = tpu.memref_squeeze %dma_start3A_30 : memref<1x10240xf32, #tpu.memory_space<vmem_shared>> -> memref<10240xf32, #tpu.memory_space<vmem_shared>>
      tpu.enqueue_dma source(%arg5 : memref<10240xf32, #tpu.memory_space<vmem>>) target(%dma_start3A_31 : memref<10240xf32, #tpu.memory_space<vmem_shared>>) target_semaphore(%run_scoped3A : memref<!tpu.dma_semaphore, #tpu.memory_space<semaphore_mem>>)
      %dma_wait3A = arith.constant 0 : i32
      %dma_wait3A_32 = tpu.memref_slice %arg8[%arg1, %dma_wait3A] : memref<16x10240xf32, #tpu.memory_space<vmem_shared>> -> memref<1x10240xf32, #tpu.memory_space<vmem_shared>>
      %dma_wait3A_33 = tpu.memref_squeeze %dma_wait3A_32 : memref<1x10240xf32, #tpu.memory_space<vmem_shared>> -> memref<10240xf32, #tpu.memory_space<vmem_shared>>
      %dma_wait3A_34 = arith.constant 0 : i32
      %dma_wait3A_35 = tpu.memref_slice %arg8[%arg1, %dma_wait3A_34] : memref<16x10240xf32, #tpu.memory_space<vmem_shared>> -> memref<1x10240xf32, #tpu.memory_space<vmem_shared>>
      %dma_wait3A_36 = tpu.memref_squeeze %dma_wait3A_35 : memref<1x10240xf32, #tpu.memory_space<vmem_shared>> -> memref<10240xf32, #tpu.memory_space<vmem_shared>>
      tpu.wait_dma2 semaphore(%run_scoped3A : memref<!tpu.dma_semaphore, #tpu.memory_space<semaphore_mem>>) src(%arg5 : memref<10240xf32, #tpu.memory_space<vmem>>) dst(%dma_wait3A_36 : memref<10240xf32, #tpu.memory_space<vmem_shared>>)
      tpu.yield
    }) : () -> ()
    %barrier3A = arith.constant 0 : index
    tpu.barrier barrier_id(%barrier3A)
    %mul3A_17 = arith.constant 640 : i32
    %mul3A_18 = arith.muli %arg1, %mul3A_17 : i32
    "tpu.region"() ({
      %run_scoped3A = tpu.sem_alloc : memref<!tpu.dma_semaphore, #tpu.memory_space<semaphore_mem>>
      %dma_start3A = arith.constant 0 : i32
      %dma_start3A_27 = tpu.memref_slice %arg8[%dma_start3A, %mul3A_18] : memref<16x10240xf32, #tpu.memory_space<vmem_shared>> -> memref<16x640xf32, #tpu.memory_space<vmem_shared>>
      %dma_start3A_28 = arith.constant 0 : i32
      %dma_start3A_29 = tpu.memref_slice %arg8[%dma_start3A_28, %mul3A_18] : memref<16x10240xf32, #tpu.memory_space<vmem_shared>> -> memref<16x640xf32, #tpu.memory_space<vmem_shared>>
      tpu.enqueue_dma source(%dma_start3A_29 : memref<16x640xf32, #tpu.memory_space<vmem_shared>>) target(%arg6 : memref<16x640xf32, #tpu.memory_space<vmem>>) target_semaphore(%run_scoped3A : memref<!tpu.dma_semaphore, #tpu.memory_space<semaphore_mem>>)
      %dma_wait3A = arith.constant 0 : i32
      %dma_wait3A_30 = tpu.memref_slice %arg8[%dma_wait3A, %mul3A_18] : memref<16x10240xf32, #tpu.memory_space<vmem_shared>> -> memref<16x640xf32, #tpu.memory_space<vmem_shared>>
      %dma_wait3A_31 = arith.constant 0 : i32
      %dma_wait3A_32 = tpu.memref_slice %arg8[%dma_wait3A_31, %mul3A_18] : memref<16x10240xf32, #tpu.memory_space<vmem_shared>> -> memref<16x640xf32, #tpu.memory_space<vmem_shared>>
      tpu.wait_dma2 semaphore(%run_scoped3A : memref<!tpu.dma_semaphore, #tpu.memory_space<semaphore_mem>>) src(%dma_wait3A_32 : memref<16x640xf32, #tpu.memory_space<vmem_shared>>) dst(%arg6 : memref<16x640xf32, #tpu.memory_space<vmem>>)
      tpu.yield
    }) : () -> ()
    %scan3A_19 = arith.constant 0 : i32
    %scan3A_20 = arith.constant 0 : i32
    %scan3A_21 = arith.constant 40 : i32
    %scan3A_22 = arith.addi %scan3A_20, %scan3A_21 : i32
    %scan3A_23 = arith.constant 1 : i32
    scf.for %scan3A_27 = %scan3A_20 to %scan3A_22 step %scan3A_23  : i32 {
      %mul3A_28 = arith.constant 16 : i32
      %mul3A_29 = arith.muli %scan3A_27, %mul3A_28 : i32
      %get3A = arith.constant 0 : i32
      %get3A_30 = arith.index_cast %get3A : i32 to index
      %get3A_31 = arith.index_cast %mul3A_29 : i32 to index
      %get3A_32 = tpu.vector_load %arg6[%get3A_30, %get3A_31] {strides = array<i32>} : memref<16x640xf32, #tpu.memory_space<vmem>>, vector<16xf32>,
      %add3A_33 = arith.addf %broadcast_in_dim3A_3, %get3A_32 : vector<16xf32>
      %mul3A_34 = arith.constant 16 : i32
      %mul3A_35 = arith.muli %scan3A_27, %mul3A_34 : i32
      %get3A_36 = arith.constant 1 : i32
      %get3A_37 = arith.index_cast %get3A_36 : i32 to index
      %get3A_38 = arith.index_cast %mul3A_35 : i32 to index
      %get3A_39 = tpu.vector_load %arg6[%get3A_37, %get3A_38] {strides = array<i32>} : memref<16x640xf32, #tpu.memory_space<vmem>>, vector<16xf32>,
      %add3A_40 = arith.addf %add3A_33, %get3A_39 : vector<16xf32>
      %mul3A_41 = arith.constant 16 : i32
      %mul3A_42 = arith.muli %scan3A_27, %mul3A_41 : i32
      %get3A_43 = arith.constant 2 : i32
      %get3A_44 = arith.index_cast %get3A_43 : i32 to index
      %get3A_45 = arith.index_cast %mul3A_42 : i32 to index
      %get3A_46 = tpu.vector_load %arg6[%get3A_44, %get3A_45] {strides = array<i32>} : memref<16x640xf32, #tpu.memory_space<vmem>>, vector<16xf32>,
      %add3A_47 = arith.addf %add3A_40, %get3A_46 : vector<16xf32>
      %mul3A_48 = arith.constant 16 : i32
      %mul3A_49 = arith.muli %scan3A_27, %mul3A_48 : i32
      %get3A_50 = arith.constant 3 : i32
      %get3A_51 = arith.index_cast %get3A_50 : i32 to index
      %get3A_52 = arith.index_cast %mul3A_49 : i32 to index
      %get3A_53 = tpu.vector_load %arg6[%get3A_51, %get3A_52] {strides = array<i32>} : memref<16x640xf32, #tpu.memory_space<vmem>>, vector<16xf32>,
      %add3A_54 = arith.addf %add3A_47, %get3A_53 : vector<16xf32>
      %mul3A_55 = arith.constant 16 : i32
      %mul3A_56 = arith.muli %scan3A_27, %mul3A_55 : i32
      %get3A_57 = arith.constant 4 : i32
      %get3A_58 = arith.index_cast %get3A_57 : i32 to index
      %get3A_59 = arith.index_cast %mul3A_56 : i32 to index
      %get3A_60 = tpu.vector_load %arg6[%get3A_58, %get3A_59] {strides = array<i32>} : memref<16x640xf32, #tpu.memory_space<vmem>>, vector<16xf32>,
      %add3A_61 = arith.addf %add3A_54, %get3A_60 : vector<16xf32>
      %mul3A_62 = arith.constant 16 : i32
      %mul3A_63 = arith.muli %scan3A_27, %mul3A_62 : i32
      %get3A_64 = arith.constant 5 : i32
      %get3A_65 = arith.index_cast %get3A_64 : i32 to index
      %get3A_66 = arith.index_cast %mul3A_63 : i32 to index
      %get3A_67 = tpu.vector_load %arg6[%get3A_65, %get3A_66] {strides = array<i32>} : memref<16x640xf32, #tpu.memory_space<vmem>>, vector<16xf32>,
      %add3A_68 = arith.addf %add3A_61, %get3A_67 : vector<16xf32>
      %mul3A_69 = arith.constant 16 : i32
      %mul3A_70 = arith.muli %scan3A_27, %mul3A_69 : i32
      %get3A_71 = arith.constant 6 : i32
      %get3A_72 = arith.index_cast %get3A_71 : i32 to index
      %get3A_73 = arith.index_cast %mul3A_70 : i32 to index
      %get3A_74 = tpu.vector_load %arg6[%get3A_72, %get3A_73] {strides = array<i32>} : memref<16x640xf32, #tpu.memory_space<vmem>>, vector<16xf32>,
      %add3A_75 = arith.addf %add3A_68, %get3A_74 : vector<16xf32>
      %mul3A_76 = arith.constant 16 : i32
      %mul3A_77 = arith.muli %scan3A_27, %mul3A_76 : i32
      %get3A_78 = arith.constant 7 : i32
      %get3A_79 = arith.index_cast %get3A_78 : i32 to index
      %get3A_80 = arith.index_cast %mul3A_77 : i32 to index
      %get3A_81 = tpu.vector_load %arg6[%get3A_79, %get3A_80] {strides = array<i32>} : memref<16x640xf32, #tpu.memory_space<vmem>>, vector<16xf32>,
      %add3A_82 = arith.addf %add3A_75, %get3A_81 : vector<16xf32>
      %mul3A_83 = arith.constant 16 : i32
      %mul3A_84 = arith.muli %scan3A_27, %mul3A_83 : i32
      %get3A_85 = arith.constant 8 : i32
      %get3A_86 = arith.index_cast %get3A_85 : i32 to index
      %get3A_87 = arith.index_cast %mul3A_84 : i32 to index
      %get3A_88 = tpu.vector_load %arg6[%get3A_86, %get3A_87] {strides = array<i32>} : memref<16x640xf32, #tpu.memory_space<vmem>>, vector<16xf32>,
      %add3A_89 = arith.addf %add3A_82, %get3A_88 : vector<16xf32>
      %mul3A_90 = arith.constant 16 : i32
      %mul3A_91 = arith.muli %scan3A_27, %mul3A_90 : i32
      %get3A_92 = arith.constant 9 : i32
      %get3A_93 = arith.index_cast %get3A_92 : i32 to index
      %get3A_94 = arith.index_cast %mul3A_91 : i32 to index
      %get3A_95 = tpu.vector_load %arg6[%get3A_93, %get3A_94] {strides = array<i32>} : memref<16x640xf32, #tpu.memory_space<vmem>>, vector<16xf32>,
      %add3A_96 = arith.addf %add3A_89, %get3A_95 : vector<16xf32>
      %mul3A_97 = arith.constant 16 : i32
      %mul3A_98 = arith.muli %scan3A_27, %mul3A_97 : i32
      %get3A_99 = arith.constant 10 : i32
      %get3A_100 = arith.index_cast %get3A_99 : i32 to index
      %get3A_101 = arith.index_cast %mul3A_98 : i32 to index
      %get3A_102 = tpu.vector_load %arg6[%get3A_100, %get3A_101] {strides = array<i32>} : memref<16x640xf32, #tpu.memory_space<vmem>>, vector<16xf32>,
      %add3A_103 = arith.addf %add3A_96, %get3A_102 : vector<16xf32>
      %mul3A_104 = arith.constant 16 : i32
      %mul3A_105 = arith.muli %scan3A_27, %mul3A_104 : i32
      %get3A_106 = arith.constant 11 : i32
      %get3A_107 = arith.index_cast %get3A_106 : i32 to index
      %get3A_108 = arith.index_cast %mul3A_105 : i32 to index
      %get3A_109 = tpu.vector_load %arg6[%get3A_107, %get3A_108] {strides = array<i32>} : memref<16x640xf32, #tpu.memory_space<vmem>>, vector<16xf32>,
      %add3A_110 = arith.addf %add3A_103, %get3A_109 : vector<16xf32>
      %mul3A_111 = arith.constant 16 : i32
      %mul3A_112 = arith.muli %scan3A_27, %mul3A_111 : i32
      %get3A_113 = arith.constant 12 : i32
      %get3A_114 = arith.index_cast %get3A_113 : i32 to index
      %get3A_115 = arith.index_cast %mul3A_112 : i32 to index
      %get3A_116 = tpu.vector_load %arg6[%get3A_114, %get3A_115] {strides = array<i32>} : memref<16x640xf32, #tpu.memory_space<vmem>>, vector<16xf32>,
      %add3A_117 = arith.addf %add3A_110, %get3A_116 : vector<16xf32>
      %mul3A_118 = arith.constant 16 : i32
      %mul3A_119 = arith.muli %scan3A_27, %mul3A_118 : i32
      %get3A_120 = arith.constant 13 : i32
      %get3A_121 = arith.index_cast %get3A_120 : i32 to index
      %get3A_122 = arith.index_cast %mul3A_119 : i32 to index
      %get3A_123 = tpu.vector_load %arg6[%get3A_121, %get3A_122] {strides = array<i32>} : memref<16x640xf32, #tpu.memory_space<vmem>>, vector<16xf32>,
      %add3A_124 = arith.addf %add3A_117, %get3A_123 : vector<16xf32>
      %mul3A_125 = arith.constant 16 : i32
      %mul3A_126 = arith.muli %scan3A_27, %mul3A_125 : i32
      %get3A_127 = arith.constant 14 : i32
      %get3A_128 = arith.index_cast %get3A_127 : i32 to index
      %get3A_129 = arith.index_cast %mul3A_126 : i32 to index
      %get3A_130 = tpu.vector_load %arg6[%get3A_128, %get3A_129] {strides = array<i32>} : memref<16x640xf32, #tpu.memory_space<vmem>>, vector<16xf32>,
      %add3A_131 = arith.addf %add3A_124, %get3A_130 : vector<16xf32>
      %mul3A_132 = arith.constant 16 : i32
      %mul3A_133 = arith.muli %scan3A_27, %mul3A_132 : i32
      %get3A_134 = arith.constant 15 : i32
      %get3A_135 = arith.index_cast %get3A_134 : i32 to index
      %get3A_136 = arith.index_cast %mul3A_133 : i32 to index
      %get3A_137 = tpu.vector_load %arg6[%get3A_135, %get3A_136] {strides = array<i32>} : memref<16x640xf32, #tpu.memory_space<vmem>>, vector<16xf32>,
      %add3A_138 = arith.addf %add3A_131, %get3A_137 : vector<16xf32>
      %mul3A_139 = arith.constant 16 : i32
      %mul3A_140 = arith.muli %scan3A_27, %mul3A_139 : i32
      %add3A_141 = vector.broadcast %mul3A_140 : i32 to vector<16xi32>
      %add3A_142 = arith.addi %add3A_141, %iota3A : vector<16xi32>
      %mul3A_143 = arith.constant 0 : i32
      %mul3A_144 = vector.broadcast %mul3A_143 : i32 to vector<16xi32>
      %mul3A_145 = arith.muli %iota3A, %mul3A_144 : vector<16xi32>
      tpu.vector_store_idx %arg7[%add3A_142, %mul3A_145], %add3A_138 : memref<640x1xf32, #tpu.memory_space<vmem>>[vector<16xi32>, vector<16xi32>], vector<16xf32>,
    }
    %scan3A_24 = arith.constant 40 : i32
    %mul3A_25 = arith.constant 640 : i32
    %mul3A_26 = arith.muli %arg1, %mul3A_25 : i32
    "tpu.region"() ({
      %run_scoped3A = tpu.sem_alloc : memref<!tpu.dma_semaphore, #tpu.memory_space<semaphore_mem>>
      %dma_start3A = arith.constant 0 : i32
      %dma_start3A_27 = tpu.memref_slice %arg3[%arg0, %mul3A_26, %dma_start3A] : memref<2x10240x1xf32, #tpu.memory_space<hbm>> -> memref<1x640x1xf32, #tpu.memory_space<hbm>>
      %dma_start3A_28 = tpu.memref_squeeze %dma_start3A_27 : memref<1x640x1xf32, #tpu.memory_space<hbm>> -> memref<640x1xf32, #tpu.memory_space<hbm>>
      %dma_start3A_29 = arith.constant 0 : i32
      %dma_start3A_30 = tpu.memref_slice %arg3[%arg0, %mul3A_26, %dma_start3A_29] : memref<2x10240x1xf32, #tpu.memory_space<hbm>> -> memref<1x640x1xf32, #tpu.memory_space<hbm>>
      %dma_start3A_31 = tpu.memref_squeeze %dma_start3A_30 : memref<1x640x1xf32, #tpu.memory_space<hbm>> -> memref<640x1xf32, #tpu.memory_space<hbm>>
      tpu.enqueue_dma source(%arg7 : memref<640x1xf32, #tpu.memory_space<vmem>>) target(%dma_start3A_31 : memref<640x1xf32, #tpu.memory_space<hbm>>) target_semaphore(%run_scoped3A : memref<!tpu.dma_semaphore, #tpu.memory_space<semaphore_mem>>)
      %dma_wait3A = arith.constant 0 : i32
      %dma_wait3A_32 = tpu.memref_slice %arg3[%arg0, %mul3A_26, %dma_wait3A] : memref<2x10240x1xf32, #tpu.memory_space<hbm>> -> memref<1x640x1xf32, #tpu.memory_space<hbm>>
      %dma_wait3A_33 = tpu.memref_squeeze %dma_wait3A_32 : memref<1x640x1xf32, #tpu.memory_space<hbm>> -> memref<640x1xf32, #tpu.memory_space<hbm>>
      %dma_wait3A_34 = arith.constant 0 : i32
      %dma_wait3A_35 = tpu.memref_slice %arg3[%arg0, %mul3A_26, %dma_wait3A_34] : memref<2x10240x1xf32, #tpu.memory_space<hbm>> -> memref<1x640x1xf32, #tpu.memory_space<hbm>>
      %dma_wait3A_36 = tpu.memref_squeeze %dma_wait3A_35 : memref<1x640x1xf32, #tpu.memory_space<hbm>> -> memref<640x1xf32, #tpu.memory_space<hbm>>
      tpu.wait_dma2 semaphore(%run_scoped3A : memref<!tpu.dma_semaphore, #tpu.memory_space<semaphore_mem>>) src(%arg7 : memref<640x1xf32, #tpu.memory_space<vmem>>) dst(%dma_wait3A_36 : memref<640x1xf32, #tpu.memory_space<hbm>>)
      tpu.yield
    }) : () -> ()
    return
  }
}

#map = affine_map<(d0, d1) -> (0, 0)>
#map1 = affine_map<(d0, d1) -> (0, 0, 0)>
module attributes {stable_mosaic.version = 14 : i64} {
  func.func @_sc_scatter(%arg0: i32, %arg1: i32, %arg2: memref<10240x128xf32, #tpu.memory_space<hbm>>, %arg3: memref<2560x128xi32, #tpu.memory_space<hbm>>, %arg4: memref<2560x128xi32, #tpu.memory_space<hbm>>, %arg5: memref<640x128xf32, #tpu.memory_space<hbm>>, %arg6: memref<2x10240x128xf32, #tpu.memory_space<hbm>>, %arg7: memref<2x8x128xi32, #tpu.memory_space<vmem>>, %arg8: memref<2x8x128xi32, #tpu.memory_space<vmem>>, %arg9: memref<128x128xf32, #tpu.memory_space<vmem>>, %arg10: memref<128x128xf32, #tpu.memory_space<vmem>>, %arg11: memref<10240x128xf32, #tpu.memory_space<vmem_shared>>, %arg12: memref<!tpu.dma_semaphore, #tpu.memory_space<semaphore_mem>>, %arg13: memref<!tpu.dma_semaphore, #tpu.memory_space<semaphore_mem>>, %arg14: memref<!tpu.dma_semaphore, #tpu.memory_space<semaphore_mem>>, %arg15: memref<!tpu.dma_semaphore, #tpu.memory_space<semaphore_mem>>, %arg16: memref<!tpu.dma_semaphore, #tpu.memory_space<semaphore_mem>>) attributes {dimension_semantics = [#tpu.dimension_semantics<core_parallel>, #tpu.dimension_semantics<subcore_parallel>], iteration_bounds = array<i64: 2, 16>, scalar_prefetch = 0 : i64, scratch_operands = 10 : i64, tpu.core_type = #tpu.core_type<sc_vector_subcore>, window_params = [{transform_indices = #map}, {transform_indices = #map}, {transform_indices = #map}, {transform_indices = #map}, {transform_indices = #map1}]} {
    %mul3A = arith.constant 2 : i32
    %mul3A_0 = arith.muli %arg1, %mul3A : i32
    %add3A = arith.addi %mul3A_0, %arg0 : i32
    %mul3A_1 = arith.constant 640 : i32
    %mul3A_2 = arith.muli %arg1, %mul3A_1 : i32
    "tpu.region"() ({
      %run_scoped3A_29 = tpu.sem_alloc : memref<!tpu.dma_semaphore, #tpu.memory_space<semaphore_mem>>
      %dma_start3A = arith.constant 0 : i32
      %dma_start3A_30 = tpu.memref_slice %arg11[%mul3A_2, %dma_start3A] : memref<10240x128xf32, #tpu.memory_space<vmem_shared>> -> memref<640x128xf32, #tpu.memory_space<vmem_shared>>
      tpu.enqueue_dma source(%arg5 : memref<640x128xf32, #tpu.memory_space<hbm>>) target(%dma_start3A_30 : memref<640x128xf32, #tpu.memory_space<vmem_shared>>) target_semaphore(%run_scoped3A_29 : memref<!tpu.dma_semaphore, #tpu.memory_space<semaphore_mem>>)
      %dma_wait3A_31 = arith.constant 0 : i32
      %dma_wait3A_32 = tpu.memref_slice %arg11[%mul3A_2, %dma_wait3A_31] : memref<10240x128xf32, #tpu.memory_space<vmem_shared>> -> memref<640x128xf32, #tpu.memory_space<vmem_shared>>
      tpu.wait_dma2 semaphore(%run_scoped3A_29 : memref<!tpu.dma_semaphore, #tpu.memory_space<semaphore_mem>>) src(%arg5 : memref<640x128xf32, #tpu.memory_space<hbm>>) dst(%dma_wait3A_32 : memref<640x128xf32, #tpu.memory_space<vmem_shared>>)
      tpu.yield
    }) : () -> ()
    %barrier3A = arith.constant 0 : index
    tpu.barrier barrier_id(%barrier3A)
    %mul3A_3 = arith.constant 80 : i32
    %mul3A_4 = arith.muli %add3A, %mul3A_3 : i32
    %run_scoped3A = arith.constant 0 : i32
    "tpu.region"() ({
      %run_scoped3A_29 = tpu.sem_alloc : memref<!tpu.dma_semaphore, #tpu.memory_space<semaphore_mem>>
      %dma_start3A = arith.constant 0 : i32
      %dma_start3A_30 = arith.constant 0 : i32
      %dma_start3A_31 = tpu.memref_slice %arg7[%run_scoped3A, %dma_start3A, %dma_start3A_30] : memref<2x8x128xi32, #tpu.memory_space<vmem>> -> memref<1x8x128xi32, #tpu.memory_space<vmem>>
      %dma_start3A_32 = tpu.memref_squeeze %dma_start3A_31 : memref<1x8x128xi32, #tpu.memory_space<vmem>> -> memref<8x128xi32, #tpu.memory_space<vmem>>
      %dma_start3A_33 = arith.constant 0 : i32
      %dma_start3A_34 = tpu.memref_slice %arg3[%mul3A_4, %dma_start3A_33] : memref<2560x128xi32, #tpu.memory_space<hbm>> -> memref<8x128xi32, #tpu.memory_space<hbm>>
      %dma_start3A_35 = arith.constant 0 : i32
      %dma_start3A_36 = arith.constant 0 : i32
      %dma_start3A_37 = tpu.memref_slice %arg7[%run_scoped3A, %dma_start3A_35, %dma_start3A_36] : memref<2x8x128xi32, #tpu.memory_space<vmem>> -> memref<1x8x128xi32, #tpu.memory_space<vmem>>
      %dma_start3A_38 = tpu.memref_squeeze %dma_start3A_37 : memref<1x8x128xi32, #tpu.memory_space<vmem>> -> memref<8x128xi32, #tpu.memory_space<vmem>>
      %dma_start3A_39 = arith.constant 0 : i32
      %dma_start3A_40 = tpu.memref_slice %arg3[%mul3A_4, %dma_start3A_39] : memref<2560x128xi32, #tpu.memory_space<hbm>> -> memref<8x128xi32, #tpu.memory_space<hbm>>
      tpu.enqueue_dma source(%dma_start3A_40 : memref<8x128xi32, #tpu.memory_space<hbm>>) target(%dma_start3A_38 : memref<8x128xi32, #tpu.memory_space<vmem>>) target_semaphore(%run_scoped3A_29 : memref<!tpu.dma_semaphore, #tpu.memory_space<semaphore_mem>>)
      %dma_wait3A_41 = arith.constant 0 : i32
      %dma_wait3A_42 = arith.constant 0 : i32
      %dma_wait3A_43 = tpu.memref_slice %arg7[%run_scoped3A, %dma_wait3A_41, %dma_wait3A_42] : memref<2x8x128xi32, #tpu.memory_space<vmem>> -> memref<1x8x128xi32, #tpu.memory_space<vmem>>
      %dma_wait3A_44 = tpu.memref_squeeze %dma_wait3A_43 : memref<1x8x128xi32, #tpu.memory_space<vmem>> -> memref<8x128xi32, #tpu.memory_space<vmem>>
      %dma_wait3A_45 = arith.constant 0 : i32
      %dma_wait3A_46 = tpu.memref_slice %arg3[%mul3A_4, %dma_wait3A_45] : memref<2560x128xi32, #tpu.memory_space<hbm>> -> memref<8x128xi32, #tpu.memory_space<hbm>>
      %dma_wait3A_47 = arith.constant 0 : i32
      %dma_wait3A_48 = arith.constant 0 : i32
      %dma_wait3A_49 = tpu.memref_slice %arg7[%run_scoped3A, %dma_wait3A_47, %dma_wait3A_48] : memref<2x8x128xi32, #tpu.memory_space<vmem>> -> memref<1x8x128xi32, #tpu.memory_space<vmem>>
      %dma_wait3A_50 = tpu.memref_squeeze %dma_wait3A_49 : memref<1x8x128xi32, #tpu.memory_space<vmem>> -> memref<8x128xi32, #tpu.memory_space<vmem>>
      %dma_wait3A_51 = arith.constant 0 : i32
      %dma_wait3A_52 = tpu.memref_slice %arg3[%mul3A_4, %dma_wait3A_51] : memref<2560x128xi32, #tpu.memory_space<hbm>> -> memref<8x128xi32, #tpu.memory_space<hbm>>
      tpu.wait_dma2 semaphore(%run_scoped3A_29 : memref<!tpu.dma_semaphore, #tpu.memory_space<semaphore_mem>>) src(%dma_wait3A_52 : memref<8x128xi32, #tpu.memory_space<hbm>>) dst(%dma_wait3A_50 : memref<8x128xi32, #tpu.memory_space<vmem>>)
      tpu.yield
    }) : () -> ()
    %run_scoped3A_5 = arith.constant 0 : i32
    "tpu.region"() ({
      %run_scoped3A_29 = tpu.sem_alloc : memref<!tpu.dma_semaphore, #tpu.memory_space<semaphore_mem>>
      %dma_start3A = arith.constant 0 : i32
      %dma_start3A_30 = arith.constant 0 : i32
      %dma_start3A_31 = tpu.memref_slice %arg8[%run_scoped3A_5, %dma_start3A, %dma_start3A_30] : memref<2x8x128xi32, #tpu.memory_space<vmem>> -> memref<1x8x128xi32, #tpu.memory_space<vmem>>
      %dma_start3A_32 = tpu.memref_squeeze %dma_start3A_31 : memref<1x8x128xi32, #tpu.memory_space<vmem>> -> memref<8x128xi32, #tpu.memory_space<vmem>>
      %dma_start3A_33 = arith.constant 0 : i32
      %dma_start3A_34 = tpu.memref_slice %arg4[%mul3A_4, %dma_start3A_33] : memref<2560x128xi32, #tpu.memory_space<hbm>> -> memref<8x128xi32, #tpu.memory_space<hbm>>
      %dma_start3A_35 = arith.constant 0 : i32
      %dma_start3A_36 = arith.constant 0 : i32
      %dma_start3A_37 = tpu.memref_slice %arg8[%run_scoped3A_5, %dma_start3A_35, %dma_start3A_36] : memref<2x8x128xi32, #tpu.memory_space<vmem>> -> memref<1x8x128xi32, #tpu.memory_space<vmem>>
      %dma_start3A_38 = tpu.memref_squeeze %dma_start3A_37 : memref<1x8x128xi32, #tpu.memory_space<vmem>> -> memref<8x128xi32, #tpu.memory_space<vmem>>
      %dma_start3A_39 = arith.constant 0 : i32
      %dma_start3A_40 = tpu.memref_slice %arg4[%mul3A_4, %dma_start3A_39] : memref<2560x128xi32, #tpu.memory_space<hbm>> -> memref<8x128xi32, #tpu.memory_space<hbm>>
      tpu.enqueue_dma source(%dma_start3A_40 : memref<8x128xi32, #tpu.memory_space<hbm>>) target(%dma_start3A_38 : memref<8x128xi32, #tpu.memory_space<vmem>>) target_semaphore(%run_scoped3A_29 : memref<!tpu.dma_semaphore, #tpu.memory_space<semaphore_mem>>)
      %dma_wait3A_41 = arith.constant 0 : i32
      %dma_wait3A_42 = arith.constant 0 : i32
      %dma_wait3A_43 = tpu.memref_slice %arg8[%run_scoped3A_5, %dma_wait3A_41, %dma_wait3A_42] : memref<2x8x128xi32, #tpu.memory_space<vmem>> -> memref<1x8x128xi32, #tpu.memory_space<vmem>>
      %dma_wait3A_44 = tpu.memref_squeeze %dma_wait3A_43 : memref<1x8x128xi32, #tpu.memory_space<vmem>> -> memref<8x128xi32, #tpu.memory_space<vmem>>
      %dma_wait3A_45 = arith.constant 0 : i32
      %dma_wait3A_46 = tpu.memref_slice %arg4[%mul3A_4, %dma_wait3A_45] : memref<2560x128xi32, #tpu.memory_space<hbm>> -> memref<8x128xi32, #tpu.memory_space<hbm>>
      %dma_wait3A_47 = arith.constant 0 : i32
      %dma_wait3A_48 = arith.constant 0 : i32
      %dma_wait3A_49 = tpu.memref_slice %arg8[%run_scoped3A_5, %dma_wait3A_47, %dma_wait3A_48] : memref<2x8x128xi32, #tpu.memory_space<vmem>> -> memref<1x8x128xi32, #tpu.memory_space<vmem>>
      %dma_wait3A_50 = tpu.memref_squeeze %dma_wait3A_49 : memref<1x8x128xi32, #tpu.memory_space<vmem>> -> memref<8x128xi32, #tpu.memory_space<vmem>>
      %dma_wait3A_51 = arith.constant 0 : i32
      %dma_wait3A_52 = tpu.memref_slice %arg4[%mul3A_4, %dma_wait3A_51] : memref<2560x128xi32, #tpu.memory_space<hbm>> -> memref<8x128xi32, #tpu.memory_space<hbm>>
      tpu.wait_dma2 semaphore(%run_scoped3A_29 : memref<!tpu.dma_semaphore, #tpu.memory_space<semaphore_mem>>) src(%dma_wait3A_52 : memref<8x128xi32, #tpu.memory_space<hbm>>) dst(%dma_wait3A_50 : memref<8x128xi32, #tpu.memory_space<vmem>>)
      tpu.yield
    }) : () -> ()
    %scan3A = arith.constant 0 : i32
    %scan3A_6 = arith.constant 0 : i32
    %scan3A_7 = arith.constant 10 : i32
    %scan3A_8 = arith.addi %scan3A_6, %scan3A_7 : i32
    %scan3A_9 = arith.constant 1 : i32
    scf.for %scan3A_29 = %scan3A_6 to %scan3A_8 step %scan3A_9  : i32 {
      %rem3A = arith.constant 2 : i32
      %rem3A_30 = arith.remsi %scan3A_29, %rem3A : i32
      %add3A_31 = arith.constant 1 : i32
      %add3A_32 = arith.addi %scan3A_29, %add3A_31 : i32
      %rem3A_33 = arith.constant 2 : i32
      %rem3A_34 = arith.remsi %add3A_32, %rem3A_33 : i32
      %lt3A = arith.constant 9 : i32
      %lt3A_35 = arith.cmpi slt, %scan3A_29, %lt3A : i32
      %convert_element_type3A = arith.extui %lt3A_35 : i1 to i32
      %cond3A = arith.constant 0 : i32
      %cond3A_36 = arith.cmpi ne, %convert_element_type3A, %cond3A : i32
      scf.if %cond3A_36 {
        %add3A_235 = arith.constant 1 : i32
        %add3A_236 = arith.addi %scan3A_29, %add3A_235 : i32
        %mul3A_237 = arith.constant 8 : i32
        %mul3A_238 = arith.muli %add3A_236, %mul3A_237 : i32
        %add3A_239 = arith.addi %mul3A_4, %mul3A_238 : i32
        %dma_start3A_240 = arith.constant 0 : i32
        %dma_start3A_241 = arith.constant 0 : i32
        %dma_start3A_242 = tpu.memref_slice %arg7[%rem3A_34, %dma_start3A_240, %dma_start3A_241] : memref<2x8x128xi32, #tpu.memory_space<vmem>> -> memref<1x8x128xi32, #tpu.memory_space<vmem>>
        %dma_start3A_243 = tpu.memref_squeeze %dma_start3A_242 : memref<1x8x128xi32, #tpu.memory_space<vmem>> -> memref<8x128xi32, #tpu.memory_space<vmem>>
        %dma_start3A_244 = arith.constant 0 : i32
        %dma_start3A_245 = tpu.memref_slice %arg3[%add3A_239, %dma_start3A_244] : memref<2560x128xi32, #tpu.memory_space<hbm>> -> memref<8x128xi32, #tpu.memory_space<hbm>>
        %dma_start3A_246 = arith.constant 0 : i32
        %dma_start3A_247 = arith.constant 0 : i32
        %dma_start3A_248 = tpu.memref_slice %arg7[%rem3A_34, %dma_start3A_246, %dma_start3A_247] : memref<2x8x128xi32, #tpu.memory_space<vmem>> -> memref<1x8x128xi32, #tpu.memory_space<vmem>>
        %dma_start3A_249 = tpu.memref_squeeze %dma_start3A_248 : memref<1x8x128xi32, #tpu.memory_space<vmem>> -> memref<8x128xi32, #tpu.memory_space<vmem>>
        %dma_start3A_250 = arith.constant 0 : i32
        %dma_start3A_251 = tpu.memref_slice %arg3[%add3A_239, %dma_start3A_250] : memref<2560x128xi32, #tpu.memory_space<hbm>> -> memref<8x128xi32, #tpu.memory_space<hbm>>
        tpu.enqueue_dma source(%dma_start3A_251 : memref<8x128xi32, #tpu.memory_space<hbm>>) target(%dma_start3A_249 : memref<8x128xi32, #tpu.memory_space<vmem>>) target_semaphore(%arg16 : memref<!tpu.dma_semaphore, #tpu.memory_space<semaphore_mem>>)
        %dma_start3A_252 = arith.constant 0 : i32
        %dma_start3A_253 = arith.constant 0 : i32
        %dma_start3A_254 = tpu.memref_slice %arg8[%rem3A_34, %dma_start3A_252, %dma_start3A_253] : memref<2x8x128xi32, #tpu.memory_space<vmem>> -> memref<1x8x128xi32, #tpu.memory_space<vmem>>
        %dma_start3A_255 = tpu.memref_squeeze %dma_start3A_254 : memref<1x8x128xi32, #tpu.memory_space<vmem>> -> memref<8x128xi32, #tpu.memory_space<vmem>>
        %dma_start3A_256 = arith.constant 0 : i32
        %dma_start3A_257 = tpu.memref_slice %arg4[%add3A_239, %dma_start3A_256] : memref<2560x128xi32, #tpu.memory_space<hbm>> -> memref<8x128xi32, #tpu.memory_space<hbm>>
        %dma_start3A_258 = arith.constant 0 : i32
        %dma_start3A_259 = arith.constant 0 : i32
        %dma_start3A_260 = tpu.memref_slice %arg8[%rem3A_34, %dma_start3A_258, %dma_start3A_259] : memref<2x8x128xi32, #tpu.memory_space<vmem>> -> memref<1x8x128xi32, #tpu.memory_space<vmem>>
        %dma_start3A_261 = tpu.memref_squeeze %dma_start3A_260 : memref<1x8x128xi32, #tpu.memory_space<vmem>> -> memref<8x128xi32, #tpu.memory_space<vmem>>
        %dma_start3A_262 = arith.constant 0 : i32
        %dma_start3A_263 = tpu.memref_slice %arg4[%add3A_239, %dma_start3A_262] : memref<2560x128xi32, #tpu.memory_space<hbm>> -> memref<8x128xi32, #tpu.memory_space<hbm>>
        tpu.enqueue_dma source(%dma_start3A_263 : memref<8x128xi32, #tpu.memory_space<hbm>>) target(%dma_start3A_261 : memref<8x128xi32, #tpu.memory_space<vmem>>) target_semaphore(%arg16 : memref<!tpu.dma_semaphore, #tpu.memory_space<semaphore_mem>>)
      } else {
      }
      %gt3A = arith.constant 0 : i32
      %gt3A_37 = arith.cmpi sgt, %scan3A_29, %gt3A : i32
      %or3A = arith.constant false
      %or3A_38 = arith.ori %gt3A_37, %or3A : i1
      %convert_element_type3A_39 = arith.extui %or3A_38 : i1 to i32
      %cond3A_40 = arith.constant 0 : i32
      %cond3A_41 = arith.cmpi ne, %convert_element_type3A_39, %cond3A_40 : i32
      scf.if %cond3A_41 {
        %dma_wait3A_235 = arith.constant 0 : i32
        %dma_wait3A_236 = arith.constant 0 : i32
        %dma_wait3A_237 = tpu.memref_slice %arg8[%rem3A_30, %dma_wait3A_235, %dma_wait3A_236] : memref<2x8x128xi32, #tpu.memory_space<vmem>> -> memref<1x1x128xi32, #tpu.memory_space<vmem>>
        %dma_wait3A_238 = tpu.memref_squeeze %dma_wait3A_237 : memref<1x1x128xi32, #tpu.memory_space<vmem>> -> memref<128xi32, #tpu.memory_space<vmem>>
        %dma_wait3A_239 = arith.constant 0 : i32
        %dma_wait3A_240 = arith.constant 0 : i32
        %dma_wait3A_241 = tpu.memref_slice %arg11[%dma_wait3A_239, %dma_wait3A_240] : memref<10240x128xf32, #tpu.memory_space<vmem_shared>> -> memref<10240x128xf32, #tpu.memory_space<vmem_shared>>
        tpu.wait_indirect_dma semaphore(%arg14 : memref<!tpu.dma_semaphore, #tpu.memory_space<semaphore_mem>>) src(%arg9 : memref<128x128xf32, #tpu.memory_space<vmem>>) dst(%dma_wait3A_241 : memref<10240x128xf32, #tpu.memory_space<vmem_shared>>)
        %dma_wait3A_242 = arith.constant 1 : i32
        %dma_wait3A_243 = arith.constant 0 : i32
        %dma_wait3A_244 = tpu.memref_slice %arg8[%rem3A_30, %dma_wait3A_242, %dma_wait3A_243] : memref<2x8x128xi32, #tpu.memory_space<vmem>> -> memref<1x1x128xi32, #tpu.memory_space<vmem>>
        %dma_wait3A_245 = tpu.memref_squeeze %dma_wait3A_244 : memref<1x1x128xi32, #tpu.memory_space<vmem>> -> memref<128xi32, #tpu.memory_space<vmem>>
        %dma_wait3A_246 = arith.constant 0 : i32
        %dma_wait3A_247 = arith.constant 0 : i32
        %dma_wait3A_248 = tpu.memref_slice %arg11[%dma_wait3A_246, %dma_wait3A_247] : memref<10240x128xf32, #tpu.memory_space<vmem_shared>> -> memref<10240x128xf32, #tpu.memory_space<vmem_shared>>
        tpu.wait_indirect_dma semaphore(%arg15 : memref<!tpu.dma_semaphore, #tpu.memory_space<semaphore_mem>>) src(%arg10 : memref<128x128xf32, #tpu.memory_space<vmem>>) dst(%dma_wait3A_248 : memref<10240x128xf32, #tpu.memory_space<vmem_shared>>)
      } else {
      }
      %dma_start3A = arith.constant 0 : i32
      %dma_start3A_42 = arith.constant 0 : i32
      %dma_start3A_43 = tpu.memref_slice %arg7[%rem3A_30, %dma_start3A, %dma_start3A_42] : memref<2x8x128xi32, #tpu.memory_space<vmem>> -> memref<1x1x128xi32, #tpu.memory_space<vmem>>
      %dma_start3A_44 = tpu.memref_squeeze %dma_start3A_43 : memref<1x1x128xi32, #tpu.memory_space<vmem>> -> memref<128xi32, #tpu.memory_space<vmem>>
      %dma_start3A_45 = arith.constant 0 : i32
      %dma_start3A_46 = arith.constant 0 : i32
      %dma_start3A_47 = tpu.memref_slice %arg2[%dma_start3A_45, %dma_start3A_46] : memref<10240x128xf32, #tpu.memory_space<hbm>> -> memref<10240x128xf32, #tpu.memory_space<hbm>>
      tpu.enqueue_indirect_dma source(%dma_start3A_47 : memref<10240x128xf32, #tpu.memory_space<hbm>>) target(%arg9 : memref<128x128xf32, #tpu.memory_space<vmem>>) offsets(%dma_start3A_44 : memref<128xi32, #tpu.memory_space<vmem>>) semaphore(%arg12 : memref<!tpu.dma_semaphore, #tpu.memory_space<semaphore_mem>>)
      %dma_start3A_48 = arith.constant 1 : i32
      %dma_start3A_49 = arith.constant 0 : i32
      %dma_start3A_50 = tpu.memref_slice %arg7[%rem3A_30, %dma_start3A_48, %dma_start3A_49] : memref<2x8x128xi32, #tpu.memory_space<vmem>> -> memref<1x1x128xi32, #tpu.memory_space<vmem>>
      %dma_start3A_51 = tpu.memref_squeeze %dma_start3A_50 : memref<1x1x128xi32, #tpu.memory_space<vmem>> -> memref<128xi32, #tpu.memory_space<vmem>>
      %dma_start3A_52 = arith.constant 0 : i32
      %dma_start3A_53 = arith.constant 0 : i32
      %dma_start3A_54 = tpu.memref_slice %arg2[%dma_start3A_52, %dma_start3A_53] : memref<10240x128xf32, #tpu.memory_space<hbm>> -> memref<10240x128xf32, #tpu.memory_space<hbm>>
      tpu.enqueue_indirect_dma source(%dma_start3A_54 : memref<10240x128xf32, #tpu.memory_space<hbm>>) target(%arg10 : memref<128x128xf32, #tpu.memory_space<vmem>>) offsets(%dma_start3A_51 : memref<128xi32, #tpu.memory_space<vmem>>) semaphore(%arg13 : memref<!tpu.dma_semaphore, #tpu.memory_space<semaphore_mem>>)
      %dma_wait3A_55 = arith.constant 0 : i32
      %dma_wait3A_56 = arith.constant 0 : i32
      %dma_wait3A_57 = tpu.memref_slice %arg7[%rem3A_30, %dma_wait3A_55, %dma_wait3A_56] : memref<2x8x128xi32, #tpu.memory_space<vmem>> -> memref<1x1x128xi32, #tpu.memory_space<vmem>>
      %dma_wait3A_58 = tpu.memref_squeeze %dma_wait3A_57 : memref<1x1x128xi32, #tpu.memory_space<vmem>> -> memref<128xi32, #tpu.memory_space<vmem>>
      %dma_wait3A_59 = arith.constant 0 : i32
      %dma_wait3A_60 = arith.constant 0 : i32
      %dma_wait3A_61 = tpu.memref_slice %arg2[%dma_wait3A_59, %dma_wait3A_60] : memref<10240x128xf32, #tpu.memory_space<hbm>> -> memref<10240x128xf32, #tpu.memory_space<hbm>>
      tpu.wait_indirect_dma semaphore(%arg12 : memref<!tpu.dma_semaphore, #tpu.memory_space<semaphore_mem>>) src(%dma_wait3A_61 : memref<10240x128xf32, #tpu.memory_space<hbm>>) dst(%arg9 : memref<128x128xf32, #tpu.memory_space<vmem>>)
      %dma_start3A_62 = arith.constant 0 : i32
      %dma_start3A_63 = arith.constant 0 : i32
      %dma_start3A_64 = tpu.memref_slice %arg8[%rem3A_30, %dma_start3A_62, %dma_start3A_63] : memref<2x8x128xi32, #tpu.memory_space<vmem>> -> memref<1x1x128xi32, #tpu.memory_space<vmem>>
      %dma_start3A_65 = tpu.memref_squeeze %dma_start3A_64 : memref<1x1x128xi32, #tpu.memory_space<vmem>> -> memref<128xi32, #tpu.memory_space<vmem>>
      %dma_start3A_66 = arith.constant 0 : i32
      %dma_start3A_67 = arith.constant 0 : i32
      %dma_start3A_68 = tpu.memref_slice %arg11[%dma_start3A_66, %dma_start3A_67] : memref<10240x128xf32, #tpu.memory_space<vmem_shared>> -> memref<10240x128xf32, #tpu.memory_space<vmem_shared>>
      tpu.enqueue_indirect_dma source(%arg9 : memref<128x128xf32, #tpu.memory_space<vmem>>) target(%dma_start3A_68 : memref<10240x128xf32, #tpu.memory_space<vmem_shared>>) offsets(%dma_start3A_65 : memref<128xi32, #tpu.memory_space<vmem>>) semaphore(%arg14 : memref<!tpu.dma_semaphore, #tpu.memory_space<semaphore_mem>>) {add = true}
      %dma_wait3A_69 = arith.constant 1 : i32
      %dma_wait3A_70 = arith.constant 0 : i32
      %dma_wait3A_71 = tpu.memref_slice %arg7[%rem3A_30, %dma_wait3A_69, %dma_wait3A_70] : memref<2x8x128xi32, #tpu.memory_space<vmem>> -> memref<1x1x128xi32, #tpu.memory_space<vmem>>
      %dma_wait3A_72 = tpu.memref_squeeze %dma_wait3A_71 : memref<1x1x128xi32, #tpu.memory_space<vmem>> -> memref<128xi32, #tpu.memory_space<vmem>>
      %dma_wait3A_73 = arith.constant 0 : i32
      %dma_wait3A_74 = arith.constant 0 : i32
      %dma_wait3A_75 = tpu.memref_slice %arg2[%dma_wait3A_73, %dma_wait3A_74] : memref<10240x128xf32, #tpu.memory_space<hbm>> -> memref<10240x128xf32, #tpu.memory_space<hbm>>
      tpu.wait_indirect_dma semaphore(%arg13 : memref<!tpu.dma_semaphore, #tpu.memory_space<semaphore_mem>>) src(%dma_wait3A_75 : memref<10240x128xf32, #tpu.memory_space<hbm>>) dst(%arg10 : memref<128x128xf32, #tpu.memory_space<vmem>>)
      %dma_start3A_76 = arith.constant 1 : i32
      %dma_start3A_77 = arith.constant 0 : i32
      %dma_start3A_78 = tpu.memref_slice %arg8[%rem3A_30, %dma_start3A_76, %dma_start3A_77] : memref<2x8x128xi32, #tpu.memory_space<vmem>> -> memref<1x1x128xi32, #tpu.memory_space<vmem>>
      %dma_start3A_79 = tpu.memref_squeeze %dma_start3A_78 : memref<1x1x128xi32, #tpu.memory_space<vmem>> -> memref<128xi32, #tpu.memory_space<vmem>>
      %dma_start3A_80 = arith.constant 0 : i32
      %dma_start3A_81 = arith.constant 0 : i32
      %dma_start3A_82 = tpu.memref_slice %arg11[%dma_start3A_80, %dma_start3A_81] : memref<10240x128xf32, #tpu.memory_space<vmem_shared>> -> memref<10240x128xf32, #tpu.memory_space<vmem_shared>>
      tpu.enqueue_indirect_dma source(%arg10 : memref<128x128xf32, #tpu.memory_space<vmem>>) target(%dma_start3A_82 : memref<10240x128xf32, #tpu.memory_space<vmem_shared>>) offsets(%dma_start3A_79 : memref<128xi32, #tpu.memory_space<vmem>>) semaphore(%arg15 : memref<!tpu.dma_semaphore, #tpu.memory_space<semaphore_mem>>) {add = true}
      %gt3A_83 = arith.constant 0 : i32
      %gt3A_84 = arith.cmpi sgt, %scan3A_29, %gt3A_83 : i32
      %or3A_85 = arith.constant true
      %or3A_86 = arith.ori %gt3A_84, %or3A_85 : i1
      %convert_element_type3A_87 = arith.extui %or3A_86 : i1 to i32
      %cond3A_88 = arith.constant 0 : i32
      %cond3A_89 = arith.cmpi ne, %convert_element_type3A_87, %cond3A_88 : i32
      scf.if %cond3A_89 {
        %dma_wait3A_235 = arith.constant 2 : i32
        %dma_wait3A_236 = arith.constant 0 : i32
        %dma_wait3A_237 = tpu.memref_slice %arg8[%rem3A_30, %dma_wait3A_235, %dma_wait3A_236] : memref<2x8x128xi32, #tpu.memory_space<vmem>> -> memref<1x1x128xi32, #tpu.memory_space<vmem>>
        %dma_wait3A_238 = tpu.memref_squeeze %dma_wait3A_237 : memref<1x1x128xi32, #tpu.memory_space<vmem>> -> memref<128xi32, #tpu.memory_space<vmem>>
        %dma_wait3A_239 = arith.constant 0 : i32
        %dma_wait3A_240 = arith.constant 0 : i32
        %dma_wait3A_241 = tpu.memref_slice %arg11[%dma_wait3A_239, %dma_wait3A_240] : memref<10240x128xf32, #tpu.memory_space<vmem_shared>> -> memref<10240x128xf32, #tpu.memory_space<vmem_shared>>
        tpu.wait_indirect_dma semaphore(%arg14 : memref<!tpu.dma_semaphore, #tpu.memory_space<semaphore_mem>>) src(%arg9 : memref<128x128xf32, #tpu.memory_space<vmem>>) dst(%dma_wait3A_241 : memref<10240x128xf32, #tpu.memory_space<vmem_shared>>)
        %dma_wait3A_242 = arith.constant 3 : i32
        %dma_wait3A_243 = arith.constant 0 : i32
        %dma_wait3A_244 = tpu.memref_slice %arg8[%rem3A_30, %dma_wait3A_242, %dma_wait3A_243] : memref<2x8x128xi32, #tpu.memory_space<vmem>> -> memref<1x1x128xi32, #tpu.memory_space<vmem>>
        %dma_wait3A_245 = tpu.memref_squeeze %dma_wait3A_244 : memref<1x1x128xi32, #tpu.memory_space<vmem>> -> memref<128xi32, #tpu.memory_space<vmem>>
        %dma_wait3A_246 = arith.constant 0 : i32
        %dma_wait3A_247 = arith.constant 0 : i32
        %dma_wait3A_248 = tpu.memref_slice %arg11[%dma_wait3A_246, %dma_wait3A_247] : memref<10240x128xf32, #tpu.memory_space<vmem_shared>> -> memref<10240x128xf32, #tpu.memory_space<vmem_shared>>
        tpu.wait_indirect_dma semaphore(%arg15 : memref<!tpu.dma_semaphore, #tpu.memory_space<semaphore_mem>>) src(%arg10 : memref<128x128xf32, #tpu.memory_space<vmem>>) dst(%dma_wait3A_248 : memref<10240x128xf32, #tpu.memory_space<vmem_shared>>)
      } else {
      }
      %dma_start3A_90 = arith.constant 2 : i32
      %dma_start3A_91 = arith.constant 0 : i32
      %dma_start3A_92 = tpu.memref_slice %arg7[%rem3A_30, %dma_start3A_90, %dma_start3A_91] : memref<2x8x128xi32, #tpu.memory_space<vmem>> -> memref<1x1x128xi32, #tpu.memory_space<vmem>>
      %dma_start3A_93 = tpu.memref_squeeze %dma_start3A_92 : memref<1x1x128xi32, #tpu.memory_space<vmem>> -> memref<128xi32, #tpu.memory_space<vmem>>
      %dma_start3A_94 = arith.constant 0 : i32
      %dma_start3A_95 = arith.constant 0 : i32
      %dma_start3A_96 = tpu.memref_slice %arg2[%dma_start3A_94, %dma_start3A_95] : memref<10240x128xf32, #tpu.memory_space<hbm>> -> memref<10240x128xf32, #tpu.memory_space<hbm>>
      tpu.enqueue_indirect_dma source(%dma_start3A_96 : memref<10240x128xf32, #tpu.memory_space<hbm>>) target(%arg9 : memref<128x128xf32, #tpu.memory_space<vmem>>) offsets(%dma_start3A_93 : memref<128xi32, #tpu.memory_space<vmem>>) semaphore(%arg12 : memref<!tpu.dma_semaphore, #tpu.memory_space<semaphore_mem>>)
      %dma_start3A_97 = arith.constant 3 : i32
      %dma_start3A_98 = arith.constant 0 : i32
      %dma_start3A_99 = tpu.memref_slice %arg7[%rem3A_30, %dma_start3A_97, %dma_start3A_98] : memref<2x8x128xi32, #tpu.memory_space<vmem>> -> memref<1x1x128xi32, #tpu.memory_space<vmem>>
      %dma_start3A_100 = tpu.memref_squeeze %dma_start3A_99 : memref<1x1x128xi32, #tpu.memory_space<vmem>> -> memref<128xi32, #tpu.memory_space<vmem>>
      %dma_start3A_101 = arith.constant 0 : i32
      %dma_start3A_102 = arith.constant 0 : i32
      %dma_start3A_103 = tpu.memref_slice %arg2[%dma_start3A_101, %dma_start3A_102] : memref<10240x128xf32, #tpu.memory_space<hbm>> -> memref<10240x128xf32, #tpu.memory_space<hbm>>
      tpu.enqueue_indirect_dma source(%dma_start3A_103 : memref<10240x128xf32, #tpu.memory_space<hbm>>) target(%arg10 : memref<128x128xf32, #tpu.memory_space<vmem>>) offsets(%dma_start3A_100 : memref<128xi32, #tpu.memory_space<vmem>>) semaphore(%arg13 : memref<!tpu.dma_semaphore, #tpu.memory_space<semaphore_mem>>)
      %dma_wait3A_104 = arith.constant 2 : i32
      %dma_wait3A_105 = arith.constant 0 : i32
      %dma_wait3A_106 = tpu.memref_slice %arg7[%rem3A_30, %dma_wait3A_104, %dma_wait3A_105] : memref<2x8x128xi32, #tpu.memory_space<vmem>> -> memref<1x1x128xi32, #tpu.memory_space<vmem>>
      %dma_wait3A_107 = tpu.memref_squeeze %dma_wait3A_106 : memref<1x1x128xi32, #tpu.memory_space<vmem>> -> memref<128xi32, #tpu.memory_space<vmem>>
      %dma_wait3A_108 = arith.constant 0 : i32
      %dma_wait3A_109 = arith.constant 0 : i32
      %dma_wait3A_110 = tpu.memref_slice %arg2[%dma_wait3A_108, %dma_wait3A_109] : memref<10240x128xf32, #tpu.memory_space<hbm>> -> memref<10240x128xf32, #tpu.memory_space<hbm>>
      tpu.wait_indirect_dma semaphore(%arg12 : memref<!tpu.dma_semaphore, #tpu.memory_space<semaphore_mem>>) src(%dma_wait3A_110 : memref<10240x128xf32, #tpu.memory_space<hbm>>) dst(%arg9 : memref<128x128xf32, #tpu.memory_space<vmem>>)
      %dma_start3A_111 = arith.constant 2 : i32
      %dma_start3A_112 = arith.constant 0 : i32
      %dma_start3A_113 = tpu.memref_slice %arg8[%rem3A_30, %dma_start3A_111, %dma_start3A_112] : memref<2x8x128xi32, #tpu.memory_space<vmem>> -> memref<1x1x128xi32, #tpu.memory_space<vmem>>
      %dma_start3A_114 = tpu.memref_squeeze %dma_start3A_113 : memref<1x1x128xi32, #tpu.memory_space<vmem>> -> memref<128xi32, #tpu.memory_space<vmem>>
      %dma_start3A_115 = arith.constant 0 : i32
      %dma_start3A_116 = arith.constant 0 : i32
      %dma_start3A_117 = tpu.memref_slice %arg11[%dma_start3A_115, %dma_start3A_116] : memref<10240x128xf32, #tpu.memory_space<vmem_shared>> -> memref<10240x128xf32, #tpu.memory_space<vmem_shared>>
      tpu.enqueue_indirect_dma source(%arg9 : memref<128x128xf32, #tpu.memory_space<vmem>>) target(%dma_start3A_117 : memref<10240x128xf32, #tpu.memory_space<vmem_shared>>) offsets(%dma_start3A_114 : memref<128xi32, #tpu.memory_space<vmem>>) semaphore(%arg14 : memref<!tpu.dma_semaphore, #tpu.memory_space<semaphore_mem>>) {add = true}
      %dma_wait3A_118 = arith.constant 3 : i32
      %dma_wait3A_119 = arith.constant 0 : i32
      %dma_wait3A_120 = tpu.memref_slice %arg7[%rem3A_30, %dma_wait3A_118, %dma_wait3A_119] : memref<2x8x128xi32, #tpu.memory_space<vmem>> -> memref<1x1x128xi32, #tpu.memory_space<vmem>>
      %dma_wait3A_121 = tpu.memref_squeeze %dma_wait3A_120 : memref<1x1x128xi32, #tpu.memory_space<vmem>> -> memref<128xi32, #tpu.memory_space<vmem>>
      %dma_wait3A_122 = arith.constant 0 : i32
      %dma_wait3A_123 = arith.constant 0 : i32
      %dma_wait3A_124 = tpu.memref_slice %arg2[%dma_wait3A_122, %dma_wait3A_123] : memref<10240x128xf32, #tpu.memory_space<hbm>> -> memref<10240x128xf32, #tpu.memory_space<hbm>>
      tpu.wait_indirect_dma semaphore(%arg13 : memref<!tpu.dma_semaphore, #tpu.memory_space<semaphore_mem>>) src(%dma_wait3A_124 : memref<10240x128xf32, #tpu.memory_space<hbm>>) dst(%arg10 : memref<128x128xf32, #tpu.memory_space<vmem>>)
      %dma_start3A_125 = arith.constant 3 : i32
      %dma_start3A_126 = arith.constant 0 : i32
      %dma_start3A_127 = tpu.memref_slice %arg8[%rem3A_30, %dma_start3A_125, %dma_start3A_126] : memref<2x8x128xi32, #tpu.memory_space<vmem>> -> memref<1x1x128xi32, #tpu.memory_space<vmem>>
      %dma_start3A_128 = tpu.memref_squeeze %dma_start3A_127 : memref<1x1x128xi32, #tpu.memory_space<vmem>> -> memref<128xi32, #tpu.memory_space<vmem>>
      %dma_start3A_129 = arith.constant 0 : i32
      %dma_start3A_130 = arith.constant 0 : i32
      %dma_start3A_131 = tpu.memref_slice %arg11[%dma_start3A_129, %dma_start3A_130] : memref<10240x128xf32, #tpu.memory_space<vmem_shared>> -> memref<10240x128xf32, #tpu.memory_space<vmem_shared>>
      tpu.enqueue_indirect_dma source(%arg10 : memref<128x128xf32, #tpu.memory_space<vmem>>) target(%dma_start3A_131 : memref<10240x128xf32, #tpu.memory_space<vmem_shared>>) offsets(%dma_start3A_128 : memref<128xi32, #tpu.memory_space<vmem>>) semaphore(%arg15 : memref<!tpu.dma_semaphore, #tpu.memory_space<semaphore_mem>>) {add = true}
      %gt3A_132 = arith.constant 0 : i32
      %gt3A_133 = arith.cmpi sgt, %scan3A_29, %gt3A_132 : i32
      %or3A_134 = arith.constant true
      %or3A_135 = arith.ori %gt3A_133, %or3A_134 : i1
      %convert_element_type3A_136 = arith.extui %or3A_135 : i1 to i32
      %cond3A_137 = arith.constant 0 : i32
      %cond3A_138 = arith.cmpi ne, %convert_element_type3A_136, %cond3A_137 : i32
      scf.if %cond3A_138 {
        %dma_wait3A_235 = arith.constant 4 : i32
        %dma_wait3A_236 = arith.constant 0 : i32
        %dma_wait3A_237 = tpu.memref_slice %arg8[%rem3A_30, %dma_wait3A_235, %dma_wait3A_236] : memref<2x8x128xi32, #tpu.memory_space<vmem>> -> memref<1x1x128xi32, #tpu.memory_space<vmem>>
        %dma_wait3A_238 = tpu.memref_squeeze %dma_wait3A_237 : memref<1x1x128xi32, #tpu.memory_space<vmem>> -> memref<128xi32, #tpu.memory_space<vmem>>
        %dma_wait3A_239 = arith.constant 0 : i32
        %dma_wait3A_240 = arith.constant 0 : i32
        %dma_wait3A_241 = tpu.memref_slice %arg11[%dma_wait3A_239, %dma_wait3A_240] : memref<10240x128xf32, #tpu.memory_space<vmem_shared>> -> memref<10240x128xf32, #tpu.memory_space<vmem_shared>>
        tpu.wait_indirect_dma semaphore(%arg14 : memref<!tpu.dma_semaphore, #tpu.memory_space<semaphore_mem>>) src(%arg9 : memref<128x128xf32, #tpu.memory_space<vmem>>) dst(%dma_wait3A_241 : memref<10240x128xf32, #tpu.memory_space<vmem_shared>>)
        %dma_wait3A_242 = arith.constant 5 : i32
        %dma_wait3A_243 = arith.constant 0 : i32
        %dma_wait3A_244 = tpu.memref_slice %arg8[%rem3A_30, %dma_wait3A_242, %dma_wait3A_243] : memref<2x8x128xi32, #tpu.memory_space<vmem>> -> memref<1x1x128xi32, #tpu.memory_space<vmem>>
        %dma_wait3A_245 = tpu.memref_squeeze %dma_wait3A_244 : memref<1x1x128xi32, #tpu.memory_space<vmem>> -> memref<128xi32, #tpu.memory_space<vmem>>
        %dma_wait3A_246 = arith.constant 0 : i32
        %dma_wait3A_247 = arith.constant 0 : i32
        %dma_wait3A_248 = tpu.memref_slice %arg11[%dma_wait3A_246, %dma_wait3A_247] : memref<10240x128xf32, #tpu.memory_space<vmem_shared>> -> memref<10240x128xf32, #tpu.memory_space<vmem_shared>>
        tpu.wait_indirect_dma semaphore(%arg15 : memref<!tpu.dma_semaphore, #tpu.memory_space<semaphore_mem>>) src(%arg10 : memref<128x128xf32, #tpu.memory_space<vmem>>) dst(%dma_wait3A_248 : memref<10240x128xf32, #tpu.memory_space<vmem_shared>>)
      } else {
      }
      %dma_start3A_139 = arith.constant 4 : i32
      %dma_start3A_140 = arith.constant 0 : i32
      %dma_start3A_141 = tpu.memref_slice %arg7[%rem3A_30, %dma_start3A_139, %dma_start3A_140] : memref<2x8x128xi32, #tpu.memory_space<vmem>> -> memref<1x1x128xi32, #tpu.memory_space<vmem>>
      %dma_start3A_142 = tpu.memref_squeeze %dma_start3A_141 : memref<1x1x128xi32, #tpu.memory_space<vmem>> -> memref<128xi32, #tpu.memory_space<vmem>>
      %dma_start3A_143 = arith.constant 0 : i32
      %dma_start3A_144 = arith.constant 0 : i32
      %dma_start3A_145 = tpu.memref_slice %arg2[%dma_start3A_143, %dma_start3A_144] : memref<10240x128xf32, #tpu.memory_space<hbm>> -> memref<10240x128xf32, #tpu.memory_space<hbm>>
      tpu.enqueue_indirect_dma source(%dma_start3A_145 : memref<10240x128xf32, #tpu.memory_space<hbm>>) target(%arg9 : memref<128x128xf32, #tpu.memory_space<vmem>>) offsets(%dma_start3A_142 : memref<128xi32, #tpu.memory_space<vmem>>) semaphore(%arg12 : memref<!tpu.dma_semaphore, #tpu.memory_space<semaphore_mem>>)
      %dma_start3A_146 = arith.constant 5 : i32
      %dma_start3A_147 = arith.constant 0 : i32
      %dma_start3A_148 = tpu.memref_slice %arg7[%rem3A_30, %dma_start3A_146, %dma_start3A_147] : memref<2x8x128xi32, #tpu.memory_space<vmem>> -> memref<1x1x128xi32, #tpu.memory_space<vmem>>
      %dma_start3A_149 = tpu.memref_squeeze %dma_start3A_148 : memref<1x1x128xi32, #tpu.memory_space<vmem>> -> memref<128xi32, #tpu.memory_space<vmem>>
      %dma_start3A_150 = arith.constant 0 : i32
      %dma_start3A_151 = arith.constant 0 : i32
      %dma_start3A_152 = tpu.memref_slice %arg2[%dma_start3A_150, %dma_start3A_151] : memref<10240x128xf32, #tpu.memory_space<hbm>> -> memref<10240x128xf32, #tpu.memory_space<hbm>>
      tpu.enqueue_indirect_dma source(%dma_start3A_152 : memref<10240x128xf32, #tpu.memory_space<hbm>>) target(%arg10 : memref<128x128xf32, #tpu.memory_space<vmem>>) offsets(%dma_start3A_149 : memref<128xi32, #tpu.memory_space<vmem>>) semaphore(%arg13 : memref<!tpu.dma_semaphore, #tpu.memory_space<semaphore_mem>>)
      %dma_wait3A_153 = arith.constant 4 : i32
      %dma_wait3A_154 = arith.constant 0 : i32
      %dma_wait3A_155 = tpu.memref_slice %arg7[%rem3A_30, %dma_wait3A_153, %dma_wait3A_154] : memref<2x8x128xi32, #tpu.memory_space<vmem>> -> memref<1x1x128xi32, #tpu.memory_space<vmem>>
      %dma_wait3A_156 = tpu.memref_squeeze %dma_wait3A_155 : memref<1x1x128xi32, #tpu.memory_space<vmem>> -> memref<128xi32, #tpu.memory_space<vmem>>
      %dma_wait3A_157 = arith.constant 0 : i32
      %dma_wait3A_158 = arith.constant 0 : i32
      %dma_wait3A_159 = tpu.memref_slice %arg2[%dma_wait3A_157, %dma_wait3A_158] : memref<10240x128xf32, #tpu.memory_space<hbm>> -> memref<10240x128xf32, #tpu.memory_space<hbm>>
      tpu.wait_indirect_dma semaphore(%arg12 : memref<!tpu.dma_semaphore, #tpu.memory_space<semaphore_mem>>) src(%dma_wait3A_159 : memref<10240x128xf32, #tpu.memory_space<hbm>>) dst(%arg9 : memref<128x128xf32, #tpu.memory_space<vmem>>)
      %dma_start3A_160 = arith.constant 4 : i32
      %dma_start3A_161 = arith.constant 0 : i32
      %dma_start3A_162 = tpu.memref_slice %arg8[%rem3A_30, %dma_start3A_160, %dma_start3A_161] : memref<2x8x128xi32, #tpu.memory_space<vmem>> -> memref<1x1x128xi32, #tpu.memory_space<vmem>>
      %dma_start3A_163 = tpu.memref_squeeze %dma_start3A_162 : memref<1x1x128xi32, #tpu.memory_space<vmem>> -> memref<128xi32, #tpu.memory_space<vmem>>
      %dma_start3A_164 = arith.constant 0 : i32
      %dma_start3A_165 = arith.constant 0 : i32
      %dma_start3A_166 = tpu.memref_slice %arg11[%dma_start3A_164, %dma_start3A_165] : memref<10240x128xf32, #tpu.memory_space<vmem_shared>> -> memref<10240x128xf32, #tpu.memory_space<vmem_shared>>
      tpu.enqueue_indirect_dma source(%arg9 : memref<128x128xf32, #tpu.memory_space<vmem>>) target(%dma_start3A_166 : memref<10240x128xf32, #tpu.memory_space<vmem_shared>>) offsets(%dma_start3A_163 : memref<128xi32, #tpu.memory_space<vmem>>) semaphore(%arg14 : memref<!tpu.dma_semaphore, #tpu.memory_space<semaphore_mem>>) {add = true}
      %dma_wait3A_167 = arith.constant 5 : i32
      %dma_wait3A_168 = arith.constant 0 : i32
      %dma_wait3A_169 = tpu.memref_slice %arg7[%rem3A_30, %dma_wait3A_167, %dma_wait3A_168] : memref<2x8x128xi32, #tpu.memory_space<vmem>> -> memref<1x1x128xi32, #tpu.memory_space<vmem>>
      %dma_wait3A_170 = tpu.memref_squeeze %dma_wait3A_169 : memref<1x1x128xi32, #tpu.memory_space<vmem>> -> memref<128xi32, #tpu.memory_space<vmem>>
      %dma_wait3A_171 = arith.constant 0 : i32
      %dma_wait3A_172 = arith.constant 0 : i32
      %dma_wait3A_173 = tpu.memref_slice %arg2[%dma_wait3A_171, %dma_wait3A_172] : memref<10240x128xf32, #tpu.memory_space<hbm>> -> memref<10240x128xf32, #tpu.memory_space<hbm>>
      tpu.wait_indirect_dma semaphore(%arg13 : memref<!tpu.dma_semaphore, #tpu.memory_space<semaphore_mem>>) src(%dma_wait3A_173 : memref<10240x128xf32, #tpu.memory_space<hbm>>) dst(%arg10 : memref<128x128xf32, #tpu.memory_space<vmem>>)
      %dma_start3A_174 = arith.constant 5 : i32
      %dma_start3A_175 = arith.constant 0 : i32
      %dma_start3A_176 = tpu.memref_slice %arg8[%rem3A_30, %dma_start3A_174, %dma_start3A_175] : memref<2x8x128xi32, #tpu.memory_space<vmem>> -> memref<1x1x128xi32, #tpu.memory_space<vmem>>
      %dma_start3A_177 = tpu.memref_squeeze %dma_start3A_176 : memref<1x1x128xi32, #tpu.memory_space<vmem>> -> memref<128xi32, #tpu.memory_space<vmem>>
      %dma_start3A_178 = arith.constant 0 : i32
      %dma_start3A_179 = arith.constant 0 : i32
      %dma_start3A_180 = tpu.memref_slice %arg11[%dma_start3A_178, %dma_start3A_179] : memref<10240x128xf32, #tpu.memory_space<vmem_shared>> -> memref<10240x128xf32, #tpu.memory_space<vmem_shared>>
      tpu.enqueue_indirect_dma source(%arg10 : memref<128x128xf32, #tpu.memory_space<vmem>>) target(%dma_start3A_180 : memref<10240x128xf32, #tpu.memory_space<vmem_shared>>) offsets(%dma_start3A_177 : memref<128xi32, #tpu.memory_space<vmem>>) semaphore(%arg15 : memref<!tpu.dma_semaphore, #tpu.memory_space<semaphore_mem>>) {add = true}
      %gt3A_181 = arith.constant 0 : i32
      %gt3A_182 = arith.cmpi sgt, %scan3A_29, %gt3A_181 : i32
      %or3A_183 = arith.constant true
      %or3A_184 = arith.ori %gt3A_182, %or3A_183 : i1
      %convert_element_type3A_185 = arith.extui %or3A_184 : i1 to i32
      %cond3A_186 = arith.constant 0 : i32
      %cond3A_187 = arith.cmpi ne, %convert_element_type3A_185, %cond3A_186 : i32
      scf.if %cond3A_187 {
        %dma_wait3A_235 = arith.constant 6 : i32
        %dma_wait3A_236 = arith.constant 0 : i32
        %dma_wait3A_237 = tpu.memref_slice %arg8[%rem3A_30, %dma_wait3A_235, %dma_wait3A_236] : memref<2x8x128xi32, #tpu.memory_space<vmem>> -> memref<1x1x128xi32, #tpu.memory_space<vmem>>
        %dma_wait3A_238 = tpu.memref_squeeze %dma_wait3A_237 : memref<1x1x128xi32, #tpu.memory_space<vmem>> -> memref<128xi32, #tpu.memory_space<vmem>>
        %dma_wait3A_239 = arith.constant 0 : i32
        %dma_wait3A_240 = arith.constant 0 : i32
        %dma_wait3A_241 = tpu.memref_slice %arg11[%dma_wait3A_239, %dma_wait3A_240] : memref<10240x128xf32, #tpu.memory_space<vmem_shared>> -> memref<10240x128xf32, #tpu.memory_space<vmem_shared>>
        tpu.wait_indirect_dma semaphore(%arg14 : memref<!tpu.dma_semaphore, #tpu.memory_space<semaphore_mem>>) src(%arg9 : memref<128x128xf32, #tpu.memory_space<vmem>>) dst(%dma_wait3A_241 : memref<10240x128xf32, #tpu.memory_space<vmem_shared>>)
        %dma_wait3A_242 = arith.constant 7 : i32
        %dma_wait3A_243 = arith.constant 0 : i32
        %dma_wait3A_244 = tpu.memref_slice %arg8[%rem3A_30, %dma_wait3A_242, %dma_wait3A_243] : memref<2x8x128xi32, #tpu.memory_space<vmem>> -> memref<1x1x128xi32, #tpu.memory_space<vmem>>
        %dma_wait3A_245 = tpu.memref_squeeze %dma_wait3A_244 : memref<1x1x128xi32, #tpu.memory_space<vmem>> -> memref<128xi32, #tpu.memory_space<vmem>>
        %dma_wait3A_246 = arith.constant 0 : i32
        %dma_wait3A_247 = arith.constant 0 : i32
        %dma_wait3A_248 = tpu.memref_slice %arg11[%dma_wait3A_246, %dma_wait3A_247] : memref<10240x128xf32, #tpu.memory_space<vmem_shared>> -> memref<10240x128xf32, #tpu.memory_space<vmem_shared>>
        tpu.wait_indirect_dma semaphore(%arg15 : memref<!tpu.dma_semaphore, #tpu.memory_space<semaphore_mem>>) src(%arg10 : memref<128x128xf32, #tpu.memory_space<vmem>>) dst(%dma_wait3A_248 : memref<10240x128xf32, #tpu.memory_space<vmem_shared>>)
      } else {
      }
      %dma_start3A_188 = arith.constant 6 : i32
      %dma_start3A_189 = arith.constant 0 : i32
      %dma_start3A_190 = tpu.memref_slice %arg7[%rem3A_30, %dma_start3A_188, %dma_start3A_189] : memref<2x8x128xi32, #tpu.memory_space<vmem>> -> memref<1x1x128xi32, #tpu.memory_space<vmem>>
      %dma_start3A_191 = tpu.memref_squeeze %dma_start3A_190 : memref<1x1x128xi32, #tpu.memory_space<vmem>> -> memref<128xi32, #tpu.memory_space<vmem>>
      %dma_start3A_192 = arith.constant 0 : i32
      %dma_start3A_193 = arith.constant 0 : i32
      %dma_start3A_194 = tpu.memref_slice %arg2[%dma_start3A_192, %dma_start3A_193] : memref<10240x128xf32, #tpu.memory_space<hbm>> -> memref<10240x128xf32, #tpu.memory_space<hbm>>
      tpu.enqueue_indirect_dma source(%dma_start3A_194 : memref<10240x128xf32, #tpu.memory_space<hbm>>) target(%arg9 : memref<128x128xf32, #tpu.memory_space<vmem>>) offsets(%dma_start3A_191 : memref<128xi32, #tpu.memory_space<vmem>>) semaphore(%arg12 : memref<!tpu.dma_semaphore, #tpu.memory_space<semaphore_mem>>)
      %dma_start3A_195 = arith.constant 7 : i32
      %dma_start3A_196 = arith.constant 0 : i32
      %dma_start3A_197 = tpu.memref_slice %arg7[%rem3A_30, %dma_start3A_195, %dma_start3A_196] : memref<2x8x128xi32, #tpu.memory_space<vmem>> -> memref<1x1x128xi32, #tpu.memory_space<vmem>>
      %dma_start3A_198 = tpu.memref_squeeze %dma_start3A_197 : memref<1x1x128xi32, #tpu.memory_space<vmem>> -> memref<128xi32, #tpu.memory_space<vmem>>
      %dma_start3A_199 = arith.constant 0 : i32
      %dma_start3A_200 = arith.constant 0 : i32
      %dma_start3A_201 = tpu.memref_slice %arg2[%dma_start3A_199, %dma_start3A_200] : memref<10240x128xf32, #tpu.memory_space<hbm>> -> memref<10240x128xf32, #tpu.memory_space<hbm>>
      tpu.enqueue_indirect_dma source(%dma_start3A_201 : memref<10240x128xf32, #tpu.memory_space<hbm>>) target(%arg10 : memref<128x128xf32, #tpu.memory_space<vmem>>) offsets(%dma_start3A_198 : memref<128xi32, #tpu.memory_space<vmem>>) semaphore(%arg13 : memref<!tpu.dma_semaphore, #tpu.memory_space<semaphore_mem>>)
      %dma_wait3A_202 = arith.constant 6 : i32
      %dma_wait3A_203 = arith.constant 0 : i32
      %dma_wait3A_204 = tpu.memref_slice %arg7[%rem3A_30, %dma_wait3A_202, %dma_wait3A_203] : memref<2x8x128xi32, #tpu.memory_space<vmem>> -> memref<1x1x128xi32, #tpu.memory_space<vmem>>
      %dma_wait3A_205 = tpu.memref_squeeze %dma_wait3A_204 : memref<1x1x128xi32, #tpu.memory_space<vmem>> -> memref<128xi32, #tpu.memory_space<vmem>>
      %dma_wait3A_206 = arith.constant 0 : i32
      %dma_wait3A_207 = arith.constant 0 : i32
      %dma_wait3A_208 = tpu.memref_slice %arg2[%dma_wait3A_206, %dma_wait3A_207] : memref<10240x128xf32, #tpu.memory_space<hbm>> -> memref<10240x128xf32, #tpu.memory_space<hbm>>
      tpu.wait_indirect_dma semaphore(%arg12 : memref<!tpu.dma_semaphore, #tpu.memory_space<semaphore_mem>>) src(%dma_wait3A_208 : memref<10240x128xf32, #tpu.memory_space<hbm>>) dst(%arg9 : memref<128x128xf32, #tpu.memory_space<vmem>>)
      %dma_start3A_209 = arith.constant 6 : i32
      %dma_start3A_210 = arith.constant 0 : i32
      %dma_start3A_211 = tpu.memref_slice %arg8[%rem3A_30, %dma_start3A_209, %dma_start3A_210] : memref<2x8x128xi32, #tpu.memory_space<vmem>> -> memref<1x1x128xi32, #tpu.memory_space<vmem>>
      %dma_start3A_212 = tpu.memref_squeeze %dma_start3A_211 : memref<1x1x128xi32, #tpu.memory_space<vmem>> -> memref<128xi32, #tpu.memory_space<vmem>>
      %dma_start3A_213 = arith.constant 0 : i32
      %dma_start3A_214 = arith.constant 0 : i32
      %dma_start3A_215 = tpu.memref_slice %arg11[%dma_start3A_213, %dma_start3A_214] : memref<10240x128xf32, #tpu.memory_space<vmem_shared>> -> memref<10240x128xf32, #tpu.memory_space<vmem_shared>>
      tpu.enqueue_indirect_dma source(%arg9 : memref<128x128xf32, #tpu.memory_space<vmem>>) target(%dma_start3A_215 : memref<10240x128xf32, #tpu.memory_space<vmem_shared>>) offsets(%dma_start3A_212 : memref<128xi32, #tpu.memory_space<vmem>>) semaphore(%arg14 : memref<!tpu.dma_semaphore, #tpu.memory_space<semaphore_mem>>) {add = true}
      %dma_wait3A_216 = arith.constant 7 : i32
      %dma_wait3A_217 = arith.constant 0 : i32
      %dma_wait3A_218 = tpu.memref_slice %arg7[%rem3A_30, %dma_wait3A_216, %dma_wait3A_217] : memref<2x8x128xi32, #tpu.memory_space<vmem>> -> memref<1x1x128xi32, #tpu.memory_space<vmem>>
      %dma_wait3A_219 = tpu.memref_squeeze %dma_wait3A_218 : memref<1x1x128xi32, #tpu.memory_space<vmem>> -> memref<128xi32, #tpu.memory_space<vmem>>
      %dma_wait3A_220 = arith.constant 0 : i32
      %dma_wait3A_221 = arith.constant 0 : i32
      %dma_wait3A_222 = tpu.memref_slice %arg2[%dma_wait3A_220, %dma_wait3A_221] : memref<10240x128xf32, #tpu.memory_space<hbm>> -> memref<10240x128xf32, #tpu.memory_space<hbm>>
      tpu.wait_indirect_dma semaphore(%arg13 : memref<!tpu.dma_semaphore, #tpu.memory_space<semaphore_mem>>) src(%dma_wait3A_222 : memref<10240x128xf32, #tpu.memory_space<hbm>>) dst(%arg10 : memref<128x128xf32, #tpu.memory_space<vmem>>)
      %dma_start3A_223 = arith.constant 7 : i32
      %dma_start3A_224 = arith.constant 0 : i32
      %dma_start3A_225 = tpu.memref_slice %arg8[%rem3A_30, %dma_start3A_223, %dma_start3A_224] : memref<2x8x128xi32, #tpu.memory_space<vmem>> -> memref<1x1x128xi32, #tpu.memory_space<vmem>>
      %dma_start3A_226 = tpu.memref_squeeze %dma_start3A_225 : memref<1x1x128xi32, #tpu.memory_space<vmem>> -> memref<128xi32, #tpu.memory_space<vmem>>
      %dma_start3A_227 = arith.constant 0 : i32
      %dma_start3A_228 = arith.constant 0 : i32
      %dma_start3A_229 = tpu.memref_slice %arg11[%dma_start3A_227, %dma_start3A_228] : memref<10240x128xf32, #tpu.memory_space<vmem_shared>> -> memref<10240x128xf32, #tpu.memory_space<vmem_shared>>
      tpu.enqueue_indirect_dma source(%arg10 : memref<128x128xf32, #tpu.memory_space<vmem>>) target(%dma_start3A_229 : memref<10240x128xf32, #tpu.memory_space<vmem_shared>>) offsets(%dma_start3A_226 : memref<128xi32, #tpu.memory_space<vmem>>) semaphore(%arg15 : memref<!tpu.dma_semaphore, #tpu.memory_space<semaphore_mem>>) {add = true}
      %lt3A_230 = arith.constant 9 : i32
      %lt3A_231 = arith.cmpi slt, %scan3A_29, %lt3A_230 : i32
      %convert_element_type3A_232 = arith.extui %lt3A_231 : i1 to i32
      %cond3A_233 = arith.constant 0 : i32
      %cond3A_234 = arith.cmpi ne, %convert_element_type3A_232, %cond3A_233 : i32
      scf.if %cond3A_234 {
        %add3A_235 = arith.constant 1 : i32
        %add3A_236 = arith.addi %scan3A_29, %add3A_235 : i32
        %mul3A_237 = arith.constant 8 : i32
        %mul3A_238 = arith.muli %add3A_236, %mul3A_237 : i32
        %add3A_239 = arith.addi %mul3A_4, %mul3A_238 : i32
        %dma_wait3A_240 = arith.constant 0 : i32
        %dma_wait3A_241 = arith.constant 0 : i32
        %dma_wait3A_242 = tpu.memref_slice %arg7[%rem3A_34, %dma_wait3A_240, %dma_wait3A_241] : memref<2x8x128xi32, #tpu.memory_space<vmem>> -> memref<1x8x128xi32, #tpu.memory_space<vmem>>
        %dma_wait3A_243 = tpu.memref_squeeze %dma_wait3A_242 : memref<1x8x128xi32, #tpu.memory_space<vmem>> -> memref<8x128xi32, #tpu.memory_space<vmem>>
        %dma_wait3A_244 = arith.constant 0 : i32
        %dma_wait3A_245 = tpu.memref_slice %arg3[%add3A_239, %dma_wait3A_244] : memref<2560x128xi32, #tpu.memory_space<hbm>> -> memref<8x128xi32, #tpu.memory_space<hbm>>
        %dma_wait3A_246 = arith.constant 0 : i32
        %dma_wait3A_247 = arith.constant 0 : i32
        %dma_wait3A_248 = tpu.memref_slice %arg7[%rem3A_34, %dma_wait3A_246, %dma_wait3A_247] : memref<2x8x128xi32, #tpu.memory_space<vmem>> -> memref<1x8x128xi32, #tpu.memory_space<vmem>>
        %dma_wait3A_249 = tpu.memref_squeeze %dma_wait3A_248 : memref<1x8x128xi32, #tpu.memory_space<vmem>> -> memref<8x128xi32, #tpu.memory_space<vmem>>
        %dma_wait3A_250 = arith.constant 0 : i32
        %dma_wait3A_251 = tpu.memref_slice %arg3[%add3A_239, %dma_wait3A_250] : memref<2560x128xi32, #tpu.memory_space<hbm>> -> memref<8x128xi32, #tpu.memory_space<hbm>>
        tpu.wait_dma2 semaphore(%arg16 : memref<!tpu.dma_semaphore, #tpu.memory_space<semaphore_mem>>) src(%dma_wait3A_251 : memref<8x128xi32, #tpu.memory_space<hbm>>) dst(%dma_wait3A_249 : memref<8x128xi32, #tpu.memory_space<vmem>>)
        %dma_wait3A_252 = arith.constant 0 : i32
        %dma_wait3A_253 = arith.constant 0 : i32
        %dma_wait3A_254 = tpu.memref_slice %arg8[%rem3A_34, %dma_wait3A_252, %dma_wait3A_253] : memref<2x8x128xi32, #tpu.memory_space<vmem>> -> memref<1x8x128xi32, #tpu.memory_space<vmem>>
        %dma_wait3A_255 = tpu.memref_squeeze %dma_wait3A_254 : memref<1x8x128xi32, #tpu.memory_space<vmem>> -> memref<8x128xi32, #tpu.memory_space<vmem>>
        %dma_wait3A_256 = arith.constant 0 : i32
        %dma_wait3A_257 = tpu.memref_slice %arg4[%add3A_239, %dma_wait3A_256] : memref<2560x128xi32, #tpu.memory_space<hbm>> -> memref<8x128xi32, #tpu.memory_space<hbm>>
        %dma_wait3A_258 = arith.constant 0 : i32
        %dma_wait3A_259 = arith.constant 0 : i32
        %dma_wait3A_260 = tpu.memref_slice %arg8[%rem3A_34, %dma_wait3A_258, %dma_wait3A_259] : memref<2x8x128xi32, #tpu.memory_space<vmem>> -> memref<1x8x128xi32, #tpu.memory_space<vmem>>
        %dma_wait3A_261 = tpu.memref_squeeze %dma_wait3A_260 : memref<1x8x128xi32, #tpu.memory_space<vmem>> -> memref<8x128xi32, #tpu.memory_space<vmem>>
        %dma_wait3A_262 = arith.constant 0 : i32
        %dma_wait3A_263 = tpu.memref_slice %arg4[%add3A_239, %dma_wait3A_262] : memref<2560x128xi32, #tpu.memory_space<hbm>> -> memref<8x128xi32, #tpu.memory_space<hbm>>
        tpu.wait_dma2 semaphore(%arg16 : memref<!tpu.dma_semaphore, #tpu.memory_space<semaphore_mem>>) src(%dma_wait3A_263 : memref<8x128xi32, #tpu.memory_space<hbm>>) dst(%dma_wait3A_261 : memref<8x128xi32, #tpu.memory_space<vmem>>)
      } else {
      }
    }
    %scan3A_10 = arith.constant 10 : i32
    %dma_wait3A = arith.constant 0 : i32
    %dma_wait3A_11 = arith.constant 0 : i32
    %dma_wait3A_12 = arith.constant 0 : i32
    %dma_wait3A_13 = tpu.memref_slice %arg8[%dma_wait3A, %dma_wait3A_11, %dma_wait3A_12] : memref<2x8x128xi32, #tpu.memory_space<vmem>> -> memref<1x1x128xi32, #tpu.memory_space<vmem>>
    %dma_wait3A_14 = tpu.memref_squeeze %dma_wait3A_13 : memref<1x1x128xi32, #tpu.memory_space<vmem>> -> memref<128xi32, #tpu.memory_space<vmem>>
    %dma_wait3A_15 = arith.constant 0 : i32
    %dma_wait3A_16 = arith.constant 0 : i32
    %dma_wait3A_17 = tpu.memref_slice %arg11[%dma_wait3A_15, %dma_wait3A_16] : memref<10240x128xf32, #tpu.memory_space<vmem_shared>> -> memref<10240x128xf32, #tpu.memory_space<vmem_shared>>
    tpu.wait_indirect_dma semaphore(%arg14 : memref<!tpu.dma_semaphore, #tpu.memory_space<semaphore_mem>>) src(%arg9 : memref<128x128xf32, #tpu.memory_space<vmem>>) dst(%dma_wait3A_17 : memref<10240x128xf32, #tpu.memory_space<vmem_shared>>)
    %dma_wait3A_18 = arith.constant 0 : i32
    %dma_wait3A_19 = arith.constant 1 : i32
    %dma_wait3A_20 = arith.constant 0 : i32
    %dma_wait3A_21 = tpu.memref_slice %arg8[%dma_wait3A_18, %dma_wait3A_19, %dma_wait3A_20] : memref<2x8x128xi32, #tpu.memory_space<vmem>> -> memref<1x1x128xi32, #tpu.memory_space<vmem>>
    %dma_wait3A_22 = tpu.memref_squeeze %dma_wait3A_21 : memref<1x1x128xi32, #tpu.memory_space<vmem>> -> memref<128xi32, #tpu.memory_space<vmem>>
    %dma_wait3A_23 = arith.constant 0 : i32
    %dma_wait3A_24 = arith.constant 0 : i32
    %dma_wait3A_25 = tpu.memref_slice %arg11[%dma_wait3A_23, %dma_wait3A_24] : memref<10240x128xf32, #tpu.memory_space<vmem_shared>> -> memref<10240x128xf32, #tpu.memory_space<vmem_shared>>
    tpu.wait_indirect_dma semaphore(%arg15 : memref<!tpu.dma_semaphore, #tpu.memory_space<semaphore_mem>>) src(%arg10 : memref<128x128xf32, #tpu.memory_space<vmem>>) dst(%dma_wait3A_25 : memref<10240x128xf32, #tpu.memory_space<vmem_shared>>)
    %barrier3A_26 = arith.constant 0 : index
    tpu.barrier barrier_id(%barrier3A_26)
    %mul3A_27 = arith.constant 640 : i32
    %mul3A_28 = arith.muli %arg1, %mul3A_27 : i32
    "tpu.region"() ({
      %run_scoped3A_29 = tpu.sem_alloc : memref<!tpu.dma_semaphore, #tpu.memory_space<semaphore_mem>>
      %dma_start3A = arith.constant 0 : i32
      %dma_start3A_30 = tpu.memref_slice %arg6[%arg0, %mul3A_28, %dma_start3A] : memref<2x10240x128xf32, #tpu.memory_space<hbm>> -> memref<1x640x128xf32, #tpu.memory_space<hbm>>
      %dma_start3A_31 = tpu.memref_squeeze %dma_start3A_30 : memref<1x640x128xf32, #tpu.memory_space<hbm>> -> memref<640x128xf32, #tpu.memory_space<hbm>>
      %dma_start3A_32 = arith.constant 0 : i32
      %dma_start3A_33 = tpu.memref_slice %arg11[%mul3A_28, %dma_start3A_32] : memref<10240x128xf32, #tpu.memory_space<vmem_shared>> -> memref<640x128xf32, #tpu.memory_space<vmem_shared>>
      tpu.enqueue_dma source(%dma_start3A_33 : memref<640x128xf32, #tpu.memory_space<vmem_shared>>) target(%dma_start3A_31 : memref<640x128xf32, #tpu.memory_space<hbm>>) target_semaphore(%run_scoped3A_29 : memref<!tpu.dma_semaphore, #tpu.memory_space<semaphore_mem>>)
      %dma_wait3A_34 = arith.constant 0 : i32
      %dma_wait3A_35 = tpu.memref_slice %arg6[%arg0, %mul3A_28, %dma_wait3A_34] : memref<2x10240x128xf32, #tpu.memory_space<hbm>> -> memref<1x640x128xf32, #tpu.memory_space<hbm>>
      %dma_wait3A_36 = tpu.memref_squeeze %dma_wait3A_35 : memref<1x640x128xf32, #tpu.memory_space<hbm>> -> memref<640x128xf32, #tpu.memory_space<hbm>>
      %dma_wait3A_37 = arith.constant 0 : i32
      %dma_wait3A_38 = tpu.memref_slice %arg11[%mul3A_28, %dma_wait3A_37] : memref<10240x128xf32, #tpu.memory_space<vmem_shared>> -> memref<640x128xf32, #tpu.memory_space<vmem_shared>>
      tpu.wait_dma2 semaphore(%run_scoped3A_29 : memref<!tpu.dma_semaphore, #tpu.memory_space<semaphore_mem>>) src(%dma_wait3A_38 : memref<640x128xf32, #tpu.memory_space<vmem_shared>>) dst(%dma_wait3A_36 : memref<640x128xf32, #tpu.memory_space<hbm>>)
      tpu.yield
    }) : () -> ()
    return
  }
}

module attributes {stable_mosaic.version = 14 : i64} {
  func.func @_tc_pre_body(%arg0: i32, %arg1: memref<2x2048x1xf32, #tpu.memory_space<vmem>>, %arg2: memref<2048x128xf32, #tpu.memory_space<vmem>>, %arg3: memref<128x128xf32, #tpu.memory_space<vmem>>, %arg4: memref<2048x1xf32, #tpu.memory_space<vmem>>, %arg5: memref<2048x128xf32, #tpu.memory_space<vmem>>) attributes {dimension_semantics = [#tpu.dimension_semantics<arbitrary>], iteration_bounds = array<i64: 5>, scalar_prefetch = 0 : i64, scratch_operands = 0 : i64, tpu.core_type = #tpu.core_type<tc>, window_params = [{transform_indices = @transform_0, window_bounds = array<i64: 2, 2048, 1>}, {transform_indices = @transform_1, window_bounds = array<i64: 2048, 128>}, {pipeline_mode = #tpu.pipeline_mode<synchronous>, transform_indices = @transform_2, window_bounds = array<i64: 128, 128>}, {transform_indices = @transform_3, window_bounds = array<i64: 2048, 1>}, {transform_indices = @transform_4, window_bounds = array<i64: 2048, 128>}]} {
    %get3A = arith.constant 0 : index
    %get3A_0 = arith.constant 0 : index
    %get3A_1 = arith.constant 0 : index
    %get3A_2 = vector.load %arg1[%get3A, %get3A_0, %get3A_1] : memref<2x2048x1xf32, #tpu.memory_space<vmem>>, vector<1x2048x1xf32>
    %get3A_3 = vector.shape_cast %get3A_2 : vector<1x2048x1xf32> to vector<2048x1xf32>
    %get3A_4 = arith.constant 1 : index
    %get3A_5 = arith.constant 0 : index
    %get3A_6 = arith.constant 0 : index
    %get3A_7 = vector.load %arg1[%get3A_4, %get3A_5, %get3A_6] : memref<2x2048x1xf32, #tpu.memory_space<vmem>>, vector<1x2048x1xf32>
    %get3A_8 = vector.shape_cast %get3A_7 : vector<1x2048x1xf32> to vector<2048x1xf32>
    %add3A = arith.addf %get3A_3, %get3A_8 : vector<2048x1xf32>
    %add3A_9 = arith.constant 1.000000e+00 : f32
    %add3A_10 = vector.broadcast %add3A_9 : f32 to vector<2048x1xf32>
    %add3A_11 = arith.addf %add3A, %add3A_10 : vector<2048x1xf32>
    %rsqrt3A = math.rsqrt %add3A_11 : vector<2048x1xf32>
    %swap3A = arith.constant 0 : index
    %swap3A_12 = arith.constant 0 : index
    %swap3A_13 = vector.load %arg4[%swap3A, %swap3A_12] : memref<2048x1xf32, #tpu.memory_space<vmem>>, vector<2048x1xf32>
    tpu.vector_store %arg4[%swap3A, %swap3A_12], %rsqrt3A {strides = array<i32>} : memref<2048x1xf32, #tpu.memory_space<vmem>>, vector<2048x1xf32>,
    %get3A_14 = arith.constant 0 : index
    %get3A_15 = arith.constant 0 : index
    %get3A_16 = vector.load %arg2[%get3A_14, %get3A_15] : memref<2048x128xf32, #tpu.memory_space<vmem>>, vector<2048x128xf32>
    %get3A_17 = arith.constant 0 : index
    %get3A_18 = arith.constant 0 : index
    %get3A_19 = vector.load %arg3[%get3A_17, %get3A_18] : memref<128x128xf32, #tpu.memory_space<vmem>>, vector<128x128xf32>
    %dot_general3A = arith.constant dense<0.000000e+00> : vector<2048x128xf32>
    %dot_general3A_20 = tpu.matmul %get3A_16, %get3A_19, %dot_general3A {dimension_numbers = #tpu.dot_dimension_numbers<[1], [0], [0], [1], [0, 0, 1, 1], [], []>, transpose_lhs_hint = false} : vector<2048x128xf32>, vector<128x128xf32>, vector<2048x128xf32> -> vector<2048x128xf32>
    %mul3A = vector.broadcast %rsqrt3A : vector<2048x1xf32> to vector<2048x128xf32>
    %mul3A_21 = arith.mulf %dot_general3A_20, %mul3A : vector<2048x128xf32>
    %swap3A_22 = arith.constant 0 : index
    %swap3A_23 = arith.constant 0 : index
    %swap3A_24 = vector.load %arg5[%swap3A_22, %swap3A_23] : memref<2048x128xf32, #tpu.memory_space<vmem>>, vector<2048x128xf32>
    tpu.vector_store %arg5[%swap3A_22, %swap3A_23], %mul3A_21 {strides = array<i32>} : memref<2048x128xf32, #tpu.memory_space<vmem>>, vector<2048x128xf32>,
    return
  }
  func.func @transform_0(%arg0: i32) -> (i32, i32, i32) {
    %c0_i32 = arith.constant 0 : i32
    %c0_i32_0 = arith.constant 0 : i32
    %c0_i32_1 = arith.constant 0 : i32
    return %c0_i32, %arg0, %c0_i32_0 : i32, i32, i32
  }
  func.func @transform_1(%arg0: i32) -> (i32, i32) {
    %c0_i32 = arith.constant 0 : i32
    %c0_i32_0 = arith.constant 0 : i32
    return %arg0, %c0_i32 : i32, i32
  }
  func.func @transform_2(%arg0: i32) -> (i32, i32) {
    %c0_i32 = arith.constant 0 : i32
    %c0_i32_0 = arith.constant 0 : i32
    %c0_i32_1 = arith.constant 0 : i32
    return %c0_i32, %c0_i32_0 : i32, i32
  }
  func.func @transform_3(%arg0: i32) -> (i32, i32) {
    %c0_i32 = arith.constant 0 : i32
    %c0_i32_0 = arith.constant 0 : i32
    return %arg0, %c0_i32 : i32, i32
  }
  func.func @transform_4(%arg0: i32) -> (i32, i32) {
    %c0_i32 = arith.constant 0 : i32
    %c0_i32_0 = arith.constant 0 : i32
    return %arg0, %c0_i32 : i32, i32
  }
}

module attributes {stable_mosaic.version = 14 : i64} {
  func.func @_tc_mid_body(%arg0: i32, %arg1: memref<2x2048x128xf32, #tpu.memory_space<vmem>>, %arg2: memref<2048x128xf32, #tpu.memory_space<vmem>>, %arg3: memref<2048x1xf32, #tpu.memory_space<vmem>>, %arg4: memref<1x128xf32, #tpu.memory_space<vmem>>, %arg5: memref<128x128xf32, #tpu.memory_space<vmem>>, %arg6: memref<2048x128xf32, #tpu.memory_space<vmem>>) attributes {dimension_semantics = [#tpu.dimension_semantics<arbitrary>], iteration_bounds = array<i64: 5>, scalar_prefetch = 0 : i64, scratch_operands = 0 : i64, tpu.core_type = #tpu.core_type<tc>, window_params = [{transform_indices = @transform_0, window_bounds = array<i64: 2, 2048, 128>}, {transform_indices = @transform_1, window_bounds = array<i64: 2048, 128>}, {transform_indices = @transform_2, window_bounds = array<i64: 2048, 1>}, {pipeline_mode = #tpu.pipeline_mode<synchronous>, transform_indices = @transform_3, window_bounds = array<i64: 1, 128>}, {pipeline_mode = #tpu.pipeline_mode<synchronous>, transform_indices = @transform_4, window_bounds = array<i64: 128, 128>}, {transform_indices = @transform_5, window_bounds = array<i64: 2048, 128>}]} {
    %get3A = arith.constant 0 : index
    %get3A_0 = arith.constant 0 : index
    %get3A_1 = vector.load %arg3[%get3A, %get3A_0] : memref<2048x1xf32, #tpu.memory_space<vmem>>, vector<2048x1xf32>
    %get3A_2 = arith.constant 0 : index
    %get3A_3 = arith.constant 0 : index
    %get3A_4 = arith.constant 0 : index
    %get3A_5 = vector.load %arg1[%get3A_2, %get3A_3, %get3A_4] : memref<2x2048x128xf32, #tpu.memory_space<vmem>>, vector<1x2048x128xf32>
    %get3A_6 = vector.shape_cast %get3A_5 : vector<1x2048x128xf32> to vector<2048x128xf32>
    %get3A_7 = arith.constant 1 : index
    %get3A_8 = arith.constant 0 : index
    %get3A_9 = arith.constant 0 : index
    %get3A_10 = vector.load %arg1[%get3A_7, %get3A_8, %get3A_9] : memref<2x2048x128xf32, #tpu.memory_space<vmem>>, vector<1x2048x128xf32>
    %get3A_11 = vector.shape_cast %get3A_10 : vector<1x2048x128xf32> to vector<2048x128xf32>
    %add3A = arith.addf %get3A_6, %get3A_11 : vector<2048x128xf32>
    %get3A_12 = arith.constant 0 : index
    %get3A_13 = arith.constant 0 : index
    %get3A_14 = vector.load %arg2[%get3A_12, %get3A_13] : memref<2048x128xf32, #tpu.memory_space<vmem>>, vector<2048x128xf32>
    %add3A_15 = arith.addf %add3A, %get3A_14 : vector<2048x128xf32>
    %mul3A = vector.broadcast %get3A_1 : vector<2048x1xf32> to vector<2048x128xf32>
    %mul3A_16 = arith.mulf %mul3A, %add3A_15 : vector<2048x128xf32>
    %get3A_17 = arith.constant 0 : index
    %get3A_18 = arith.constant 0 : index
    %get3A_19 = vector.load %arg4[%get3A_17, %get3A_18] : memref<1x128xf32, #tpu.memory_space<vmem>>, vector<1x128xf32>
    %add3A_20 = vector.broadcast %get3A_19 : vector<1x128xf32> to vector<2048x128xf32>
    %add3A_21 = arith.addf %mul3A_16, %add3A_20 : vector<2048x128xf32>
    %max3A = arith.constant 0.000000e+00 : f32
    %max3A_22 = vector.broadcast %max3A : f32 to vector<2048x128xf32>
    %max3A_23 = arith.maximumf %add3A_21, %max3A_22 : vector<2048x128xf32>
    %get3A_24 = arith.constant 0 : index
    %get3A_25 = arith.constant 0 : index
    %get3A_26 = vector.load %arg5[%get3A_24, %get3A_25] : memref<128x128xf32, #tpu.memory_space<vmem>>, vector<128x128xf32>
    %dot_general3A = arith.constant dense<0.000000e+00> : vector<2048x128xf32>
    %dot_general3A_27 = tpu.matmul %max3A_23, %get3A_26, %dot_general3A {dimension_numbers = #tpu.dot_dimension_numbers<[1], [0], [0], [1], [0, 0, 1, 1], [], []>, transpose_lhs_hint = false} : vector<2048x128xf32>, vector<128x128xf32>, vector<2048x128xf32> -> vector<2048x128xf32>
    %mul3A_28 = vector.broadcast %get3A_1 : vector<2048x1xf32> to vector<2048x128xf32>
    %mul3A_29 = arith.mulf %dot_general3A_27, %mul3A_28 : vector<2048x128xf32>
    %swap3A = arith.constant 0 : index
    %swap3A_30 = arith.constant 0 : index
    %swap3A_31 = vector.load %arg6[%swap3A, %swap3A_30] : memref<2048x128xf32, #tpu.memory_space<vmem>>, vector<2048x128xf32>
    tpu.vector_store %arg6[%swap3A, %swap3A_30], %mul3A_29 {strides = array<i32>} : memref<2048x128xf32, #tpu.memory_space<vmem>>, vector<2048x128xf32>,
    return
  }
  func.func @transform_0(%arg0: i32) -> (i32, i32, i32) {
    %c0_i32 = arith.constant 0 : i32
    %c0_i32_0 = arith.constant 0 : i32
    %c0_i32_1 = arith.constant 0 : i32
    return %c0_i32, %arg0, %c0_i32_0 : i32, i32, i32
  }
  func.func @transform_1(%arg0: i32) -> (i32, i32) {
    %c0_i32 = arith.constant 0 : i32
    %c0_i32_0 = arith.constant 0 : i32
    return %arg0, %c0_i32 : i32, i32
  }
  func.func @transform_2(%arg0: i32) -> (i32, i32) {
    %c0_i32 = arith.constant 0 : i32
    %c0_i32_0 = arith.constant 0 : i32
    return %arg0, %c0_i32 : i32, i32
  }
  func.func @transform_3(%arg0: i32) -> (i32, i32) {
    %c0_i32 = arith.constant 0 : i32
    %c0_i32_0 = arith.constant 0 : i32
    %c0_i32_1 = arith.constant 0 : i32
    return %c0_i32, %c0_i32_0 : i32, i32
  }
  func.func @transform_4(%arg0: i32) -> (i32, i32) {
    %c0_i32 = arith.constant 0 : i32
    %c0_i32_0 = arith.constant 0 : i32
    %c0_i32_1 = arith.constant 0 : i32
    return %c0_i32, %c0_i32_0 : i32, i32
  }
  func.func @transform_5(%arg0: i32) -> (i32, i32) {
    %c0_i32 = arith.constant 0 : i32
    %c0_i32_0 = arith.constant 0 : i32
    return %arg0, %c0_i32 : i32, i32
  }
}

module attributes {stable_mosaic.version = 14 : i64} {
  func.func @_tc_fin_body(%arg0: i32, %arg1: memref<2x2048x128xf32, #tpu.memory_space<vmem>>, %arg2: memref<2048x128xf32, #tpu.memory_space<vmem>>, %arg3: memref<2048x1xf32, #tpu.memory_space<vmem>>, %arg4: memref<1x128xf32, #tpu.memory_space<vmem>>, %arg5: memref<2048x128xf32, #tpu.memory_space<vmem>>) attributes {dimension_semantics = [#tpu.dimension_semantics<arbitrary>], iteration_bounds = array<i64: 5>, scalar_prefetch = 0 : i64, scratch_operands = 0 : i64, tpu.core_type = #tpu.core_type<tc>, window_params = [{transform_indices = @transform_0, window_bounds = array<i64: 2, 2048, 128>}, {transform_indices = @transform_1, window_bounds = array<i64: 2048, 128>}, {transform_indices = @transform_2, window_bounds = array<i64: 2048, 1>}, {pipeline_mode = #tpu.pipeline_mode<synchronous>, transform_indices = @transform_3, window_bounds = array<i64: 1, 128>}, {transform_indices = @transform_4, window_bounds = array<i64: 2048, 128>}]} {
    %get3A = arith.constant 0 : index
    %get3A_0 = arith.constant 0 : index
    %get3A_1 = vector.load %arg3[%get3A, %get3A_0] : memref<2048x1xf32, #tpu.memory_space<vmem>>, vector<2048x1xf32>
    %get3A_2 = arith.constant 0 : index
    %get3A_3 = arith.constant 0 : index
    %get3A_4 = arith.constant 0 : index
    %get3A_5 = vector.load %arg1[%get3A_2, %get3A_3, %get3A_4] : memref<2x2048x128xf32, #tpu.memory_space<vmem>>, vector<1x2048x128xf32>
    %get3A_6 = vector.shape_cast %get3A_5 : vector<1x2048x128xf32> to vector<2048x128xf32>
    %get3A_7 = arith.constant 1 : index
    %get3A_8 = arith.constant 0 : index
    %get3A_9 = arith.constant 0 : index
    %get3A_10 = vector.load %arg1[%get3A_7, %get3A_8, %get3A_9] : memref<2x2048x128xf32, #tpu.memory_space<vmem>>, vector<1x2048x128xf32>
    %get3A_11 = vector.shape_cast %get3A_10 : vector<1x2048x128xf32> to vector<2048x128xf32>
    %add3A = arith.addf %get3A_6, %get3A_11 : vector<2048x128xf32>
    %get3A_12 = arith.constant 0 : index
    %get3A_13 = arith.constant 0 : index
    %get3A_14 = vector.load %arg2[%get3A_12, %get3A_13] : memref<2048x128xf32, #tpu.memory_space<vmem>>, vector<2048x128xf32>
    %add3A_15 = arith.addf %add3A, %get3A_14 : vector<2048x128xf32>
    %mul3A = vector.broadcast %get3A_1 : vector<2048x1xf32> to vector<2048x128xf32>
    %mul3A_16 = arith.mulf %mul3A, %add3A_15 : vector<2048x128xf32>
    %get3A_17 = arith.constant 0 : index
    %get3A_18 = arith.constant 0 : index
    %get3A_19 = vector.load %arg4[%get3A_17, %get3A_18] : memref<1x128xf32, #tpu.memory_space<vmem>>, vector<1x128xf32>
    %add3A_20 = vector.broadcast %get3A_19 : vector<1x128xf32> to vector<2048x128xf32>
    %add3A_21 = arith.addf %mul3A_16, %add3A_20 : vector<2048x128xf32>
    %swap3A = arith.constant 0 : index
    %swap3A_22 = arith.constant 0 : index
    %swap3A_23 = vector.load %arg5[%swap3A, %swap3A_22] : memref<2048x128xf32, #tpu.memory_space<vmem>>, vector<2048x128xf32>
    tpu.vector_store %arg5[%swap3A, %swap3A_22], %add3A_21 {strides = array<i32>} : memref<2048x128xf32, #tpu.memory_space<vmem>>, vector<2048x128xf32>,
    return
  }
  func.func @transform_0(%arg0: i32) -> (i32, i32, i32) {
    %c0_i32 = arith.constant 0 : i32
    %c0_i32_0 = arith.constant 0 : i32
    %c0_i32_1 = arith.constant 0 : i32
    return %c0_i32, %arg0, %c0_i32_0 : i32, i32, i32
  }
  func.func @transform_1(%arg0: i32) -> (i32, i32) {
    %c0_i32 = arith.constant 0 : i32
    %c0_i32_0 = arith.constant 0 : i32
    return %arg0, %c0_i32 : i32, i32
  }
  func.func @transform_2(%arg0: i32) -> (i32, i32) {
    %c0_i32 = arith.constant 0 : i32
    %c0_i32_0 = arith.constant 0 : i32
    return %arg0, %c0_i32 : i32, i32
  }
  func.func @transform_3(%arg0: i32) -> (i32, i32) {
    %c0_i32 = arith.constant 0 : i32
    %c0_i32_0 = arith.constant 0 : i32
    %c0_i32_1 = arith.constant 0 : i32
    return %c0_i32, %c0_i32_0 : i32, i32
  }
  func.func @transform_4(%arg0: i32) -> (i32, i32) {
    %c0_i32 = arith.constant 0 : i32
    %c0_i32_0 = arith.constant 0 : i32
    return %arg0, %c0_i32 : i32, i32
  }
}

</mosaic_0001>

<sc_bundles>
// kernel: kernel.10.cloned.1.call-start
scs
__scs_entry_jumppad:
0x0: {  	(pc) =	sbr.rel $0x88, $3  }
0x1: {  	(tag) =	ssettag $0x0;
	lr =	simm.s32 $0x1  }
0x2: {  	[smem:$0x3F98] =	sst lr;
	_ =	strace $0xD0000000  }
0x3: {  	_ = 	snop  }
0x4: {  	_ = 	snop  }
0x5: {  	_ = 	snop  }
0x6: {  	_ = 	snop  }
0x7: {  	_ = 	snop  }
__scs_overlays_trampoline_lowered:
0x8: {  	[smem:$0x3FA7] =	sst s0  }
0x9: {  	[smem:$0x3FA8] =	sst s1  }
0xa: {  	[smem:$0x3FA9] =	sst s2  }
0xb: {  	[smem:$0x3FAA] =	sst s3  }
0xc: {  	[smem:$0x3FAB] =	sst s4  }
0xd: {  	[smem:$0x3FAC] =	sst s5  }
0xe: {  	[smem:$0x3FAD] =	sst s6  }
0xf: {  	[smem:$0x3FAE] =	sst s7  }
0x10: {  	[smem:$0x3FAF] =	sst s8  }
0x11: {  	[smem:$0x3FB0] =	sst s9;
	s0 =	simm.s32 @!p0 $0x0  }
0x12: {  	s1 =	sld [smem:$0x3F96];
	s0 =	simm.s32 @p0 $0x1  }
0x13: {  	[smem:$0x3FB1] =	sst s0;
	s0 =	simm.s32 @!p1 $0x0  }
0x14: {  	s2 =	sld [smem:$0x3F95];
	s0 =	simm.s32 @p1 $0x1  }
0x15: {  	[smem:$0x3FB2] =	sst s0;
	s0 =	simm.s32 @!p2 $0x0  }
0x16: {  	s3 =	sld [smem:$0x3FDB];
	s0 =	simm.s32 @p2 $0x1  }
0x17: {  	s4 =	simm.s32 $0x1BF5;
	[smem:$0x3FB4] =	sst s0  }
0x18: {  	s0 =	sld [smem:$0x3F97];
	_ =	swait.ge [sflag:s4], $0x0  }
0x19: {  	s7 =	sld [smem:$0x3F98]  }
0x1a: {  	s8 =	sadd.s32 $0xFFFFE003, lr  }
0x1b: {  	s9 =	sadd.s32 $0xFFFFFEF7, lr;
	s5 =	simm.s32 $0xFFFFFFFF;
	p2 =	slt.u32 s8, $0xFFFFF086  }
0x1c: {  	p1 =	slt.u32 s9, $0xF7A;
	s5 =	simm.s32 @!p2 $0x0  }
0x1d: {  	s5 =	simm.s32 @p1 $0x1;
	p0 =	seq.s32 s7, s2  }
0x1e: {  	s7 =	smul.u32 @!p0 $0xF7A, s2;
	p2 =	seq.s32 @!p0 s5, $0x0  }
0x1f: {  	s9 =	smul.u32 $0xF7A, s1;
	s8 =	simm.s32 @!p0 $0x1BF5;
	p2 =	por !p2, p0  }
0x20: {  	[sflag:s8] =	ssyncset.s32 @!p0 $0xFFFFF086;
	s6 =	sadd.s32 @!p0 s3, s7;
	s7 =	simm.s32 @!p0 $0x108  }
0x21: {  	s3 =	sadd.s32 s3, s9;
	s6 =	sadd.s32 @!p0 $0x88, s6;
	s7 =	simm.s32 @p2 $0x1082  }
0x22: {  	[simem:s7], [sflag:s8] =	dma.local @!p0 [hbm:s6], $0xF7A  }
0x23: {  	s9 =	sor.u32 $0xD0000000, s2;
	s6 =	simm.s32 $0x108;
	_ =	swait.ge @!p0 [sflag:s8], $0x0  }
0x24: {  	s3 =	sadd.s32 $0x88, s3;
	s6 =	simm.s32 @!p1 $0x1082;
	[sflag:s4] =	ssyncset.s32 $0xFFFFF086  }
0x25: {  	[simem:s6], [sflag:s4] =	dma.local [hbm:s3], $0xF7A  }
0x26: {  	[smem:$0x3F98] =	sst s1;
	(tag) =	ssettag s2;
	_ =	strace s9  }
0x27: {  	s1 =	sld [smem:$0x3FA8]  }
0x28: {  	s2 =	sld [smem:$0x3FA9]  }
0x29: {  	s4 =	sld [smem:$0x3FAB]  }
0x2a: {  	p0 =	seq.s32 s5, $0x0;
	s5 =	sld [smem:$0x3FAC]  }
0x2b: {  	s6 =	sld [smem:$0x3FAD]  }
0x2c: {  	s7 =	sld [smem:$0x3FAE]  }
0x2d: {  	s3 =	simm.s32 $0x108;
	s8 =	sld [smem:$0x3FAF]  }
0x2e: {  	s3 =	simm.s32 @!p0 $0x1082;
	s9 =	sld [smem:$0x3FB0]  }
0x2f: {  	lr =	sadd.s32 s0, s3;
	s0 =	sld [smem:$0x3FA7]  }
0x30: {  	s3 =	sld [smem:$0x3FAA]  }
0x31: {  	[smem:$0x3FB3] =	sst s10  }
0x32: {  	s10 =	sld [smem:$0x3FB1];
	_ =	sdelay $0x3  }
0x33: {  	p0 =	seq.s32 s10, $0x1;
	s10 =	sld [smem:$0x3FB3];
	_ =	sdelay $0x3  }
0x34: {  	[smem:$0x3FB3] =	sst s10  }
0x35: {  	s10 =	sld [smem:$0x3FB2];
	_ =	sdelay $0x3  }
0x36: {  	p1 =	seq.s32 s10, $0x1;
	s10 =	sld [smem:$0x3FB3];
	_ =	sdelay $0x3  }
0x37: {  	[smem:$0x3FB3] =	sst s10  }
0x38: {  	s10 =	sld [smem:$0x3FB4]  }
0x39: {  	_ = 	snop;
	(pc) =	sbr.ind lr, $3  }
0x3a: {  	_ = 	snop  }
0x3b: {  	_ = 	snop  }
0x3c: {  	p2 =	seq.s32 s10, $0x1;
	s10 =	sld [smem:$0x3FB3]  }
0x3d: {  	_ =	shalt  }
0x3e: {  	_ =	shalt  }
0x3f: {  	_ =	shalt  }
0x40: {  	_ =	shalt  }
0x41: {  	_ =	shalt  }
0x42: {  	_ =	shalt  }
0x43: {  	_ =	shalt  }
0x44: {  	_ =	shalt  }
0x45: {  	_ =	shalt  }
0x46: {  	_ =	shalt  }
0x47: {  	_ =	shalt  }
0x48: {  	_ =	shalt  }
0x49: {  	_ =	shalt  }
0x4a: {  	_ =	shalt  }
0x4b: {  	_ =	shalt  }
0x4c: {  	_ =	shalt  }
0x4d: {  	_ =	shalt  }
0x4e: {  	_ =	shalt  }
0x4f: {  	_ =	shalt  }
0x50: {  	_ =	shalt  }
0x51: {  	_ =	shalt  }
0x52: {  	_ =	shalt  }
0x53: {  	_ =	shalt  }
0x54: {  	_ =	shalt  }
0x55: {  	_ =	shalt  }
0x56: {  	_ =	shalt  }
0x57: {  	_ =	shalt  }
0x58: {  	_ =	shalt  }
0x59: {  	_ =	shalt  }
0x5a: {  	_ =	shalt  }
0x5b: {  	_ =	shalt  }
0x5c: {  	_ =	shalt  }
0x5d: {  	_ =	shalt  }
0x5e: {  	_ =	shalt  }
0x5f: {  	_ =	shalt  }
0x60: {  	_ =	shalt  }
0x61: {  	_ =	shalt  }
0x62: {  	_ =	shalt  }
0x63: {  	_ =	shalt  }
0x64: {  	_ =	shalt  }
0x65: {  	_ =	shalt  }
0x66: {  	_ =	shalt  }
0x67: {  	_ =	shalt  }
0x68: {  	_ =	shalt  }
0x69: {  	_ =	shalt  }
0x6a: {  	_ =	shalt  }
0x6b: {  	_ =	shalt  }
0x6c: {  	_ =	shalt  }
0x6d: {  	_ =	shalt  }
0x6e: {  	_ =	shalt  }
0x6f: {  	_ =	shalt  }
0x70: {  	_ =	shalt  }
0x71: {  	_ =	shalt  }
0x72: {  	_ =	shalt  }
0x73: {  	_ =	shalt  }
0x74: {  	_ =	shalt  }
0x75: {  	_ =	shalt  }
0x76: {  	_ =	shalt  }
0x77: {  	_ =	shalt  }
0x78: {  	_ =	shalt  }
0x79: {  	_ =	shalt  }
0x7a: {  	_ =	shalt  }
0x7b: {  	_ =	shalt  }
0x7c: {  	_ =	shalt  }
0x7d: {  	_ =	shalt  }
0x7e: {  	_ =	shalt  }
0x7f: {  	_ =	shalt  }
0x80: {  	_ =	shalt  }
0x81: {  	_ =	shalt  }
0x82: {  	_ =	shalt  }
0x83: {  	_ =	shalt  }
0x84: {  	_ =	shalt  }
0x85: {  	_ =	shalt  }
0x86: {  	_ =	shalt  }
0x87: {  	_ =	shalt  }
.Lfunc_end0:
.L_simem_size_0:
called_computation_lowered:
.L_overlay_start_0:
0x88: {  	s2 =	sld [smem:$0x3FD9]  }
0x89: {  	s3 =	sld [smem:$0x3FFE];
	_ =	sdelay $0x1  }
0x8a: {  	s1 =	srdreg.scid  }
0x8b: {  	s0 =	sand.u32 $0x1, s1  }
0x8c: {  	s14 =	sshll.u32 s0, $0xA;
	s2 =	sadd.s32 s3, s2  }
0x8d: {  	s2 =	sadd.s32 s2, s14  }
0x8e: {  	[smem:$0x3FBF] =	sst s2  }
0x8f: {  	_ = 	snop  }
0x90: {  	s2 =	sld [smem:$0x3FD0];
	_ =	sdelay $0x2  }
0x91: {  	s15 =	simm.s32 $0xA;
	s4 =	simm.s32 $0x10  }
0x92: {  	[smem:s4], [sflag:s15] =	dma.local [hbm:s2], $0x1  }
0x93: {  	_ =	swait.eq [sflag:s15], $0x1  }
0x94: {  	[sflag:s15] =	ssyncset.done $0x0  }
0x95: {  	[sflag:s15] =	ssyncadd.s32 $0xFFFFFFFF  }
0x96: {  	s16 =	sld [smem:$0x11];
	(tm) =	ssettm $0x1  }
0x97: {  	s17 =	sld [smem:$0x3FFB];
	_ =	sdelay $0x3  }
0x98: {  	_ =	strace s17  }
0x99: {  	s3 =	sld [smem:$0x3FFC];
	_ =	sdelay $0x3  }
0x9a: {  	_ =	strace s3  }
0x9b: {  	s3 =	sld [smem:$0x3FFD];
	_ =	sdelay $0x3  }
0x9c: {  	_ =	strace s3  }
0x9d: {  	_ =	strace $0x8FFFFFFF  }
0x9e: {  	s18 =	sld [smem:$0x3FDB];
	_ =	sdelay $0x1  }
0x9f: {  	s19 =	simm.s32 $_scs_section_size  }
0xa0: {  	s5 =	simm.s32 $_size__tile_overlayer_lowered;
	s6 =	simm.s32 $_tile_overlayer_lowered  }
0xa1: {  	s22 =	simm.s32 $0x1BFF;
	s21 =	sshll.u32 s6, $0x1;
	s3 =	sadd.s32 s19, s18  }
0xa2: {  	s7 =	simm.s32 $0x0;
	s20 =	sshll.u32 s5, $0x1;
	s5 =	sadd.s32 s21, s3  }
0xa3: {  	[timem:s7], [sflag:s22] =	dma.local [hbm:s5], s20  }
0xa4: {  	_ =	swait.ge [sflag:s22], s20  }
0xa5: {  	s4 =	ssub.s32 $0x0, s20;
	[sflag:s22] =	ssyncset.done $0x0  }
0xa6: {  	[sflag:s22] =	ssyncadd.s32 s4;
	_ =	sdelay $0x1  }
0xa7: {  	s23 =	simm.s32 $0x1B8B  }
0xa8: {  	_ =	swait.ge [sflag:s23], $0x1  }
0xa9: {  	[sflag:s23] =	ssyncset.done $0x0  }
0xaa: {  	s25 =	simm.s32 $0x1B8E;
	s24 =	sld [smem:$0x3FFE];
	[sflag:s23] =	ssyncadd.s32 $0xFFFFFFFF  }
0xab: {  	s26 =	simm.s32 $execute0_lowered;
	[smem:$0x3FD2] =	sst s25  }
0xac: {  	s5 =	sshll.u32 s26, $0x1;
	_ =	strace $0x80000046;
	[dreg:$0x1] =	wrdreg $0xFFFFFFFF  }
0xad: {  	s28 =	simm.s32 $_size_execute0_lowered;
	s3 =	sadd.s32 s3, s5;
	[dreg:$0x0] =	wrdreg $0x0  }
0xae: {  	s5 =	sshll.u32 s28, $0x1;
	[dreg:$0x2] =	wrdreg s3  }
0xaf: {  	[dreg:$0x3] =	wrdreg s5  }
0xb0: {  	[dreg:$0x4] =	wrdreg $0xC0  }
0xb1: {  	_ =	task [dreg:s7], $0x5FFFF  }
0xb2: {  	[dreg:$0x1] =	wrdreg $0xFFFFFFFF  }
0xb3: {  	[dreg:$0x0] =	wrdreg $0x60  }
0xb4: {  	[dreg:$0x2] =	wrdreg s24  }
0xb5: {  	[dreg:$0x3] =	wrdreg s16  }
0xb6: {  	[dreg:$0x4] =	wrdreg $0x1B8000  }
0xb7: {  	[dreg:$0x5] =	wrdreg $0x9  }
0xb8: {  	_ =	task.clear_ibuf [dreg:s7], $0x6FFFF;
	_ =	strace $0x90000046  }
0xb9: {  	s29 =	simm.s32 $0x9;
	_ =	strace $0x80000048  }
0xba: {  	_ =	swait.ge [sflag:s29], $0x1  }
0xbb: {  	[sflag:s29] =	ssyncadd.s32 $0xFFFFFFFF  }
0xbc: {  	_ =	strace $0x90000048  }
0xbd: {  	_ =	sfence  }
0xbe: {  	s30 =	sld [smem:$0x0];
	_ =	sdelay $0x2  }
0xbf: {  	s31 =	sshll.u32 s1, $0xD;
	s1 =	sshrl.u32 s1, $0x2  }
0xc0: {  	s3 =	sand.u32 $0x4000, s31;
	s1 =	sadd.s32 s1, s30  }
0xc1: {  	s0 =	sor.u32 s3, s0;
	s1 =	sshll.u32 s1, $0x11  }
0xc2: {  	s0 =	sor.u32 s1, s0  }
0xc3: {  	s0 =	sadd.s32 $0x8F2B, s0  }
0xc4: {  	[sflag:s0] =	ssyncadd.remote.s32 $0x1  }
0xc5: {  	_ =	sfence.sel $0xFFFF  }
0xc6: {  	[dreg:$0x0] =	wrdreg $0xFFFFFFFF;
	(pc) =	sbr.abs _section_cstart, $3  }
0xc7: {  	[dreg:$0x1] =	wrdreg $0xFFFFFFFF  }
0xc8: {  	_ =	task.clear_ibuf [dreg:s7], $0x2FFFF;
	_ =	strace $0x9FFFFFFF  }
0xc9: {  	(tm) =	ssettm $0x7FFFFFFF  }
tec
execute0_lowered:
.L_overlay_start_1:
0x0: {  	(tag) =	ssettag $0x1  }
0x1: {  	s3 =	rddreg [dreg:$0x0]  }
0x2: {  	s6 =	rddreg [dreg:$0x1]  }
0x3: {  	s1 =	srdreg.scid;
	s0 =	stileid.u32  }
0x4: {  	s5 =	rddreg [dreg:$0x2];
	s2 =	simm.s32 $0x0;
	s12 =	simm.s32 $0x1400  }
0x5: {  	s13 =	simm.s32 $0x14000;
	s14 =	simm.s32 $0x5000;
	s15 =	simm.s32 $0x7800  }
0x6: {  	s16 =	simm.s32 $0x0;
	s4 =	sand.u32 $0x1, s1;
	s30 =	smul.u32 $0x14000, s0  }
0x7: {  	s1 =	rddreg [dreg:$0x3];
	s8 =	sshrl.u32 s0, $0x3;
	s11 =	smul.u32 $0x5000, s0  }
0x8: {  	s7 =	sshll.u32 s0, $0x1;
	[smem:$0x7FF] =	sst s2;
	s8 =	smul.u32 $0x50000, s8  }
0x9: {  	s7 =	sor.u32 s4, s7;
	s9 =	ssub.s32 $0x2, s4;
	s4 =	smul.u32 $0x140000, s4  }
0xa: {  	s10 =	sshll.u32 s0, $0x7;
	_ =	strace $0x80000047;
	s7 =	smul.u32 $0x500, s7  }
0xb: {  	s10 =	sand.u32 $0x380, s10;
	s29 =	sshrl.u32 s9, $0x1;
	s31 =	sshrl.u32 s11, $0x2  }
0xc: {  	s11 =	simm.s32 $0x400;
	s8 =	sshrl.u32 s8, $0x2;
	s3 =	sadd.s32 s7, s3  }
0xd: {  	s7 =	ssub.s32 s9, s29;
	s8 =	sadd.s32 s8, s5;
	s9 =	sadd.s32 s30, s4  }
0xe: {  	s5 =	sadd.s32 s31, s5;
	s3 =	sadd.s32 $0x2C00, s3;
	s4 =	sadd.s32 s10, s8  }
0xf: {  	v2 =	vlaneseq.u32;
	s9 =	sshrl.u32 s9, $0x3;
	s7 =	smax.u32 s7, $0x1;
	s8 =	simm.s32 $0x1  }
0x10: {  	v0 =	vimm.f32 $0.0e+00;
	v1 =	vimm.f32 $1.000000000e+00;
	v2 =	vmul.u32 $0x80, v2;
	s10 =	simm.s32 $0x80;
	s6 =	sadd.s32 s6, s9;
	s9 =	simm.s32 $0x2800  }
.LBB2_1:
0x11: {  	[tilespmem:s2], [sflag:$0x1] =	stream.linear.gather [hbm4b:s3+s2], $0x2800, $0x38;
	[tilespmem:$0x1E000] =	vst v63  }
0x12: {  	_ =	swait.ge [sflag:s8], $0x2800  }
0x13: {  	[sflag:s8] =	ssyncset.done $0x0  }
0x14: {  	s17 =	simm.s32 $0x0;
	[sflag:s8] =	ssyncadd.s32 $0xFFFFD800  }
.LBB2_2:
0x15: {  	p0 =	sne.s32 s17, $0x9FC0  }
.Ltmp0:
0x16: {  	_ = 	snop;
	(pc) =	sbr.rel @p0 .LBB2_2-.Ltmp0, $3  }
0x17: {  	_ =	sdelay $0x1  }
0x18: {  	s18 =	sshra.s32 s17, $0x2  }
0x19: {  	s17 =	sadd.s32 $0x40, s17;
	[tilespmem:s18+$0x2800] =	vst v0  }
0x1a: {  	s17 =	simm.s32 $0x0  }
.LBB2_4:
0x1b: {  	s18 =	sshra.s32 s17, $0x2  }
0x1c: {  	v3 =	vld [tilespmem:s18+$0x0];
	_ =	sdelay $0x7  }
0x1d: {  	[tilespmem:v3+s9+$0x0] =	vst.idx.add.f32.msk $0xffff, v1  }
0x1e: {  	v3 =	vld [tilespmem:s18+$0x10];
	_ =	sdelay $0x7  }
0x1f: {  	[tilespmem:v3+s9+$0x0] =	vst.idx.add.f32.msk $0xffff, v1  }
0x20: {  	v3 =	vld [tilespmem:s18+$0x20];
	_ =	sdelay $0x7  }
0x21: {  	[tilespmem:v3+s9+$0x0] =	vst.idx.add.f32.msk $0xffff, v1  }
0x22: {  	v3 =	vld [tilespmem:s18+$0x30];
	_ =	sdelay $0x7  }
0x23: {  	[tilespmem:v3+s9+$0x0] =	vst.idx.add.f32.msk $0xffff, v1  }
0x24: {  	v3 =	vld [tilespmem:s18+$0x40];
	_ =	sdelay $0x7  }
0x25: {  	[tilespmem:v3+s9+$0x0] =	vst.idx.add.f32.msk $0xffff, v1  }
0x26: {  	v3 =	vld [tilespmem:s18+$0x50];
	_ =	sdelay $0x7  }
0x27: {  	[tilespmem:v3+s9+$0x0] =	vst.idx.add.f32.msk $0xffff, v1  }
0x28: {  	v3 =	vld [tilespmem:s18+$0x60];
	_ =	sdelay $0x7  }
0x29: {  	[tilespmem:v3+s9+$0x0] =	vst.idx.add.f32.msk $0xffff, v1  }
0x2a: {  	v3 =	vld [tilespmem:s18+$0x70];
	_ =	sdelay $0x2  }
0x2b: {  	p0 =	sne.s32 s17, $0x9E00  }
.Ltmp1:
0x2c: {  	_ = 	snop;
	(pc) =	sbr.rel @p0 .LBB2_4-.Ltmp1, $2  }
0x2d: {  	_ =	sdelay $0x2  }
0x2e: {  	s17 =	sadd.s32 $0x200, s17;
	[tilespmem:v3+s9+$0x0] =	vst.idx.add.f32.msk $0xffff, v1  }
0x2f: {  	[spmem:s4] =	stream.strided.scatter [tilespmem:s9], [sflag:$0x1], $0x2800, s11, s10, $0x38;
	[tilespmem:$0x1E000] =	vst v63  }
0x30: {  	_ =	swait.ge [sflag:s8], $0x2800  }
0x31: {  	[sflag:s8] =	ssyncset.done $0x0  }
0x32: {  	[sflag:s8] =	ssyncadd.s32 $0xFFFFD800  }
0x33: {  	[bflag:$0x0] =	sbarrier.arrive $0xFFFF  }
0x34: {  	[tilespmem:s14], [sflag:$0x1] =	stream.strided.gather [spmem:s5], $0x2800, s13, s12, $0x38;
	[tilespmem:$0x1E000] =	vst v63  }
0x35: {  	s17 =	simm.s32 $0x0;
	_ =	swait.ge [sflag:s8], $0x2800  }
0x36: {  	s18 =	sand.u32 $0x70, s17;
	s19 =	sand.u32 $0x1C00, s17;
	[sflag:s8] =	ssyncset.done $0x0  }
0x37: {  	s18 =	sor.u32 s18, s19;
	[sflag:s8] =	ssyncadd.s32 $0xFFFFD800  }
0x38: {  	v3 =	vld [tilespmem:s18+$0x5000];
	_ =	sdelay $0x1  }
0x39: {  	v4 =	vld [tilespmem:s18+$0x5080];
	_ =	sdelay $0x1  }
0x3a: {  	v5 =	vld [tilespmem:s18+$0x5100]  }
0x3b: {  	v3 =	vadd.f32 $0.0e+00, v3  }
0x3c: {  	v6 =	vld [tilespmem:s18+$0x5180]  }
0x3d: {  	v3 =	vadd.f32 v4, v3  }
0x3e: {  	v4 =	vld [tilespmem:s18+$0x5200]  }
0x3f: {  	v3 =	vadd.f32 v5, v3  }
0x40: {  	v5 =	vld [tilespmem:s18+$0x5280]  }
0x41: {  	v3 =	vadd.f32 v6, v3  }
0x42: {  	s31 =	sor.u32 s17, s17;
	v6 =	vld [tilespmem:s18+$0x5300]  }
0x43: {  	s19 =	sor.u32 $0x380, s31;
	v3 =	vadd.f32 v4, v3  }
0x44: {  	v4 =	vld [tilespmem:s19+$0x5000]  }
0x45: {  	v3 =	vadd.f32 v5, v3  }
0x46: {  	v5 =	vld [tilespmem:s18+$0x6400]  }
0x47: {  	v3 =	vadd.f32 v6, v3  }
0x48: {  	v6 =	vld [tilespmem:s18+$0x6480]  }
0x49: {  	v3 =	vadd.f32 v4, v3  }
0x4a: {  	v4 =	vld [tilespmem:s18+$0x6500]  }
0x4b: {  	v3 =	vadd.f32 v5, v3  }
0x4c: {  	v5 =	vld [tilespmem:s18+$0x6580]  }
0x4d: {  	v3 =	vadd.f32 v6, v3  }
0x4e: {  	v6 =	vld [tilespmem:s18+$0x6600]  }
0x4f: {  	v3 =	vadd.f32 v4, v3  }
0x50: {  	v4 =	vld [tilespmem:s18+$0x6680]  }
0x51: {  	v3 =	vadd.f32 v5, v3  }
0x52: {  	v5 =	vld [tilespmem:s18+$0x6700]  }
0x53: {  	v3 =	vadd.f32 v6, v3;
	_ =	sdelay $0x1  }
0x54: {  	v3 =	vadd.f32 v4, v3  }
0x55: {  	v6 =	vld [tilespmem:s18+$0x6780];
	v4 =	vmov s17  }
0x56: {  	v5 =	vadd.f32 v5, v3;
	v3 =	vshll.u32 v4, $0x7  }
0x57: {  	v3 =	vor.u32 v2, v3;
	_ =	sdelay $0x2  }
0x58: {  	s18 =	simm.s32 $0x80;
	s17 =	simm.s32 $0x10;
	v4 =	vadd.f32 v6, v5  }
0x59: {  	s19 =	simm.s32 $0x20;
	s21 =	sand.u32 $0x1C00, s18;
	s20 =	sand.u32 $0x70, s17  }
.LBB2_6:
0x5a: {  	p0 =	sne.s32 s19, $0x270;
	s20 =	sor.u32 s20, s21;
	[tilespmem:v3+s15+$0x0] =	vst.idx.msk $0xffff, v4  }
0x5b: {  	v3 =	vld [tilespmem:s20+$0x5000];
	_ =	sdelay $0x1  }
0x5c: {  	v4 =	vld [tilespmem:s20+$0x5080];
	_ =	sdelay $0x1  }
0x5d: {  	v5 =	vld [tilespmem:s20+$0x5100]  }
0x5e: {  	v3 =	vadd.f32 $0.0e+00, v3  }
0x5f: {  	v6 =	vld [tilespmem:s20+$0x5180]  }
0x60: {  	v3 =	vadd.f32 v4, v3  }
0x61: {  	v4 =	vld [tilespmem:s20+$0x5200]  }
0x62: {  	v3 =	vadd.f32 v5, v3  }
0x63: {  	v5 =	vld [tilespmem:s20+$0x5280]  }
0x64: {  	v3 =	vadd.f32 v6, v3  }
0x65: {  	s21 =	sor.u32 s18, s17;
	v6 =	vld [tilespmem:s20+$0x5300]  }
0x66: {  	s21 =	sor.u32 $0x380, s21;
	v3 =	vadd.f32 v4, v3  }
0x67: {  	v4 =	vld [tilespmem:s21+$0x5000]  }
0x68: {  	v3 =	vadd.f32 v5, v3  }
0x69: {  	v5 =	vld [tilespmem:s20+$0x6400]  }
0x6a: {  	v3 =	vadd.f32 v6, v3  }
0x6b: {  	v6 =	vld [tilespmem:s20+$0x6480]  }
0x6c: {  	v3 =	vadd.f32 v4, v3  }
0x6d: {  	v4 =	vld [tilespmem:s20+$0x6500]  }
0x6e: {  	v3 =	vadd.f32 v5, v3  }
0x6f: {  	v5 =	vld [tilespmem:s20+$0x6580]  }
0x70: {  	v3 =	vadd.f32 v6, v3  }
0x71: {  	v6 =	vld [tilespmem:s20+$0x6600]  }
0x72: {  	v3 =	vadd.f32 v4, v3  }
0x73: {  	v4 =	vld [tilespmem:s20+$0x6680]  }
0x74: {  	v3 =	vadd.f32 v5, v3  }
0x75: {  	v5 =	vld [tilespmem:s20+$0x6700]  }
0x76: {  	v3 =	vadd.f32 v6, v3  }
0x77: {  	v7 =	vmov s17;
	s17 =	smov.u32 s19;
	v6 =	vld [tilespmem:s20+$0x6780]  }
0x78: {  	v4 =	vadd.f32 v4, v3;
	v3 =	vshll.u32 v7, $0x7  }
.Ltmp2:
0x79: {  	v3 =	vor.u32 v2, v3;
	(pc) =	sbr.rel @p0 .LBB2_6-.Ltmp2, $3  }
0x7a: {  	v4 =	vadd.f32 v5, v4;
	_ =	sdelay $0x1  }
0x7b: {  	s18 =	sadd.s32 $0x80, s18;
	v4 =	vadd.f32 v6, v4  }
0x7c: {  	s19 =	sadd.s32 $0x10, s19;
	s21 =	sand.u32 $0x1C00, s18;
	s20 =	sand.u32 $0x70, s17  }
0x7d: {  	_ =	sdelay $0x3  }
0x7e: {  	s19 =	sor.u32 s20, s21;
	[tilespmem:v3+s15+$0x0] =	vst.idx.msk $0xffff, v4  }
0x7f: {  	v3 =	vld [tilespmem:s19+$0x5000];
	_ =	sdelay $0x1  }
0x80: {  	v4 =	vld [tilespmem:s19+$0x5080];
	_ =	sdelay $0x1  }
0x81: {  	v5 =	vld [tilespmem:s19+$0x5100]  }
0x82: {  	v3 =	vadd.f32 $0.0e+00, v3  }
0x83: {  	v6 =	vld [tilespmem:s19+$0x5180]  }
0x84: {  	v3 =	vadd.f32 v4, v3  }
0x85: {  	v51 =	vld [tilespmem:s19+$0x5200]  }
0x86: {  	v3 =	vadd.f32 v5, v3  }
0x87: {  	v52 =	vld [tilespmem:s19+$0x5280]  }
0x88: {  	v3 =	vadd.f32 v6, v3  }
0x89: {  	s18 =	sor.u32 s18, s17;
	v53 =	vld [tilespmem:s19+$0x5300]  }
0x8a: {  	s18 =	sor.u32 $0x380, s18;
	v3 =	vadd.f32 v51, v3  }
0x8b: {  	v54 =	vld [tilespmem:s18+$0x5000]  }
0x8c: {  	v3 =	vadd.f32 v52, v3  }
0x8d: {  	v55 =	vld [tilespmem:s19+$0x6400]  }
0x8e: {  	v3 =	vadd.f32 v53, v3  }
0x8f: {  	v56 =	vld [tilespmem:s19+$0x6480]  }
0x90: {  	v3 =	vadd.f32 v54, v3  }
0x91: {  	v57 =	vld [tilespmem:s19+$0x6500]  }
0x92: {  	v3 =	vadd.f32 v55, v3  }
0x93: {  	v58 =	vld [tilespmem:s19+$0x6580]  }
0x94: {  	v3 =	vadd.f32 v56, v3  }
0x95: {  	v59 =	vld [tilespmem:s19+$0x6600]  }
0x96: {  	v3 =	vadd.f32 v57, v3  }
0x97: {  	v60 =	vld [tilespmem:s19+$0x6680]  }
0x98: {  	v3 =	vadd.f32 v58, v3  }
0x99: {  	v61 =	vld [tilespmem:s19+$0x6700]  }
0x9a: {  	v3 =	vadd.f32 v59, v3  }
0x9b: {  	v7 =	vmov s17;
	v62 =	vld [tilespmem:s19+$0x6780]  }
0x9c: {  	v63 =	vshll.u32 v7, $0x7;
	v3 =	vadd.f32 v60, v3  }
0x9d: {  	v4 =	vor.u32 v2, v63  }
0x9e: {  	v3 =	vadd.f32 v61, v3;
	_ =	sdelay $0x1  }
0x9f: {  	s16 =	sadd.s32 $0x1, s16;
	v3 =	vadd.f32 v62, v3  }
0xa0: {  	p0 =	sne.s32 s16, s7  }
.Ltmp3:
0xa1: {  	[tilespmem:v4+s15+$0x0] =	vst.idx.msk $0xffff, v3;
	(pc) =	sbr.rel @p0 .LBB2_1-.Ltmp3, $4  }
0xa2: {  	[hbm4b:s6+s2] =	stream.linear.scatter [tilespmem:s15], [sflag:$0x1], $0x14000, $0x38;
	[tilespmem:$0x1E000] =	vst v63  }
0xa3: {  	_ =	swait.ge [sflag:s8], $0x14000  }
0xa4: {  	[sflag:s8] =	ssyncset.done $0x0  }
0xa5: {  	[sflag:s8] =	ssyncadd.s32 $0xFFFEC000  }
0xa6: {  	_ =	sfence.sel $0x180000  }
0xa7: {  	[bflag:$0x0] =	sbarrier.arrive $0xFFFF  }
0xa8: {  	p0 =	sne.s32 s0, $0x0;
	_ =	strace $0x90000047  }
0xa9: {  	s0 =	sadd.s32 @!p0 $0x100000, s1;
	[bflag:$0x2] =	sbarrier.arrive $0xFFFF  }
0xaa: {  	[sflag:s0] =	ssyncadd.tile.s32 @!p0 $0x1;
	_ =	shalt  }
.Lfunc_end2:
_tile_overlayer_lowered:
.L_overlay_start_2:
0xab: {  	(tag) =	ssettag $0x2  }
0xac: {  	s0 =	rddreg [dreg:$0x0];
	s2 =	stileid.u32  }
0xad: {  	s1 =	rddreg [dreg:$0x1];
	p0 =	sne.s32 s2, $0x0  }
0xae: {  	s3 =	rddreg [dreg:$0x2];
	[bflag:$0x3] =	sbarrier.arrive $0xFFFF;
	s2 =	simm.s32 @!p0 $0x1C01  }
0xaf: {  	[timem:s3], [sflag:s2] =	dma.local @!p0 [hbm:s0], s1  }
0xb0: {  	s0 =	simm.s32 @!p0 $0x1  }
0xb1: {  	_ =	swait.ge @!p0 [sflag:s0], s1  }
0xb2: {  	s1 =	ssub.s32 @!p0 $0x0, s1;
	[sflag:s0] =	ssyncset.done @!p0 $0x0  }
0xb3: {  	[sflag:s0] =	ssyncadd.s32 @!p0 s1  }
0xb4: {  	[bflag:$0x3] =	sbarrier.arrive $0xFFFF  }
0xb5: {  	_ =	shalt  }

// kernel: kernel.13.cloned.1.call-start
scs
__scs_entry_jumppad:
0x0: {  	(pc) =	sbr.rel $0x88, $3  }
0x1: {  	(tag) =	ssettag $0x0;
	lr =	simm.s32 $0x1  }
0x2: {  	[smem:$0x3F98] =	sst lr;
	_ =	strace $0xD0000000  }
0x3: {  	_ = 	snop  }
0x4: {  	_ = 	snop  }
0x5: {  	_ = 	snop  }
0x6: {  	_ = 	snop  }
0x7: {  	_ = 	snop  }
__scs_overlays_trampoline_lowered:
0x8: {  	[smem:$0x3FA7] =	sst s0  }
0x9: {  	[smem:$0x3FA8] =	sst s1  }
0xa: {  	[smem:$0x3FA9] =	sst s2  }
0xb: {  	[smem:$0x3FAA] =	sst s3  }
0xc: {  	[smem:$0x3FAB] =	sst s4  }
0xd: {  	[smem:$0x3FAC] =	sst s5  }
0xe: {  	[smem:$0x3FAD] =	sst s6  }
0xf: {  	[smem:$0x3FAE] =	sst s7  }
0x10: {  	[smem:$0x3FAF] =	sst s8  }
0x11: {  	[smem:$0x3FB0] =	sst s9;
	s0 =	simm.s32 @!p0 $0x0  }
0x12: {  	s1 =	sld [smem:$0x3F96];
	s0 =	simm.s32 @p0 $0x1  }
0x13: {  	[smem:$0x3FB1] =	sst s0;
	s0 =	simm.s32 @!p1 $0x0  }
0x14: {  	s2 =	sld [smem:$0x3F95];
	s0 =	simm.s32 @p1 $0x1  }
0x15: {  	[smem:$0x3FB2] =	sst s0;
	s0 =	simm.s32 @!p2 $0x0  }
0x16: {  	s3 =	sld [smem:$0x3FDB];
	s0 =	simm.s32 @p2 $0x1  }
0x17: {  	s4 =	simm.s32 $0x1BF5;
	[smem:$0x3FB4] =	sst s0  }
0x18: {  	s0 =	sld [smem:$0x3F97];
	_ =	swait.ge [sflag:s4], $0x0  }
0x19: {  	s7 =	sld [smem:$0x3F98]  }
0x1a: {  	s8 =	sadd.s32 $0xFFFFE003, lr  }
0x1b: {  	s9 =	sadd.s32 $0xFFFFFEF7, lr;
	s5 =	simm.s32 $0xFFFFFFFF;
	p2 =	slt.u32 s8, $0xFFFFF086  }
0x1c: {  	p1 =	slt.u32 s9, $0xF7A;
	s5 =	simm.s32 @!p2 $0x0  }
0x1d: {  	s5 =	simm.s32 @p1 $0x1;
	p0 =	seq.s32 s7, s2  }
0x1e: {  	s7 =	smul.u32 @!p0 $0xF7A, s2;
	p2 =	seq.s32 @!p0 s5, $0x0  }
0x1f: {  	s9 =	smul.u32 $0xF7A, s1;
	s8 =	simm.s32 @!p0 $0x1BF5;
	p2 =	por !p2, p0  }
0x20: {  	[sflag:s8] =	ssyncset.s32 @!p0 $0xFFFFF086;
	s6 =	sadd.s32 @!p0 s3, s7;
	s7 =	simm.s32 @!p0 $0x108  }
0x21: {  	s3 =	sadd.s32 s3, s9;
	s6 =	sadd.s32 @!p0 $0x88, s6;
	s7 =	simm.s32 @p2 $0x1082  }
0x22: {  	[simem:s7], [sflag:s8] =	dma.local @!p0 [hbm:s6], $0xF7A  }
0x23: {  	s9 =	sor.u32 $0xD0000000, s2;
	s6 =	simm.s32 $0x108;
	_ =	swait.ge @!p0 [sflag:s8], $0x0  }
0x24: {  	s3 =	sadd.s32 $0x88, s3;
	s6 =	simm.s32 @!p1 $0x1082;
	[sflag:s4] =	ssyncset.s32 $0xFFFFF086  }
0x25: {  	[simem:s6], [sflag:s4] =	dma.local [hbm:s3], $0xF7A  }
0x26: {  	[smem:$0x3F98] =	sst s1;
	(tag) =	ssettag s2;
	_ =	strace s9  }
0x27: {  	s1 =	sld [smem:$0x3FA8]  }
0x28: {  	s2 =	sld [smem:$0x3FA9]  }
0x29: {  	s4 =	sld [smem:$0x3FAB]  }
0x2a: {  	p0 =	seq.s32 s5, $0x0;
	s5 =	sld [smem:$0x3FAC]  }
0x2b: {  	s6 =	sld [smem:$0x3FAD]  }
0x2c: {  	s7 =	sld [smem:$0x3FAE]  }
0x2d: {  	s3 =	simm.s32 $0x108;
	s8 =	sld [smem:$0x3FAF]  }
0x2e: {  	s3 =	simm.s32 @!p0 $0x1082;
	s9 =	sld [smem:$0x3FB0]  }
0x2f: {  	lr =	sadd.s32 s0, s3;
	s0 =	sld [smem:$0x3FA7]  }
0x30: {  	s3 =	sld [smem:$0x3FAA]  }
0x31: {  	[smem:$0x3FB3] =	sst s10  }
0x32: {  	s10 =	sld [smem:$0x3FB1];
	_ =	sdelay $0x3  }
0x33: {  	p0 =	seq.s32 s10, $0x1;
	s10 =	sld [smem:$0x3FB3];
	_ =	sdelay $0x3  }
0x34: {  	[smem:$0x3FB3] =	sst s10  }
0x35: {  	s10 =	sld [smem:$0x3FB2];
	_ =	sdelay $0x3  }
0x36: {  	p1 =	seq.s32 s10, $0x1;
	s10 =	sld [smem:$0x3FB3];
	_ =	sdelay $0x3  }
0x37: {  	[smem:$0x3FB3] =	sst s10  }
0x38: {  	s10 =	sld [smem:$0x3FB4]  }
0x39: {  	_ = 	snop;
	(pc) =	sbr.ind lr, $3  }
0x3a: {  	_ = 	snop  }
0x3b: {  	_ = 	snop  }
0x3c: {  	p2 =	seq.s32 s10, $0x1;
	s10 =	sld [smem:$0x3FB3]  }
0x3d: {  	_ =	shalt  }
0x3e: {  	_ =	shalt  }
0x3f: {  	_ =	shalt  }
0x40: {  	_ =	shalt  }
0x41: {  	_ =	shalt  }
0x42: {  	_ =	shalt  }
0x43: {  	_ =	shalt  }
0x44: {  	_ =	shalt  }
0x45: {  	_ =	shalt  }
0x46: {  	_ =	shalt  }
0x47: {  	_ =	shalt  }
0x48: {  	_ =	shalt  }
0x49: {  	_ =	shalt  }
0x4a: {  	_ =	shalt  }
0x4b: {  	_ =	shalt  }
0x4c: {  	_ =	shalt  }
0x4d: {  	_ =	shalt  }
0x4e: {  	_ =	shalt  }
0x4f: {  	_ =	shalt  }
0x50: {  	_ =	shalt  }
0x51: {  	_ =	shalt  }
0x52: {  	_ =	shalt  }
0x53: {  	_ =	shalt  }
0x54: {  	_ =	shalt  }
0x55: {  	_ =	shalt  }
0x56: {  	_ =	shalt  }
0x57: {  	_ =	shalt  }
0x58: {  	_ =	shalt  }
0x59: {  	_ =	shalt  }
0x5a: {  	_ =	shalt  }
0x5b: {  	_ =	shalt  }
0x5c: {  	_ =	shalt  }
0x5d: {  	_ =	shalt  }
0x5e: {  	_ =	shalt  }
0x5f: {  	_ =	shalt  }
0x60: {  	_ =	shalt  }
0x61: {  	_ =	shalt  }
0x62: {  	_ =	shalt  }
0x63: {  	_ =	shalt  }
0x64: {  	_ =	shalt  }
0x65: {  	_ =	shalt  }
0x66: {  	_ =	shalt  }
0x67: {  	_ =	shalt  }
0x68: {  	_ =	shalt  }
0x69: {  	_ =	shalt  }
0x6a: {  	_ =	shalt  }
0x6b: {  	_ =	shalt  }
0x6c: {  	_ =	shalt  }
0x6d: {  	_ =	shalt  }
0x6e: {  	_ =	shalt  }
0x6f: {  	_ =	shalt  }
0x70: {  	_ =	shalt  }
0x71: {  	_ =	shalt  }
0x72: {  	_ =	shalt  }
0x73: {  	_ =	shalt  }
0x74: {  	_ =	shalt  }
0x75: {  	_ =	shalt  }
0x76: {  	_ =	shalt  }
0x77: {  	_ =	shalt  }
0x78: {  	_ =	shalt  }
0x79: {  	_ =	shalt  }
0x7a: {  	_ =	shalt  }
0x7b: {  	_ =	shalt  }
0x7c: {  	_ =	shalt  }
0x7d: {  	_ =	shalt  }
0x7e: {  	_ =	shalt  }
0x7f: {  	_ =	shalt  }
0x80: {  	_ =	shalt  }
0x81: {  	_ =	shalt  }
0x82: {  	_ =	shalt  }
0x83: {  	_ =	shalt  }
0x84: {  	_ =	shalt  }
0x85: {  	_ =	shalt  }
0x86: {  	_ =	shalt  }
0x87: {  	_ =	shalt  }
.Lfunc_end0:
.L_simem_size_0:
called_computation.1_lowered:
.L_overlay_start_0:
0x88: {  	s2 =	sld [smem:$0x3FD9]  }
0x89: {  	s3 =	sld [smem:$0x3FFE];
	_ =	sdelay $0x1  }
0x8a: {  	s1 =	srdreg.scid  }
0x8b: {  	s0 =	sand.u32 $0x1, s1  }
0x8c: {  	s14 =	sshll.u32 s0, $0xA;
	s2 =	sadd.s32 s3, s2  }
0x8d: {  	s2 =	sadd.s32 s2, s14  }
0x8e: {  	[smem:$0x3FBF] =	sst s2  }
0x8f: {  	_ = 	snop  }
0x90: {  	s2 =	sld [smem:$0x3FD0];
	_ =	sdelay $0x2  }
0x91: {  	s15 =	simm.s32 $0xA;
	s4 =	simm.s32 $0x10  }
0x92: {  	[smem:s4], [sflag:s15] =	dma.local [hbm:s2], $0x1  }
0x93: {  	_ =	swait.eq [sflag:s15], $0x1  }
0x94: {  	[sflag:s15] =	ssyncset.done $0x0  }
0x95: {  	s16 =	sld [smem:$0x10];
	[sflag:s15] =	ssyncadd.s32 $0xFFFFFFFF  }
0x96: {  	s17 =	sld [smem:$0x11];
	(tm) =	ssettm $0x1  }
0x97: {  	s18 =	sld [smem:$0x3FFB];
	_ =	sdelay $0x3  }
0x98: {  	_ =	strace s18  }
0x99: {  	s4 =	sld [smem:$0x3FFC];
	_ =	sdelay $0x3  }
0x9a: {  	_ =	strace s4  }
0x9b: {  	s4 =	sld [smem:$0x3FFD];
	_ =	sdelay $0x3  }
0x9c: {  	_ =	strace s4  }
0x9d: {  	_ =	strace $0x8FFFFFFF  }
0x9e: {  	s19 =	sld [smem:$0x3FDB];
	_ =	sdelay $0x1  }
0x9f: {  	s5 =	simm.s32 $_scs_section_size  }
0xa0: {  	s6 =	simm.s32 $_size__tile_overlayer_lowered;
	s7 =	simm.s32 $_tile_overlayer_lowered  }
0xa1: {  	s22 =	simm.s32 $0x1BFF;
	s21 =	sshll.u32 s7, $0x1;
	s4 =	sadd.s32 s5, s19  }
0xa2: {  	s8 =	simm.s32 $0x0;
	s20 =	sshll.u32 s6, $0x1;
	s6 =	sadd.s32 s21, s4  }
0xa3: {  	[timem:s8], [sflag:s22] =	dma.local [hbm:s6], s20  }
0xa4: {  	_ =	swait.ge [sflag:s22], s20  }
0xa5: {  	s5 =	ssub.s32 $0x0, s20;
	[sflag:s22] =	ssyncset.done $0x0  }
0xa6: {  	[sflag:s22] =	ssyncadd.s32 s5;
	_ =	sdelay $0x1  }
0xa7: {  	s23 =	simm.s32 $0x1B8B  }
0xa8: {  	_ =	swait.ge [sflag:s23], $0x1  }
0xa9: {  	[sflag:s23] =	ssyncset.done $0x0  }
0xaa: {  	s25 =	simm.s32 $0x1B8E;
	s24 =	sld [smem:$0x3FFE];
	[sflag:s23] =	ssyncadd.s32 $0xFFFFFFFF  }
0xab: {  	s26 =	simm.s32 $execute0_lowered;
	[smem:$0x3FD2] =	sst s25  }
0xac: {  	s6 =	sshll.u32 s26, $0x1;
	_ =	strace $0x80000049;
	[dreg:$0x1] =	wrdreg $0xFFFFFFFF  }
0xad: {  	s28 =	simm.s32 $_size_execute0_lowered;
	s4 =	sadd.s32 s4, s6;
	[dreg:$0x0] =	wrdreg $0x0  }
0xae: {  	s6 =	sshll.u32 s28, $0x1;
	[dreg:$0x2] =	wrdreg s4  }
0xaf: {  	[dreg:$0x3] =	wrdreg s6  }
0xb0: {  	[dreg:$0x4] =	wrdreg $0xC0  }
0xb1: {  	_ =	task [dreg:s8], $0x5FFFF  }
0xb2: {  	[dreg:$0x1] =	wrdreg $0xFFFFFFFF  }
0xb3: {  	[dreg:$0x0] =	wrdreg $0x60  }
0xb4: {  	[dreg:$0x2] =	wrdreg s24  }
0xb5: {  	[dreg:$0x3] =	wrdreg s16  }
0xb6: {  	[dreg:$0x4] =	wrdreg s17  }
0xb7: {  	[dreg:$0x5] =	wrdreg $0x90000  }
0xb8: {  	[dreg:$0x6] =	wrdreg $0x9  }
0xb9: {  	_ =	task.clear_ibuf [dreg:s8], $0x7FFFF;
	_ =	strace $0x90000049  }
0xba: {  	s29 =	simm.s32 $0x9;
	_ =	strace $0x8000004B  }
0xbb: {  	_ =	swait.ge [sflag:s29], $0x1  }
0xbc: {  	[sflag:s29] =	ssyncadd.s32 $0xFFFFFFFF  }
0xbd: {  	_ =	strace $0x9000004B  }
0xbe: {  	_ =	sfence  }
0xbf: {  	s30 =	sld [smem:$0x0];
	_ =	sdelay $0x2  }
0xc0: {  	s31 =	sshll.u32 s1, $0xD;
	s1 =	sshrl.u32 s1, $0x2  }
0xc1: {  	s3 =	sand.u32 $0x4000, s31;
	s1 =	sadd.s32 s1, s30  }
0xc2: {  	s0 =	sor.u32 s3, s0;
	s1 =	sshll.u32 s1, $0x11  }
0xc3: {  	s0 =	sor.u32 s1, s0  }
0xc4: {  	s0 =	sadd.s32 $0x8F2B, s0  }
0xc5: {  	[sflag:s0] =	ssyncadd.remote.s32 $0x1  }
0xc6: {  	_ =	sfence.sel $0xFFFF  }
0xc7: {  	[dreg:$0x0] =	wrdreg $0xFFFFFFFF;
	(pc) =	sbr.abs _section_cstart, $3  }
0xc8: {  	[dreg:$0x1] =	wrdreg $0xFFFFFFFF  }
0xc9: {  	_ =	task.clear_ibuf [dreg:s8], $0x2FFFF;
	_ =	strace $0x9FFFFFFF  }
0xca: {  	(tm) =	ssettm $0x7FFFFFFF  }
0xcb: {  	_ =	shalt  }
tec
execute0_lowered:
.L_overlay_start_1:
0x0: {  	(tag) =	ssettag $0x1  }
0x1: {  	s5 =	rddreg [dreg:$0x0]  }
0x2: {  	s10 =	rddreg [dreg:$0x1]  }
0x3: {  	s9 =	rddreg [dreg:$0x2]  }
0x4: {  	s1 =	rddreg [dreg:$0x3]  }
0x5: {  	s0 =	rddreg [dreg:$0x4];
	s3 =	simm.s32 $0x0;
	s6 =	srdreg.scid  }
0x6: {  	s2 =	stileid.u32;
	s18 =	simm.s32 $0x5000;
	s19 =	simm.s32 $0x1  }
0x7: {  	s20 =	simm.s32 $0x2;
	s21 =	simm.s32 $0x3;
	s22 =	simm.s32 $0x4  }
0x8: {  	s23 =	simm.s32 $0x0;
	[smem:$0x7FF] =	sst s3;
	s4 =	sadd.s32 $0xCC00, s5  }
0x9: {  	s6 =	sand.u32 $0x1, s6;
	s7 =	smul.u32 $0x50000, s2;
	s12 =	sadd.s32 $0x2C00, s5  }
0xa: {  	s5 =	sadd.s32 $0x34C00, s5;
	s14 =	smul.u32 $0x14000, s2;
	s28 =	sshll.u32 s2, $0x1  }
0xb: {  	s15 =	smul.u32 $0x14, s2;
	s29 =	sshll.u32 s2, $0x6;
	s8 =	ssub.s32 $0x2, s6  }
0xc: {  	_ =	strace $0x8000004A;
	s11 =	smul.u32 $0x140000, s6;
	s13 =	sshrl.u32 s8, $0x1  }
0xd: {  	s16 =	smul.u32 $0xA, s6;
	s7 =	sshrl.u32 s7, $0x2;
	s13 =	ssub.s32 s8, s13  }
0xe: {  	s8 =	sor.u32 s6, s28;
	s17 =	sadd.s32 s7, s1;
	s6 =	sor.u32 $0x1C06, s29  }
0xf: {  	s11 =	sadd.s32 s14, s11;
	s30 =	sadd.s32 s16, s15;
	s15 =	simm.s32 $0x800  }
0x10: {  	s8 =	smul.u32 $0x500, s8;
	s11 =	sshrl.u32 s11, $0x3;
	s14 =	sshll.u32 s30, $0x7  }
0x11: {  	s16 =	simm.s32 $0x80;
	s9 =	sadd.s32 s9, s11;
	s31 =	sadd.s32 s14, s10  }
0x12: {  	s7 =	sadd.s32 s10, s8;
	s8 =	sadd.s32 s12, s8;
	s10 =	smax.u32 s13, $0x1  }
0x13: {  	s11 =	sadd.s32 $0x80, s31;
	s12 =	sadd.s32 s14, s12;
	s13 =	sshrl.u32 s17, $0x3  }
0x14: {  	s14 =	simm.s32 $0x6;
	s17 =	simm.s32 $0x1000;
	s12 =	sadd.s32 $0x80, s12  }
.LBB2_1:
0x15: {  	[spmem:s13], [sflag:s6] =	dma.local [hbm:s5], $0x2800  }
0x16: {  	_ =	swait.ge [sflag:s14], $0x2800  }
0x17: {  	[sflag:s14] =	ssyncset.done $0x0  }
0x18: {  	[sflag:s14] =	ssyncadd.s32 $0xFFFFD800  }
0x19: {  	[bflag:$0x0] =	sbarrier.arrive $0xFFFF  }
0x1a: {  	[tilespmem:s3], [sflag:$0x6] =	stream.linear.gather [hbm4b:s7+s3], $0x400, $0x38;
	[tilespmem:$0x1D000] =	vst v63  }
0x1b: {  	_ =	swait.ge [sflag:s14], $0x400  }
0x1c: {  	[sflag:s14] =	ssyncset.done $0x0  }
0x1d: {  	[sflag:s14] =	ssyncadd.s32 $0xFFFFFC00  }
0x1e: {  	[tilespmem:s15], [sflag:$0x6] =	stream.linear.gather [hbm4b:s8+s3], $0x400, $0x38;
	[tilespmem:$0x1D000] =	vst v63  }
0x1f: {  	_ =	swait.ge [sflag:s14], $0x400  }
0x20: {  	s24 =	simm.s32 $0x400;
	[sflag:s14] =	ssyncset.done $0x0  }
0x21: {  	s25 =	smov.u32 s12;
	s26 =	smov.u32 s11;
	[sflag:s14] =	ssyncadd.s32 $0xFFFFFC00  }
.LBB2_2:
0x22: {  	p0 =	seq.s32 s24, $0x2800  }
0x23: {  	s28 =	sand.u32 @!p0 $0x400, s24;
	s29 =	simm.s32 @!p0 $0x0;
	p1 =	seq.s32 @!p0 s24, $0x400  }
0x24: {  	[tilespmem:s28], [sflag:$0x5] =	stream.linear.gather @!p0 [hbm4b:s26+s29], $0x400, $0x38;
	[tilespmem:$0x1D000] =	vst v63  }
0x25: {  	s28 =	sor.u32 @!p0 $0x800, s28;
	p1 =	por p0, !p1  }
0x26: {  	[tilespmem:s28], [sflag:$0x5] =	stream.linear.gather @!p0 [hbm4b:s25+s29], $0x400, $0x38;
	[tilespmem:$0x1D000] =	vst v63  }
0x27: {  	_ =	swait.ge @p1 [sflag:s21], $0x4000  }
0x28: {  	[sflag:s21] =	ssyncset.done @p1 $0x0  }
0x29: {  	[sflag:s21] =	ssyncadd.s32 @p1 $0xFFFFC000  }
0x2a: {  	_ =	swait.ge @p1 [sflag:s22], $0x4000  }
0x2b: {  	s29 =	sadd.s32 $0xFFFFFC00, s24;
	[sflag:s22] =	ssyncset.done @p1 $0x0  }
0x2c: {  	s28 =	sand.u32 $0x400, s29;
	[sflag:s22] =	ssyncadd.s32 @p1 $0xFFFFC000  }
0x2d: {  	[tilespmem:s17], [sflag:$0x1] =	stream.indirect.gather [hbm4b:s4+s16], $0x80, s28, s16, $0xb8;
	[tilespmem:$0x1D000] =	vst v63  }
0x2e: {  	s30 =	sor.u32 $0x80, s28  }
0x2f: {  	[tilespmem:s18], [sflag:$0x2] =	stream.indirect.gather [hbm4b:s4+s16], $0x80, s30, s16, $0xb8;
	[tilespmem:$0x1D000] =	vst v63  }
0x30: {  	_ =	swait.ge [sflag:s19], $0x4000  }
0x31: {  	[sflag:s19] =	ssyncset.done $0x0  }
0x32: {  	s31 =	sor.u32 $0x800, s28;
	[sflag:s19] =	ssyncadd.s32 $0xFFFFC000  }
0x33: {  	[spmem:s1] =	stream.indirect.scatter.add.f32 [tilespmem:s17], [sflag:$0x3], $0x80, s31, s16, $0xb8;
	[tilespmem:$0x1D000] =	vst v63  }
0x34: {  	_ =	swait.ge [sflag:s20], $0x4000  }
0x35: {  	[sflag:s20] =	ssyncset.done $0x0  }
0x36: {  	s30 =	sor.u32 $0x880, s28;
	[sflag:s20] =	ssyncadd.s32 $0xFFFFC000  }
0x37: {  	[spmem:s1] =	stream.indirect.scatter.add.f32 [tilespmem:s18], [sflag:$0x4], $0x80, s30, s16, $0xb8;
	[tilespmem:$0x1D000] =	vst v63  }
0x38: {  	_ =	swait.ge [sflag:s21], $0x4000  }
0x39: {  	[sflag:s21] =	ssyncset.done $0x0  }
0x3a: {  	[sflag:s21] =	ssyncadd.s32 $0xFFFFC000  }
0x3b: {  	_ =	swait.ge [sflag:s22], $0x4000  }
0x3c: {  	[sflag:s22] =	ssyncset.done $0x0  }
0x3d: {  	s31 =	sor.u32 $0x100, s28;
	[sflag:s22] =	ssyncadd.s32 $0xFFFFC000  }
0x3e: {  	[tilespmem:s17], [sflag:$0x1] =	stream.indirect.gather [hbm4b:s4+s16], $0x80, s31, s16, $0xb8;
	[tilespmem:$0x1D000] =	vst v63  }
0x3f: {  	s30 =	sor.u32 $0x180, s28  }
0x40: {  	[tilespmem:s18], [sflag:$0x2] =	stream.indirect.gather [hbm4b:s4+s16], $0x80, s30, s16, $0xb8;
	[tilespmem:$0x1D000] =	vst v63  }
0x41: {  	_ =	swait.ge [sflag:s19], $0x4000  }
0x42: {  	[sflag:s19] =	ssyncset.done $0x0  }
0x43: {  	s31 =	sor.u32 $0x900, s28;
	[sflag:s19] =	ssyncadd.s32 $0xFFFFC000  }
0x44: {  	[spmem:s1] =	stream.indirect.scatter.add.f32 [tilespmem:s17], [sflag:$0x3], $0x80, s31, s16, $0xb8;
	[tilespmem:$0x1D000] =	vst v63  }
0x45: {  	_ =	swait.ge [sflag:s20], $0x4000  }
0x46: {  	[sflag:s20] =	ssyncset.done $0x0  }
0x47: {  	s30 =	sor.u32 $0x980, s28;
	[sflag:s20] =	ssyncadd.s32 $0xFFFFC000  }
0x48: {  	[spmem:s1] =	stream.indirect.scatter.add.f32 [tilespmem:s18], [sflag:$0x4], $0x80, s30, s16, $0xb8;
	[tilespmem:$0x1D000] =	vst v63  }
0x49: {  	_ =	swait.ge [sflag:s21], $0x4000  }
0x4a: {  	[sflag:s21] =	ssyncset.done $0x0  }
0x4b: {  	[sflag:s21] =	ssyncadd.s32 $0xFFFFC000  }
0x4c: {  	_ =	swait.ge [sflag:s22], $0x4000  }
0x4d: {  	[sflag:s22] =	ssyncset.done $0x0  }
0x4e: {  	s31 =	sor.u32 $0x200, s28;
	[sflag:s22] =	ssyncadd.s32 $0xFFFFC000  }
0x4f: {  	[tilespmem:s17], [sflag:$0x1] =	stream.indirect.gather [hbm4b:s4+s16], $0x80, s31, s16, $0xb8;
	[tilespmem:$0x1D000] =	vst v63  }
0x50: {  	s30 =	sor.u32 $0x280, s28  }
0x51: {  	[tilespmem:s18], [sflag:$0x2] =	stream.indirect.gather [hbm4b:s4+s16], $0x80, s30, s16, $0xb8;
	[tilespmem:$0x1D000] =	vst v63  }
0x52: {  	_ =	swait.ge [sflag:s19], $0x4000  }
0x53: {  	[sflag:s19] =	ssyncset.done $0x0  }
0x54: {  	s31 =	sor.u32 $0xA00, s28;
	[sflag:s19] =	ssyncadd.s32 $0xFFFFC000  }
0x55: {  	[spmem:s1] =	stream.indirect.scatter.add.f32 [tilespmem:s17], [sflag:$0x3], $0x80, s31, s16, $0xb8;
	[tilespmem:$0x1D000] =	vst v63  }
0x56: {  	_ =	swait.ge [sflag:s20], $0x4000  }
0x57: {  	[sflag:s20] =	ssyncset.done $0x0  }
0x58: {  	s30 =	sor.u32 $0xA80, s28;
	[sflag:s20] =	ssyncadd.s32 $0xFFFFC000  }
0x59: {  	[spmem:s1] =	stream.indirect.scatter.add.f32 [tilespmem:s18], [sflag:$0x4], $0x80, s30, s16, $0xb8;
	[tilespmem:$0x1D000] =	vst v63  }
0x5a: {  	_ =	swait.ge [sflag:s21], $0x4000  }
0x5b: {  	[sflag:s21] =	ssyncset.done $0x0  }
0x5c: {  	[sflag:s21] =	ssyncadd.s32 $0xFFFFC000  }
0x5d: {  	_ =	swait.ge [sflag:s22], $0x4000  }
0x5e: {  	[sflag:s22] =	ssyncset.done $0x0  }
0x5f: {  	s31 =	sor.u32 $0x300, s28;
	[sflag:s22] =	ssyncadd.s32 $0xFFFFC000  }
0x60: {  	[tilespmem:s17], [sflag:$0x1] =	stream.indirect.gather [hbm4b:s4+s16], $0x80, s31, s16, $0xb8;
	[tilespmem:$0x1D000] =	vst v63  }
0x61: {  	s30 =	sor.u32 $0x380, s28  }
0x62: {  	[tilespmem:s18], [sflag:$0x2] =	stream.indirect.gather [hbm4b:s4+s16], $0x80, s30, s16, $0xb8;
	[tilespmem:$0x1D000] =	vst v63  }
0x63: {  	_ =	swait.ge [sflag:s19], $0x4000  }
0x64: {  	[sflag:s19] =	ssyncset.done $0x0  }
0x65: {  	s31 =	sor.u32 $0xB00, s28;
	[sflag:s19] =	ssyncadd.s32 $0xFFFFC000  }
0x66: {  	[spmem:s1] =	stream.indirect.scatter.add.f32 [tilespmem:s17], [sflag:$0x3], $0x80, s31, s16, $0xb8;
	[tilespmem:$0x1D000] =	vst v63  }
0x67: {  	_ =	swait.ge [sflag:s20], $0x4000  }
0x68: {  	[sflag:s20] =	ssyncset.done $0x0  }
0x69: {  	s24 =	sadd.s32 @!p0 $0x400, s24;
	s28 =	sor.u32 $0xB80, s28;
	[sflag:s20] =	ssyncadd.s32 $0xFFFFC000  }
0x6a: {  	[spmem:s1] =	stream.indirect.scatter.add.f32 [tilespmem:s18], [sflag:$0x4], $0x80, s28, s16, $0xb8;
	[tilespmem:$0x1D000] =	vst v63  }
0x6b: {  	p1 =	sne.s32 @!p0 s24, $0x2C00;
	s28 =	simm.s32 @!p0 $0x5  }
0x6c: {  	p1 =	por p0, !p1;
	_ =	swait.ge @!p0 [sflag:s28], $0x400  }
.Ltmp0:
0x6d: {  	[sflag:s28] =	ssyncset.done @!p0 $0x0;
	(pc) =	sbr.rel @!p1 .LBB2_2-.Ltmp0, $4  }
0x6e: {  	[sflag:s28] =	ssyncadd.s32 @!p0 $0xFFFFFC00  }
0x6f: {  	_ =	swait.ge @!p0 [sflag:s28], $0x400  }
0x70: {  	[sflag:s28] =	ssyncset.done @!p0 $0x0  }
0x71: {  	s26 =	sadd.s32 @!p0 $0x80, s26;
	s25 =	sadd.s32 @!p0 $0x80, s25;
	[sflag:s28] =	ssyncadd.s32 @!p0 $0xFFFFFC00  }
0x72: {  	_ =	swait.ge [sflag:s21], $0x4000  }
0x73: {  	[sflag:s21] =	ssyncset.done $0x0  }
0x74: {  	[sflag:s21] =	ssyncadd.s32 $0xFFFFC000  }
0x75: {  	_ =	swait.ge [sflag:s22], $0x4000  }
0x76: {  	s23 =	sadd.s32 $0x1, s23;
	[sflag:s22] =	ssyncset.done $0x0  }
0x77: {  	p0 =	sne.s32 s23, s10;
	[sflag:s22] =	ssyncadd.s32 $0xFFFFC000  }
.Ltmp1:
0x78: {  	[bflag:$0x0] =	sbarrier.arrive $0xFFFF;
	(pc) =	sbr.rel @p0 .LBB2_1-.Ltmp1, $4  }
0x79: {  	[hbm:s9], [sflag:s6] =	dma.local [spmem:s13], $0x2800  }
0x7a: {  	_ =	swait.ge [sflag:s14], $0x2800  }
0x7b: {  	[sflag:s14] =	ssyncset.done $0x0  }
0x7c: {  	[sflag:s14] =	ssyncadd.s32 $0xFFFFD800  }
0x7d: {  	_ =	sfence.sel $0x180000  }
0x7e: {  	[bflag:$0x0] =	sbarrier.arrive $0xFFFF  }
0x7f: {  	p0 =	sne.s32 s2, $0x0;
	_ =	strace $0x9000004A  }
0x80: {  	s0 =	sadd.s32 @!p0 $0x100000, s0;
	[bflag:$0x2] =	sbarrier.arrive $0xFFFF  }
0x81: {  	[sflag:s0] =	ssyncadd.tile.s32 @!p0 $0x1;
	_ =	shalt  }
.Lfunc_end2:
_tile_overlayer_lowered:
.L_overlay_start_2:
0x82: {  	(tag) =	ssettag $0x2  }
0x83: {  	s0 =	rddreg [dreg:$0x0];
	s2 =	stileid.u32  }
0x84: {  	s1 =	rddreg [dreg:$0x1];
	p0 =	sne.s32 s2, $0x0  }
0x85: {  	s3 =	rddreg [dreg:$0x2];
	[bflag:$0x3] =	sbarrier.arrive $0xFFFF;
	s2 =	simm.s32 @!p0 $0x1C06  }
0x86: {  	[timem:s3], [sflag:s2] =	dma.local @!p0 [hbm:s0], s1  }
0x87: {  	s0 =	simm.s32 @!p0 $0x6  }
0x88: {  	_ =	swait.ge @!p0 [sflag:s0], s1  }
0x89: {  	s1 =	ssub.s32 @!p0 $0x0, s1;
	[sflag:s0] =	ssyncset.done @!p0 $0x0  }
0x8a: {  	[sflag:s0] =	ssyncadd.s32 @!p0 s1  }
0x8b: {  	[bflag:$0x3] =	sbarrier.arrive $0xFFFF  }
0x8c: {  	_ =	shalt  }

// kernel: kernel.16.cloned.1.call-start
scs
__scs_entry_jumppad:
0x0: {  	(pc) =	sbr.rel $0x88, $3  }
0x1: {  	(tag) =	ssettag $0x0;
	lr =	simm.s32 $0x1  }
0x2: {  	[smem:$0x3F98] =	sst lr;
	_ =	strace $0xD0000000  }
0x3: {  	_ = 	snop  }
0x4: {  	_ = 	snop  }
0x5: {  	_ = 	snop  }
0x6: {  	_ = 	snop  }
0x7: {  	_ = 	snop  }
__scs_overlays_trampoline_lowered:
0x8: {  	[smem:$0x3FA7] =	sst s0  }
0x9: {  	[smem:$0x3FA8] =	sst s1  }
0xa: {  	[smem:$0x3FA9] =	sst s2  }
0xb: {  	[smem:$0x3FAA] =	sst s3  }
0xc: {  	[smem:$0x3FAB] =	sst s4  }
0xd: {  	[smem:$0x3FAC] =	sst s5  }
0xe: {  	[smem:$0x3FAD] =	sst s6  }
0xf: {  	[smem:$0x3FAE] =	sst s7  }
0x10: {  	[smem:$0x3FAF] =	sst s8  }
0x11: {  	[smem:$0x3FB0] =	sst s9;
	s0 =	simm.s32 @!p0 $0x0  }
0x12: {  	s1 =	sld [smem:$0x3F96];
	s0 =	simm.s32 @p0 $0x1  }
0x13: {  	[smem:$0x3FB1] =	sst s0;
	s0 =	simm.s32 @!p1 $0x0  }
0x14: {  	s2 =	sld [smem:$0x3F95];
	s0 =	simm.s32 @p1 $0x1  }
0x15: {  	[smem:$0x3FB2] =	sst s0;
	s0 =	simm.s32 @!p2 $0x0  }
0x16: {  	s3 =	sld [smem:$0x3FDB];
	s0 =	simm.s32 @p2 $0x1  }
0x17: {  	s4 =	simm.s32 $0x1BF5;
	[smem:$0x3FB4] =	sst s0  }
0x18: {  	s0 =	sld [smem:$0x3F97];
	_ =	swait.ge [sflag:s4], $0x0  }
0x19: {  	s7 =	sld [smem:$0x3F98]  }
0x1a: {  	s8 =	sadd.s32 $0xFFFFE003, lr  }
0x1b: {  	s9 =	sadd.s32 $0xFFFFFEF7, lr;
	s5 =	simm.s32 $0xFFFFFFFF;
	p2 =	slt.u32 s8, $0xFFFFF086  }
0x1c: {  	p1 =	slt.u32 s9, $0xF7A;
	s5 =	simm.s32 @!p2 $0x0  }
0x1d: {  	s5 =	simm.s32 @p1 $0x1;
	p0 =	seq.s32 s7, s2  }
0x1e: {  	s7 =	smul.u32 @!p0 $0xF7A, s2;
	p2 =	seq.s32 @!p0 s5, $0x0  }
0x1f: {  	s9 =	smul.u32 $0xF7A, s1;
	s8 =	simm.s32 @!p0 $0x1BF5;
	p2 =	por !p2, p0  }
0x20: {  	[sflag:s8] =	ssyncset.s32 @!p0 $0xFFFFF086;
	s6 =	sadd.s32 @!p0 s3, s7;
	s7 =	simm.s32 @!p0 $0x108  }
0x21: {  	s3 =	sadd.s32 s3, s9;
	s6 =	sadd.s32 @!p0 $0x88, s6;
	s7 =	simm.s32 @p2 $0x1082  }
0x22: {  	[simem:s7], [sflag:s8] =	dma.local @!p0 [hbm:s6], $0xF7A  }
0x23: {  	s9 =	sor.u32 $0xD0000000, s2;
	s6 =	simm.s32 $0x108;
	_ =	swait.ge @!p0 [sflag:s8], $0x0  }
0x24: {  	s3 =	sadd.s32 $0x88, s3;
	s6 =	simm.s32 @!p1 $0x1082;
	[sflag:s4] =	ssyncset.s32 $0xFFFFF086  }
0x25: {  	[simem:s6], [sflag:s4] =	dma.local [hbm:s3], $0xF7A  }
0x26: {  	[smem:$0x3F98] =	sst s1;
	(tag) =	ssettag s2;
	_ =	strace s9  }
0x27: {  	s1 =	sld [smem:$0x3FA8]  }
0x28: {  	s2 =	sld [smem:$0x3FA9]  }
0x29: {  	s4 =	sld [smem:$0x3FAB]  }
0x2a: {  	p0 =	seq.s32 s5, $0x0;
	s5 =	sld [smem:$0x3FAC]  }
0x2b: {  	s6 =	sld [smem:$0x3FAD]  }
0x2c: {  	s7 =	sld [smem:$0x3FAE]  }
0x2d: {  	s3 =	simm.s32 $0x108;
	s8 =	sld [smem:$0x3FAF]  }
0x2e: {  	s3 =	simm.s32 @!p0 $0x1082;
	s9 =	sld [smem:$0x3FB0]  }
0x2f: {  	lr =	sadd.s32 s0, s3;
	s0 =	sld [smem:$0x3FA7]  }
0x30: {  	s3 =	sld [smem:$0x3FAA]  }
0x31: {  	[smem:$0x3FB3] =	sst s10  }
0x32: {  	s10 =	sld [smem:$0x3FB1];
	_ =	sdelay $0x3  }
0x33: {  	p0 =	seq.s32 s10, $0x1;
	s10 =	sld [smem:$0x3FB3];
	_ =	sdelay $0x3  }
0x34: {  	[smem:$0x3FB3] =	sst s10  }
0x35: {  	s10 =	sld [smem:$0x3FB2];
	_ =	sdelay $0x3  }
0x36: {  	p1 =	seq.s32 s10, $0x1;
	s10 =	sld [smem:$0x3FB3];
	_ =	sdelay $0x3  }
0x37: {  	[smem:$0x3FB3] =	sst s10  }
0x38: {  	s10 =	sld [smem:$0x3FB4]  }
0x39: {  	_ = 	snop;
	(pc) =	sbr.ind lr, $3  }
0x3a: {  	_ = 	snop  }
0x3b: {  	_ = 	snop  }
0x3c: {  	p2 =	seq.s32 s10, $0x1;
	s10 =	sld [smem:$0x3FB3]  }
0x3d: {  	_ =	shalt  }
0x3e: {  	_ =	shalt  }
0x3f: {  	_ =	shalt  }
0x40: {  	_ =	shalt  }
0x41: {  	_ =	shalt  }
0x42: {  	_ =	shalt  }
0x43: {  	_ =	shalt  }
0x44: {  	_ =	shalt  }
0x45: {  	_ =	shalt  }
0x46: {  	_ =	shalt  }
0x47: {  	_ =	shalt  }
0x48: {  	_ =	shalt  }
0x49: {  	_ =	shalt  }
0x4a: {  	_ =	shalt  }
0x4b: {  	_ =	shalt  }
0x4c: {  	_ =	shalt  }
0x4d: {  	_ =	shalt  }
0x4e: {  	_ =	shalt  }
0x4f: {  	_ =	shalt  }
0x50: {  	_ =	shalt  }
0x51: {  	_ =	shalt  }
0x52: {  	_ =	shalt  }
0x53: {  	_ =	shalt  }
0x54: {  	_ =	shalt  }
0x55: {  	_ =	shalt  }
0x56: {  	_ =	shalt  }
0x57: {  	_ =	shalt  }
0x58: {  	_ =	shalt  }
0x59: {  	_ =	shalt  }
0x5a: {  	_ =	shalt  }
0x5b: {  	_ =	shalt  }
0x5c: {  	_ =	shalt  }
0x5d: {  	_ =	shalt  }
0x5e: {  	_ =	shalt  }
0x5f: {  	_ =	shalt  }
0x60: {  	_ =	shalt  }
0x61: {  	_ =	shalt  }
0x62: {  	_ =	shalt  }
0x63: {  	_ =	shalt  }
0x64: {  	_ =	shalt  }
0x65: {  	_ =	shalt  }
0x66: {  	_ =	shalt  }
0x67: {  	_ =	shalt  }
0x68: {  	_ =	shalt  }
0x69: {  	_ =	shalt  }
0x6a: {  	_ =	shalt  }
0x6b: {  	_ =	shalt  }
0x6c: {  	_ =	shalt  }
0x6d: {  	_ =	shalt  }
0x6e: {  	_ =	shalt  }
0x6f: {  	_ =	shalt  }
0x70: {  	_ =	shalt  }
0x71: {  	_ =	shalt  }
0x72: {  	_ =	shalt  }
0x73: {  	_ =	shalt  }
0x74: {  	_ =	shalt  }
0x75: {  	_ =	shalt  }
0x76: {  	_ =	shalt  }
0x77: {  	_ =	shalt  }
0x78: {  	_ =	shalt  }
0x79: {  	_ =	shalt  }
0x7a: {  	_ =	shalt  }
0x7b: {  	_ =	shalt  }
0x7c: {  	_ =	shalt  }
0x7d: {  	_ =	shalt  }
0x7e: {  	_ =	shalt  }
0x7f: {  	_ =	shalt  }
0x80: {  	_ =	shalt  }
0x81: {  	_ =	shalt  }
0x82: {  	_ =	shalt  }
0x83: {  	_ =	shalt  }
0x84: {  	_ =	shalt  }
0x85: {  	_ =	shalt  }
0x86: {  	_ =	shalt  }
0x87: {  	_ =	shalt  }
.Lfunc_end0:
.L_simem_size_0:
called_computation.2_lowered:
.L_overlay_start_0:
0x88: {  	s2 =	sld [smem:$0x3FD9]  }
0x89: {  	s3 =	sld [smem:$0x3FFE];
	_ =	sdelay $0x1  }
0x8a: {  	s1 =	srdreg.scid  }
0x8b: {  	s0 =	sand.u32 $0x1, s1  }
0x8c: {  	s14 =	sshll.u32 s0, $0xA;
	s2 =	sadd.s32 s3, s2  }
0x8d: {  	s2 =	sadd.s32 s2, s14  }
0x8e: {  	[smem:$0x3FBF] =	sst s2  }
0x8f: {  	_ = 	snop  }
0x90: {  	s2 =	sld [smem:$0x3FD0];
	_ =	sdelay $0x2  }
0x91: {  	s15 =	simm.s32 $0xA;
	s4 =	simm.s32 $0x10  }
0x92: {  	[smem:s4], [sflag:s15] =	dma.local [hbm:s2], $0x1  }
0x93: {  	_ =	swait.eq [sflag:s15], $0x1  }
0x94: {  	[sflag:s15] =	ssyncset.done $0x0  }
0x95: {  	s16 =	sld [smem:$0x10];
	[sflag:s15] =	ssyncadd.s32 $0xFFFFFFFF  }
0x96: {  	s17 =	sld [smem:$0x11];
	(tm) =	ssettm $0x1  }
0x97: {  	s18 =	sld [smem:$0x3FFB];
	_ =	sdelay $0x3  }
0x98: {  	_ =	strace s18  }
0x99: {  	s4 =	sld [smem:$0x3FFC];
	_ =	sdelay $0x3  }
0x9a: {  	_ =	strace s4  }
0x9b: {  	s4 =	sld [smem:$0x3FFD];
	_ =	sdelay $0x3  }
0x9c: {  	_ =	strace s4  }
0x9d: {  	_ =	strace $0x8FFFFFFF  }
0x9e: {  	s19 =	sld [smem:$0x3FDB];
	_ =	sdelay $0x1  }
0x9f: {  	s5 =	simm.s32 $_scs_section_size  }
0xa0: {  	s6 =	simm.s32 $_size__tile_overlayer_lowered;
	s7 =	simm.s32 $_tile_overlayer_lowered  }
0xa1: {  	s22 =	simm.s32 $0x1BFF;
	s21 =	sshll.u32 s7, $0x1;
	s4 =	sadd.s32 s5, s19  }
0xa2: {  	s8 =	simm.s32 $0x0;
	s20 =	sshll.u32 s6, $0x1;
	s6 =	sadd.s32 s21, s4  }
0xa3: {  	[timem:s8], [sflag:s22] =	dma.local [hbm:s6], s20  }
0xa4: {  	_ =	swait.ge [sflag:s22], s20  }
0xa5: {  	s5 =	ssub.s32 $0x0, s20;
	[sflag:s22] =	ssyncset.done $0x0  }
0xa6: {  	[sflag:s22] =	ssyncadd.s32 s5;
	_ =	sdelay $0x1  }
0xa7: {  	s23 =	simm.s32 $0x1B8B  }
0xa8: {  	_ =	swait.ge [sflag:s23], $0x1  }
0xa9: {  	[sflag:s23] =	ssyncset.done $0x0  }
0xaa: {  	s25 =	simm.s32 $0x1B8E;
	s24 =	sld [smem:$0x3FFE];
	[sflag:s23] =	ssyncadd.s32 $0xFFFFFFFF  }
0xab: {  	s26 =	simm.s32 $execute0_lowered;
	[smem:$0x3FD2] =	sst s25  }
0xac: {  	s6 =	sshll.u32 s26, $0x1;
	_ =	strace $0x8000004C;
	[dreg:$0x1] =	wrdreg $0xFFFFFFFF  }
0xad: {  	s28 =	simm.s32 $_size_execute0_lowered;
	s4 =	sadd.s32 s4, s6;
	[dreg:$0x0] =	wrdreg $0x0  }
0xae: {  	s6 =	sshll.u32 s28, $0x1;
	[dreg:$0x2] =	wrdreg s4  }
0xaf: {  	[dreg:$0x3] =	wrdreg s6  }
0xb0: {  	[dreg:$0x4] =	wrdreg $0xC0  }
0xb1: {  	_ =	task [dreg:s8], $0x5FFFF  }
0xb2: {  	[dreg:$0x1] =	wrdreg $0xFFFFFFFF  }
0xb3: {  	[dreg:$0x0] =	wrdreg $0x60  }
0xb4: {  	[dreg:$0x2] =	wrdreg s24  }
0xb5: {  	[dreg:$0x3] =	wrdreg s16  }
0xb6: {  	[dreg:$0x4] =	wrdreg s17  }
0xb7: {  	[dreg:$0x5] =	wrdreg $0x90000  }
0xb8: {  	[dreg:$0x6] =	wrdreg $0x9  }
0xb9: {  	_ =	task.clear_ibuf [dreg:s8], $0x7FFFF;
	_ =	strace $0x9000004C  }
0xba: {  	s29 =	simm.s32 $0x9;
	_ =	strace $0x8000004E  }
0xbb: {  	_ =	swait.ge [sflag:s29], $0x1  }
0xbc: {  	[sflag:s29] =	ssyncadd.s32 $0xFFFFFFFF  }
0xbd: {  	_ =	strace $0x9000004E  }
0xbe: {  	_ =	sfence  }
0xbf: {  	s30 =	sld [smem:$0x0];
	_ =	sdelay $0x2  }
0xc0: {  	s31 =	sshll.u32 s1, $0xD;
	s1 =	sshrl.u32 s1, $0x2  }
0xc1: {  	s3 =	sand.u32 $0x4000, s31;
	s1 =	sadd.s32 s1, s30  }
0xc2: {  	s0 =	sor.u32 s3, s0;
	s1 =	sshll.u32 s1, $0x11  }
0xc3: {  	s0 =	sor.u32 s1, s0  }
0xc4: {  	s0 =	sadd.s32 $0x8F2B, s0  }
0xc5: {  	[sflag:s0] =	ssyncadd.remote.s32 $0x1  }
0xc6: {  	_ =	sfence.sel $0xFFFF  }
0xc7: {  	[dreg:$0x0] =	wrdreg $0xFFFFFFFF;
	(pc) =	sbr.abs _section_cstart, $3  }
0xc8: {  	[dreg:$0x1] =	wrdreg $0xFFFFFFFF  }
0xc9: {  	_ =	task.clear_ibuf [dreg:s8], $0x2FFFF;
	_ =	strace $0x9FFFFFFF  }
0xca: {  	(tm) =	ssettm $0x7FFFFFFF  }
0xcb: {  	_ =	shalt  }
tec
execute0_lowered:
.L_overlay_start_1:
0x0: {  	(tag) =	ssettag $0x1  }
0x1: {  	s5 =	rddreg [dreg:$0x0]  }
0x2: {  	s10 =	rddreg [dreg:$0x1]  }
0x3: {  	s9 =	rddreg [dreg:$0x2]  }
0x4: {  	s1 =	rddreg [dreg:$0x3]  }
0x5: {  	s0 =	rddreg [dreg:$0x4];
	s3 =	simm.s32 $0x0;
	s6 =	srdreg.scid  }
0x6: {  	s2 =	stileid.u32;
	s18 =	simm.s32 $0x5000;
	s19 =	simm.s32 $0x1  }
0x7: {  	s20 =	simm.s32 $0x2;
	s21 =	simm.s32 $0x3;
	s22 =	simm.s32 $0x4  }
0x8: {  	s23 =	simm.s32 $0x0;
	[smem:$0x7FF] =	sst s3;
	s4 =	sadd.s32 $0xCC00, s5  }
0x9: {  	s6 =	sand.u32 $0x1, s6;
	s7 =	smul.u32 $0x50000, s2;
	s12 =	sadd.s32 $0x2C00, s5  }
0xa: {  	s5 =	sadd.s32 $0x34C00, s5;
	s14 =	smul.u32 $0x14000, s2;
	s28 =	sshll.u32 s2, $0x1  }
0xb: {  	s15 =	smul.u32 $0x14, s2;
	s29 =	sshll.u32 s2, $0x6;
	s8 =	ssub.s32 $0x2, s6  }
0xc: {  	_ =	strace $0x8000004D;
	s11 =	smul.u32 $0x140000, s6;
	s13 =	sshrl.u32 s8, $0x1  }
0xd: {  	s16 =	smul.u32 $0xA, s6;
	s7 =	sshrl.u32 s7, $0x2;
	s13 =	ssub.s32 s8, s13  }
0xe: {  	s8 =	sor.u32 s6, s28;
	s17 =	sadd.s32 s7, s1;
	s6 =	sor.u32 $0x1C06, s29  }
0xf: {  	s11 =	sadd.s32 s14, s11;
	s30 =	sadd.s32 s16, s15;
	s15 =	simm.s32 $0x800  }
0x10: {  	s8 =	smul.u32 $0x500, s8;
	s11 =	sshrl.u32 s11, $0x3;
	s14 =	sshll.u32 s30, $0x7  }
0x11: {  	s16 =	simm.s32 $0x80;
	s9 =	sadd.s32 s9, s11;
	s31 =	sadd.s32 s14, s10  }
0x12: {  	s7 =	sadd.s32 s10, s8;
	s8 =	sadd.s32 s12, s8;
	s10 =	smax.u32 s13, $0x1  }
0x13: {  	s11 =	sadd.s32 $0x80, s31;
	s12 =	sadd.s32 s14, s12;
	s13 =	sshrl.u32 s17, $0x3  }
0x14: {  	s14 =	simm.s32 $0x6;
	s17 =	simm.s32 $0x1000;
	s12 =	sadd.s32 $0x80, s12  }
.LBB2_1:
0x15: {  	[spmem:s13], [sflag:s6] =	dma.local [hbm:s5], $0x2800  }
0x16: {  	_ =	swait.ge [sflag:s14], $0x2800  }
0x17: {  	[sflag:s14] =	ssyncset.done $0x0  }
0x18: {  	[sflag:s14] =	ssyncadd.s32 $0xFFFFD800  }
0x19: {  	[bflag:$0x0] =	sbarrier.arrive $0xFFFF  }
0x1a: {  	[tilespmem:s3], [sflag:$0x6] =	stream.linear.gather [hbm4b:s7+s3], $0x400, $0x38;
	[tilespmem:$0x1D000] =	vst v63  }
0x1b: {  	_ =	swait.ge [sflag:s14], $0x400  }
0x1c: {  	[sflag:s14] =	ssyncset.done $0x0  }
0x1d: {  	[sflag:s14] =	ssyncadd.s32 $0xFFFFFC00  }
0x1e: {  	[tilespmem:s15], [sflag:$0x6] =	stream.linear.gather [hbm4b:s8+s3], $0x400, $0x38;
	[tilespmem:$0x1D000] =	vst v63  }
0x1f: {  	_ =	swait.ge [sflag:s14], $0x400  }
0x20: {  	s24 =	simm.s32 $0x400;
	[sflag:s14] =	ssyncset.done $0x0  }
0x21: {  	s25 =	smov.u32 s12;
	s26 =	smov.u32 s11;
	[sflag:s14] =	ssyncadd.s32 $0xFFFFFC00  }
.LBB2_2:
0x22: {  	p0 =	seq.s32 s24, $0x2800  }
0x23: {  	s28 =	sand.u32 @!p0 $0x400, s24;
	s29 =	simm.s32 @!p0 $0x0;
	p1 =	seq.s32 @!p0 s24, $0x400  }
0x24: {  	[tilespmem:s28], [sflag:$0x5] =	stream.linear.gather @!p0 [hbm4b:s26+s29], $0x400, $0x38;
	[tilespmem:$0x1D000] =	vst v63  }
0x25: {  	s28 =	sor.u32 @!p0 $0x800, s28;
	p1 =	por p0, !p1  }
0x26: {  	[tilespmem:s28], [sflag:$0x5] =	stream.linear.gather @!p0 [hbm4b:s25+s29], $0x400, $0x38;
	[tilespmem:$0x1D000] =	vst v63  }
0x27: {  	_ =	swait.ge @p1 [sflag:s21], $0x4000  }
0x28: {  	[sflag:s21] =	ssyncset.done @p1 $0x0  }
0x29: {  	[sflag:s21] =	ssyncadd.s32 @p1 $0xFFFFC000  }
0x2a: {  	_ =	swait.ge @p1 [sflag:s22], $0x4000  }
0x2b: {  	s29 =	sadd.s32 $0xFFFFFC00, s24;
	[sflag:s22] =	ssyncset.done @p1 $0x0  }
0x2c: {  	s28 =	sand.u32 $0x400, s29;
	[sflag:s22] =	ssyncadd.s32 @p1 $0xFFFFC000  }
0x2d: {  	[tilespmem:s17], [sflag:$0x1] =	stream.indirect.gather [hbm4b:s4+s16], $0x80, s28, s16, $0xb8;
	[tilespmem:$0x1D000] =	vst v63  }
0x2e: {  	s30 =	sor.u32 $0x80, s28  }
0x2f: {  	[tilespmem:s18], [sflag:$0x2] =	stream.indirect.gather [hbm4b:s4+s16], $0x80, s30, s16, $0xb8;
	[tilespmem:$0x1D000] =	vst v63  }
0x30: {  	_ =	swait.ge [sflag:s19], $0x4000  }
0x31: {  	[sflag:s19] =	ssyncset.done $0x0  }
0x32: {  	s31 =	sor.u32 $0x800, s28;
	[sflag:s19] =	ssyncadd.s32 $0xFFFFC000  }
0x33: {  	[spmem:s1] =	stream.indirect.scatter.add.f32 [tilespmem:s17], [sflag:$0x3], $0x80, s31, s16, $0xb8;
	[tilespmem:$0x1D000] =	vst v63  }
0x34: {  	_ =	swait.ge [sflag:s20], $0x4000  }
0x35: {  	[sflag:s20] =	ssyncset.done $0x0  }
0x36: {  	s30 =	sor.u32 $0x880, s28;
	[sflag:s20] =	ssyncadd.s32 $0xFFFFC000  }
0x37: {  	[spmem:s1] =	stream.indirect.scatter.add.f32 [tilespmem:s18], [sflag:$0x4], $0x80, s30, s16, $0xb8;
	[tilespmem:$0x1D000] =	vst v63  }
0x38: {  	_ =	swait.ge [sflag:s21], $0x4000  }
0x39: {  	[sflag:s21] =	ssyncset.done $0x0  }
0x3a: {  	[sflag:s21] =	ssyncadd.s32 $0xFFFFC000  }
0x3b: {  	_ =	swait.ge [sflag:s22], $0x4000  }
0x3c: {  	[sflag:s22] =	ssyncset.done $0x0  }
0x3d: {  	s31 =	sor.u32 $0x100, s28;
	[sflag:s22] =	ssyncadd.s32 $0xFFFFC000  }
0x3e: {  	[tilespmem:s17], [sflag:$0x1] =	stream.indirect.gather [hbm4b:s4+s16], $0x80, s31, s16, $0xb8;
	[tilespmem:$0x1D000] =	vst v63  }
0x3f: {  	s30 =	sor.u32 $0x180, s28  }
0x40: {  	[tilespmem:s18], [sflag:$0x2] =	stream.indirect.gather [hbm4b:s4+s16], $0x80, s30, s16, $0xb8;
	[tilespmem:$0x1D000] =	vst v63  }
0x41: {  	_ =	swait.ge [sflag:s19], $0x4000  }
0x42: {  	[sflag:s19] =	ssyncset.done $0x0  }
0x43: {  	s31 =	sor.u32 $0x900, s28;
	[sflag:s19] =	ssyncadd.s32 $0xFFFFC000  }
0x44: {  	[spmem:s1] =	stream.indirect.scatter.add.f32 [tilespmem:s17], [sflag:$0x3], $0x80, s31, s16, $0xb8;
	[tilespmem:$0x1D000] =	vst v63  }
0x45: {  	_ =	swait.ge [sflag:s20], $0x4000  }
0x46: {  	[sflag:s20] =	ssyncset.done $0x0  }
0x47: {  	s30 =	sor.u32 $0x980, s28;
	[sflag:s20] =	ssyncadd.s32 $0xFFFFC000  }
0x48: {  	[spmem:s1] =	stream.indirect.scatter.add.f32 [tilespmem:s18], [sflag:$0x4], $0x80, s30, s16, $0xb8;
	[tilespmem:$0x1D000] =	vst v63  }
0x49: {  	_ =	swait.ge [sflag:s21], $0x4000  }
0x4a: {  	[sflag:s21] =	ssyncset.done $0x0  }
0x4b: {  	[sflag:s21] =	ssyncadd.s32 $0xFFFFC000  }
0x4c: {  	_ =	swait.ge [sflag:s22], $0x4000  }
0x4d: {  	[sflag:s22] =	ssyncset.done $0x0  }
0x4e: {  	s31 =	sor.u32 $0x200, s28;
	[sflag:s22] =	ssyncadd.s32 $0xFFFFC000  }
0x4f: {  	[tilespmem:s17], [sflag:$0x1] =	stream.indirect.gather [hbm4b:s4+s16], $0x80, s31, s16, $0xb8;
	[tilespmem:$0x1D000] =	vst v63  }
0x50: {  	s30 =	sor.u32 $0x280, s28  }
0x51: {  	[tilespmem:s18], [sflag:$0x2] =	stream.indirect.gather [hbm4b:s4+s16], $0x80, s30, s16, $0xb8;
	[tilespmem:$0x1D000] =	vst v63  }
0x52: {  	_ =	swait.ge [sflag:s19], $0x4000  }
0x53: {  	[sflag:s19] =	ssyncset.done $0x0  }
0x54: {  	s31 =	sor.u32 $0xA00, s28;
	[sflag:s19] =	ssyncadd.s32 $0xFFFFC000  }
0x55: {  	[spmem:s1] =	stream.indirect.scatter.add.f32 [tilespmem:s17], [sflag:$0x3], $0x80, s31, s16, $0xb8;
	[tilespmem:$0x1D000] =	vst v63  }
0x56: {  	_ =	swait.ge [sflag:s20], $0x4000  }
0x57: {  	[sflag:s20] =	ssyncset.done $0x0  }
0x58: {  	s30 =	sor.u32 $0xA80, s28;
	[sflag:s20] =	ssyncadd.s32 $0xFFFFC000  }
0x59: {  	[spmem:s1] =	stream.indirect.scatter.add.f32 [tilespmem:s18], [sflag:$0x4], $0x80, s30, s16, $0xb8;
	[tilespmem:$0x1D000] =	vst v63  }
0x5a: {  	_ =	swait.ge [sflag:s21], $0x4000  }
0x5b: {  	[sflag:s21] =	ssyncset.done $0x0  }
0x5c: {  	[sflag:s21] =	ssyncadd.s32 $0xFFFFC000  }
0x5d: {  	_ =	swait.ge [sflag:s22], $0x4000  }
0x5e: {  	[sflag:s22] =	ssyncset.done $0x0  }
0x5f: {  	s31 =	sor.u32 $0x300, s28;
	[sflag:s22] =	ssyncadd.s32 $0xFFFFC000  }
0x60: {  	[tilespmem:s17], [sflag:$0x1] =	stream.indirect.gather [hbm4b:s4+s16], $0x80, s31, s16, $0xb8;
	[tilespmem:$0x1D000] =	vst v63  }
0x61: {  	s30 =	sor.u32 $0x380, s28  }
0x62: {  	[tilespmem:s18], [sflag:$0x2] =	stream.indirect.gather [hbm4b:s4+s16], $0x80, s30, s16, $0xb8;
	[tilespmem:$0x1D000] =	vst v63  }
0x63: {  	_ =	swait.ge [sflag:s19], $0x4000  }
0x64: {  	[sflag:s19] =	ssyncset.done $0x0  }
0x65: {  	s31 =	sor.u32 $0xB00, s28;
	[sflag:s19] =	ssyncadd.s32 $0xFFFFC000  }
0x66: {  	[spmem:s1] =	stream.indirect.scatter.add.f32 [tilespmem:s17], [sflag:$0x3], $0x80, s31, s16, $0xb8;
	[tilespmem:$0x1D000] =	vst v63  }
0x67: {  	_ =	swait.ge [sflag:s20], $0x4000  }
0x68: {  	[sflag:s20] =	ssyncset.done $0x0  }
0x69: {  	s24 =	sadd.s32 @!p0 $0x400, s24;
	s28 =	sor.u32 $0xB80, s28;
	[sflag:s20] =	ssyncadd.s32 $0xFFFFC000  }
0x6a: {  	[spmem:s1] =	stream.indirect.scatter.add.f32 [tilespmem:s18], [sflag:$0x4], $0x80, s28, s16, $0xb8;
	[tilespmem:$0x1D000] =	vst v63  }
0x6b: {  	p1 =	sne.s32 @!p0 s24, $0x2C00;
	s28 =	simm.s32 @!p0 $0x5  }
0x6c: {  	p1 =	por p0, !p1;
	_ =	swait.ge @!p0 [sflag:s28], $0x400  }
.Ltmp0:
0x6d: {  	[sflag:s28] =	ssyncset.done @!p0 $0x0;
	(pc) =	sbr.rel @!p1 .LBB2_2-.Ltmp0, $4  }
0x6e: {  	[sflag:s28] =	ssyncadd.s32 @!p0 $0xFFFFFC00  }
0x6f: {  	_ =	swait.ge @!p0 [sflag:s28], $0x400  }
0x70: {  	[sflag:s28] =	ssyncset.done @!p0 $0x0  }
0x71: {  	s26 =	sadd.s32 @!p0 $0x80, s26;
	s25 =	sadd.s32 @!p0 $0x80, s25;
	[sflag:s28] =	ssyncadd.s32 @!p0 $0xFFFFFC00  }
0x72: {  	_ =	swait.ge [sflag:s21], $0x4000  }
0x73: {  	[sflag:s21] =	ssyncset.done $0x0  }
0x74: {  	[sflag:s21] =	ssyncadd.s32 $0xFFFFC000  }
0x75: {  	_ =	swait.ge [sflag:s22], $0x4000  }
0x76: {  	s23 =	sadd.s32 $0x1, s23;
	[sflag:s22] =	ssyncset.done $0x0  }
0x77: {  	p0 =	sne.s32 s23, s10;
	[sflag:s22] =	ssyncadd.s32 $0xFFFFC000  }
.Ltmp1:
0x78: {  	[bflag:$0x0] =	sbarrier.arrive $0xFFFF;
	(pc) =	sbr.rel @p0 .LBB2_1-.Ltmp1, $4  }
0x79: {  	[hbm:s9], [sflag:s6] =	dma.local [spmem:s13], $0x2800  }
0x7a: {  	_ =	swait.ge [sflag:s14], $0x2800  }
0x7b: {  	[sflag:s14] =	ssyncset.done $0x0  }
0x7c: {  	[sflag:s14] =	ssyncadd.s32 $0xFFFFD800  }
0x7d: {  	_ =	sfence.sel $0x180000  }
0x7e: {  	[bflag:$0x0] =	sbarrier.arrive $0xFFFF  }
0x7f: {  	p0 =	sne.s32 s2, $0x0;
	_ =	strace $0x9000004D  }
0x80: {  	s0 =	sadd.s32 @!p0 $0x100000, s0;
	[bflag:$0x2] =	sbarrier.arrive $0xFFFF  }
0x81: {  	[sflag:s0] =	ssyncadd.tile.s32 @!p0 $0x1;
	_ =	shalt  }
.Lfunc_end2:
_tile_overlayer_lowered:
.L_overlay_start_2:
0x82: {  	(tag) =	ssettag $0x2  }
0x83: {  	s0 =	rddreg [dreg:$0x0];
	s2 =	stileid.u32  }
0x84: {  	s1 =	rddreg [dreg:$0x1];
	p0 =	sne.s32 s2, $0x0  }
0x85: {  	s3 =	rddreg [dreg:$0x2];
	[bflag:$0x3] =	sbarrier.arrive $0xFFFF;
	s2 =	simm.s32 @!p0 $0x1C06  }
0x86: {  	[timem:s3], [sflag:s2] =	dma.local @!p0 [hbm:s0], s1  }
0x87: {  	s0 =	simm.s32 @!p0 $0x6  }
0x88: {  	_ =	swait.ge @!p0 [sflag:s0], s1  }
0x89: {  	s1 =	ssub.s32 @!p0 $0x0, s1;
	[sflag:s0] =	ssyncset.done @!p0 $0x0  }
0x8a: {  	[sflag:s0] =	ssyncadd.s32 @!p0 s1  }
0x8b: {  	[bflag:$0x3] =	sbarrier.arrive $0xFFFF  }
0x8c: {  	_ =	shalt  }

// kernel: kernel.19.cloned.1.call-start
scs
__scs_entry_jumppad:
0x0: {  	(pc) =	sbr.rel $0x88, $3  }
0x1: {  	(tag) =	ssettag $0x0;
	lr =	simm.s32 $0x1  }
0x2: {  	[smem:$0x3F98] =	sst lr;
	_ =	strace $0xD0000000  }
0x3: {  	_ = 	snop  }
0x4: {  	_ = 	snop  }
0x5: {  	_ = 	snop  }
0x6: {  	_ = 	snop  }
0x7: {  	_ = 	snop  }
__scs_overlays_trampoline_lowered:
0x8: {  	[smem:$0x3FA7] =	sst s0  }
0x9: {  	[smem:$0x3FA8] =	sst s1  }
0xa: {  	[smem:$0x3FA9] =	sst s2  }
0xb: {  	[smem:$0x3FAA] =	sst s3  }
0xc: {  	[smem:$0x3FAB] =	sst s4  }
0xd: {  	[smem:$0x3FAC] =	sst s5  }
0xe: {  	[smem:$0x3FAD] =	sst s6  }
0xf: {  	[smem:$0x3FAE] =	sst s7  }
0x10: {  	[smem:$0x3FAF] =	sst s8  }
0x11: {  	[smem:$0x3FB0] =	sst s9;
	s0 =	simm.s32 @!p0 $0x0  }
0x12: {  	s1 =	sld [smem:$0x3F96];
	s0 =	simm.s32 @p0 $0x1  }
0x13: {  	[smem:$0x3FB1] =	sst s0;
	s0 =	simm.s32 @!p1 $0x0  }
0x14: {  	s2 =	sld [smem:$0x3F95];
	s0 =	simm.s32 @p1 $0x1  }
0x15: {  	[smem:$0x3FB2] =	sst s0;
	s0 =	simm.s32 @!p2 $0x0  }
0x16: {  	s3 =	sld [smem:$0x3FDB];
	s0 =	simm.s32 @p2 $0x1  }
0x17: {  	s4 =	simm.s32 $0x1BF5;
	[smem:$0x3FB4] =	sst s0  }
0x18: {  	s0 =	sld [smem:$0x3F97];
	_ =	swait.ge [sflag:s4], $0x0  }
0x19: {  	s7 =	sld [smem:$0x3F98]  }
0x1a: {  	s8 =	sadd.s32 $0xFFFFE003, lr  }
0x1b: {  	s9 =	sadd.s32 $0xFFFFFEF7, lr;
	s5 =	simm.s32 $0xFFFFFFFF;
	p2 =	slt.u32 s8, $0xFFFFF086  }
0x1c: {  	p1 =	slt.u32 s9, $0xF7A;
	s5 =	simm.s32 @!p2 $0x0  }
0x1d: {  	s5 =	simm.s32 @p1 $0x1;
	p0 =	seq.s32 s7, s2  }
0x1e: {  	s7 =	smul.u32 @!p0 $0xF7A, s2;
	p2 =	seq.s32 @!p0 s5, $0x0  }
0x1f: {  	s9 =	smul.u32 $0xF7A, s1;
	s8 =	simm.s32 @!p0 $0x1BF5;
	p2 =	por !p2, p0  }
0x20: {  	[sflag:s8] =	ssyncset.s32 @!p0 $0xFFFFF086;
	s6 =	sadd.s32 @!p0 s3, s7;
	s7 =	simm.s32 @!p0 $0x108  }
0x21: {  	s3 =	sadd.s32 s3, s9;
	s6 =	sadd.s32 @!p0 $0x88, s6;
	s7 =	simm.s32 @p2 $0x1082  }
0x22: {  	[simem:s7], [sflag:s8] =	dma.local @!p0 [hbm:s6], $0xF7A  }
0x23: {  	s9 =	sor.u32 $0xD0000000, s2;
	s6 =	simm.s32 $0x108;
	_ =	swait.ge @!p0 [sflag:s8], $0x0  }
0x24: {  	s3 =	sadd.s32 $0x88, s3;
	s6 =	simm.s32 @!p1 $0x1082;
	[sflag:s4] =	ssyncset.s32 $0xFFFFF086  }
0x25: {  	[simem:s6], [sflag:s4] =	dma.local [hbm:s3], $0xF7A  }
0x26: {  	[smem:$0x3F98] =	sst s1;
	(tag) =	ssettag s2;
	_ =	strace s9  }
0x27: {  	s1 =	sld [smem:$0x3FA8]  }
0x28: {  	s2 =	sld [smem:$0x3FA9]  }
0x29: {  	s4 =	sld [smem:$0x3FAB]  }
0x2a: {  	p0 =	seq.s32 s5, $0x0;
	s5 =	sld [smem:$0x3FAC]  }
0x2b: {  	s6 =	sld [smem:$0x3FAD]  }
0x2c: {  	s7 =	sld [smem:$0x3FAE]  }
0x2d: {  	s3 =	simm.s32 $0x108;
	s8 =	sld [smem:$0x3FAF]  }
0x2e: {  	s3 =	simm.s32 @!p0 $0x1082;
	s9 =	sld [smem:$0x3FB0]  }
0x2f: {  	lr =	sadd.s32 s0, s3;
	s0 =	sld [smem:$0x3FA7]  }
0x30: {  	s3 =	sld [smem:$0x3FAA]  }
0x31: {  	[smem:$0x3FB3] =	sst s10  }
0x32: {  	s10 =	sld [smem:$0x3FB1];
	_ =	sdelay $0x3  }
0x33: {  	p0 =	seq.s32 s10, $0x1;
	s10 =	sld [smem:$0x3FB3];
	_ =	sdelay $0x3  }
0x34: {  	[smem:$0x3FB3] =	sst s10  }
0x35: {  	s10 =	sld [smem:$0x3FB2];
	_ =	sdelay $0x3  }
0x36: {  	p1 =	seq.s32 s10, $0x1;
	s10 =	sld [smem:$0x3FB3];
	_ =	sdelay $0x3  }
0x37: {  	[smem:$0x3FB3] =	sst s10  }
0x38: {  	s10 =	sld [smem:$0x3FB4]  }
0x39: {  	_ = 	snop;
	(pc) =	sbr.ind lr, $3  }
0x3a: {  	_ = 	snop  }
0x3b: {  	_ = 	snop  }
0x3c: {  	p2 =	seq.s32 s10, $0x1;
	s10 =	sld [smem:$0x3FB3]  }
0x3d: {  	_ =	shalt  }
0x3e: {  	_ =	shalt  }
0x3f: {  	_ =	shalt  }
0x40: {  	_ =	shalt  }
0x41: {  	_ =	shalt  }
0x42: {  	_ =	shalt  }
0x43: {  	_ =	shalt  }
0x44: {  	_ =	shalt  }
0x45: {  	_ =	shalt  }
0x46: {  	_ =	shalt  }
0x47: {  	_ =	shalt  }
0x48: {  	_ =	shalt  }
0x49: {  	_ =	shalt  }
0x4a: {  	_ =	shalt  }
0x4b: {  	_ =	shalt  }
0x4c: {  	_ =	shalt  }
0x4d: {  	_ =	shalt  }
0x4e: {  	_ =	shalt  }
0x4f: {  	_ =	shalt  }
0x50: {  	_ =	shalt  }
0x51: {  	_ =	shalt  }
0x52: {  	_ =	shalt  }
0x53: {  	_ =	shalt  }
0x54: {  	_ =	shalt  }
0x55: {  	_ =	shalt  }
0x56: {  	_ =	shalt  }
0x57: {  	_ =	shalt  }
0x58: {  	_ =	shalt  }
0x59: {  	_ =	shalt  }
0x5a: {  	_ =	shalt  }
0x5b: {  	_ =	shalt  }
0x5c: {  	_ =	shalt  }
0x5d: {  	_ =	shalt  }
0x5e: {  	_ =	shalt  }
0x5f: {  	_ =	shalt  }
0x60: {  	_ =	shalt  }
0x61: {  	_ =	shalt  }
0x62: {  	_ =	shalt  }
0x63: {  	_ =	shalt  }
0x64: {  	_ =	shalt  }
0x65: {  	_ =	shalt  }
0x66: {  	_ =	shalt  }
0x67: {  	_ =	shalt  }
0x68: {  	_ =	shalt  }
0x69: {  	_ =	shalt  }
0x6a: {  	_ =	shalt  }
0x6b: {  	_ =	shalt  }
0x6c: {  	_ =	shalt  }
0x6d: {  	_ =	shalt  }
0x6e: {  	_ =	shalt  }
0x6f: {  	_ =	shalt  }
0x70: {  	_ =	shalt  }
0x71: {  	_ =	shalt  }
0x72: {  	_ =	shalt  }
0x73: {  	_ =	shalt  }
0x74: {  	_ =	shalt  }
0x75: {  	_ =	shalt  }
0x76: {  	_ =	shalt  }
0x77: {  	_ =	shalt  }
0x78: {  	_ =	shalt  }
0x79: {  	_ =	shalt  }
0x7a: {  	_ =	shalt  }
0x7b: {  	_ =	shalt  }
0x7c: {  	_ =	shalt  }
0x7d: {  	_ =	shalt  }
0x7e: {  	_ =	shalt  }
0x7f: {  	_ =	shalt  }
0x80: {  	_ =	shalt  }
0x81: {  	_ =	shalt  }
0x82: {  	_ =	shalt  }
0x83: {  	_ =	shalt  }
0x84: {  	_ =	shalt  }
0x85: {  	_ =	shalt  }
0x86: {  	_ =	shalt  }
0x87: {  	_ =	shalt  }
.Lfunc_end0:
.L_simem_size_0:
called_computation.3_lowered:
.L_overlay_start_0:
0x88: {  	s2 =	sld [smem:$0x3FD9]  }
0x89: {  	s3 =	sld [smem:$0x3FFE];
	_ =	sdelay $0x1  }
0x8a: {  	s1 =	srdreg.scid  }
0x8b: {  	s0 =	sand.u32 $0x1, s1  }
0x8c: {  	s14 =	sshll.u32 s0, $0xA;
	s2 =	sadd.s32 s3, s2  }
0x8d: {  	s2 =	sadd.s32 s2, s14  }
0x8e: {  	[smem:$0x3FBF] =	sst s2  }
0x8f: {  	_ = 	snop  }
0x90: {  	s2 =	sld [smem:$0x3FD0];
	_ =	sdelay $0x2  }
0x91: {  	s15 =	simm.s32 $0xA;
	s4 =	simm.s32 $0x10  }
0x92: {  	[smem:s4], [sflag:s15] =	dma.local [hbm:s2], $0x1  }
0x93: {  	_ =	swait.eq [sflag:s15], $0x1  }
0x94: {  	[sflag:s15] =	ssyncset.done $0x0  }
0x95: {  	s16 =	sld [smem:$0x10];
	[sflag:s15] =	ssyncadd.s32 $0xFFFFFFFF  }
0x96: {  	s17 =	sld [smem:$0x11];
	(tm) =	ssettm $0x1  }
0x97: {  	s18 =	sld [smem:$0x3FFB];
	_ =	sdelay $0x3  }
0x98: {  	_ =	strace s18  }
0x99: {  	s4 =	sld [smem:$0x3FFC];
	_ =	sdelay $0x3  }
0x9a: {  	_ =	strace s4  }
0x9b: {  	s4 =	sld [smem:$0x3FFD];
	_ =	sdelay $0x3  }
0x9c: {  	_ =	strace s4  }
0x9d: {  	_ =	strace $0x8FFFFFFF  }
0x9e: {  	s19 =	sld [smem:$0x3FDB];
	_ =	sdelay $0x1  }
0x9f: {  	s5 =	simm.s32 $_scs_section_size  }
0xa0: {  	s6 =	simm.s32 $_size__tile_overlayer_lowered;
	s7 =	simm.s32 $_tile_overlayer_lowered  }
0xa1: {  	s22 =	simm.s32 $0x1BFF;
	s21 =	sshll.u32 s7, $0x1;
	s4 =	sadd.s32 s5, s19  }
0xa2: {  	s8 =	simm.s32 $0x0;
	s20 =	sshll.u32 s6, $0x1;
	s6 =	sadd.s32 s21, s4  }
0xa3: {  	[timem:s8], [sflag:s22] =	dma.local [hbm:s6], s20  }
0xa4: {  	_ =	swait.ge [sflag:s22], s20  }
0xa5: {  	s5 =	ssub.s32 $0x0, s20;
	[sflag:s22] =	ssyncset.done $0x0  }
0xa6: {  	[sflag:s22] =	ssyncadd.s32 s5;
	_ =	sdelay $0x1  }
0xa7: {  	s23 =	simm.s32 $0x1B8B  }
0xa8: {  	_ =	swait.ge [sflag:s23], $0x1  }
0xa9: {  	[sflag:s23] =	ssyncset.done $0x0  }
0xaa: {  	s25 =	simm.s32 $0x1B8E;
	s24 =	sld [smem:$0x3FFE];
	[sflag:s23] =	ssyncadd.s32 $0xFFFFFFFF  }
0xab: {  	s26 =	simm.s32 $execute0_lowered;
	[smem:$0x3FD2] =	sst s25  }
0xac: {  	s6 =	sshll.u32 s26, $0x1;
	_ =	strace $0x8000004F;
	[dreg:$0x1] =	wrdreg $0xFFFFFFFF  }
0xad: {  	s28 =	simm.s32 $_size_execute0_lowered;
	s4 =	sadd.s32 s4, s6;
	[dreg:$0x0] =	wrdreg $0x0  }
0xae: {  	s6 =	sshll.u32 s28, $0x1;
	[dreg:$0x2] =	wrdreg s4  }
0xaf: {  	[dreg:$0x3] =	wrdreg s6  }
0xb0: {  	[dreg:$0x4] =	wrdreg $0xC0  }
0xb1: {  	_ =	task [dreg:s8], $0x5FFFF  }
0xb2: {  	[dreg:$0x1] =	wrdreg $0xFFFFFFFF  }
0xb3: {  	[dreg:$0x0] =	wrdreg $0x60  }
0xb4: {  	[dreg:$0x2] =	wrdreg s24  }
0xb5: {  	[dreg:$0x3] =	wrdreg s16  }
0xb6: {  	[dreg:$0x4] =	wrdreg s17  }
0xb7: {  	[dreg:$0x5] =	wrdreg $0x90000  }
0xb8: {  	[dreg:$0x6] =	wrdreg $0x9  }
0xb9: {  	_ =	task.clear_ibuf [dreg:s8], $0x7FFFF;
	_ =	strace $0x9000004F  }
0xba: {  	s29 =	simm.s32 $0x9;
	_ =	strace $0x80000051  }
0xbb: {  	_ =	swait.ge [sflag:s29], $0x1  }
0xbc: {  	[sflag:s29] =	ssyncadd.s32 $0xFFFFFFFF  }
0xbd: {  	_ =	strace $0x90000051  }
0xbe: {  	_ =	sfence  }
0xbf: {  	s30 =	sld [smem:$0x0];
	_ =	sdelay $0x2  }
0xc0: {  	s31 =	sshll.u32 s1, $0xD;
	s1 =	sshrl.u32 s1, $0x2  }
0xc1: {  	s3 =	sand.u32 $0x4000, s31;
	s1 =	sadd.s32 s1, s30  }
0xc2: {  	s0 =	sor.u32 s3, s0;
	s1 =	sshll.u32 s1, $0x11  }
0xc3: {  	s0 =	sor.u32 s1, s0  }
0xc4: {  	s0 =	sadd.s32 $0x8F2B, s0  }
0xc5: {  	[sflag:s0] =	ssyncadd.remote.s32 $0x1  }
0xc6: {  	_ =	sfence.sel $0xFFFF  }
0xc7: {  	[dreg:$0x0] =	wrdreg $0xFFFFFFFF;
	(pc) =	sbr.abs _section_cstart, $3  }
0xc8: {  	[dreg:$0x1] =	wrdreg $0xFFFFFFFF  }
0xc9: {  	_ =	task.clear_ibuf [dreg:s8], $0x2FFFF;
	_ =	strace $0x9FFFFFFF  }
0xca: {  	(tm) =	ssettm $0x7FFFFFFF  }
0xcb: {  	_ =	shalt  }
tec
execute0_lowered:
.L_overlay_start_1:
0x0: {  	(tag) =	ssettag $0x1  }
0x1: {  	s5 =	rddreg [dreg:$0x0]  }
0x2: {  	s10 =	rddreg [dreg:$0x1]  }
0x3: {  	s9 =	rddreg [dreg:$0x2]  }
0x4: {  	s1 =	rddreg [dreg:$0x3]  }
0x5: {  	s0 =	rddreg [dreg:$0x4];
	s3 =	simm.s32 $0x0;
	s6 =	srdreg.scid  }
0x6: {  	s2 =	stileid.u32;
	s18 =	simm.s32 $0x5000;
	s19 =	simm.s32 $0x1  }
0x7: {  	s20 =	simm.s32 $0x2;
	s21 =	simm.s32 $0x3;
	s22 =	simm.s32 $0x4  }
0x8: {  	s23 =	simm.s32 $0x0;
	[smem:$0x7FF] =	sst s3;
	s4 =	sadd.s32 $0xCC00, s5  }
0x9: {  	s6 =	sand.u32 $0x1, s6;
	s7 =	smul.u32 $0x50000, s2;
	s12 =	sadd.s32 $0x2C00, s5  }
0xa: {  	s5 =	sadd.s32 $0x34C00, s5;
	s14 =	smul.u32 $0x14000, s2;
	s28 =	sshll.u32 s2, $0x1  }
0xb: {  	s15 =	smul.u32 $0x14, s2;
	s29 =	sshll.u32 s2, $0x6;
	s8 =	ssub.s32 $0x2, s6  }
0xc: {  	_ =	strace $0x80000050;
	s11 =	smul.u32 $0x140000, s6;
	s13 =	sshrl.u32 s8, $0x1  }
0xd: {  	s16 =	smul.u32 $0xA, s6;
	s7 =	sshrl.u32 s7, $0x2;
	s13 =	ssub.s32 s8, s13  }
0xe: {  	s8 =	sor.u32 s6, s28;
	s17 =	sadd.s32 s7, s1;
	s6 =	sor.u32 $0x1C06, s29  }
0xf: {  	s11 =	sadd.s32 s14, s11;
	s30 =	sadd.s32 s16, s15;
	s15 =	simm.s32 $0x800  }
0x10: {  	s8 =	smul.u32 $0x500, s8;
	s11 =	sshrl.u32 s11, $0x3;
	s14 =	sshll.u32 s30, $0x7  }
0x11: {  	s16 =	simm.s32 $0x80;
	s9 =	sadd.s32 s9, s11;
	s31 =	sadd.s32 s14, s10  }
0x12: {  	s7 =	sadd.s32 s10, s8;
	s8 =	sadd.s32 s12, s8;
	s10 =	smax.u32 s13, $0x1  }
0x13: {  	s11 =	sadd.s32 $0x80, s31;
	s12 =	sadd.s32 s14, s12;
	s13 =	sshrl.u32 s17, $0x3  }
0x14: {  	s14 =	simm.s32 $0x6;
	s17 =	simm.s32 $0x1000;
	s12 =	sadd.s32 $0x80, s12  }
.LBB2_1:
0x15: {  	[spmem:s13], [sflag:s6] =	dma.local [hbm:s5], $0x2800  }
0x16: {  	_ =	swait.ge [sflag:s14], $0x2800  }
0x17: {  	[sflag:s14] =	ssyncset.done $0x0  }
0x18: {  	[sflag:s14] =	ssyncadd.s32 $0xFFFFD800  }
0x19: {  	[bflag:$0x0] =	sbarrier.arrive $0xFFFF  }
0x1a: {  	[tilespmem:s3], [sflag:$0x6] =	stream.linear.gather [hbm4b:s7+s3], $0x400, $0x38;
	[tilespmem:$0x1D000] =	vst v63  }
0x1b: {  	_ =	swait.ge [sflag:s14], $0x400  }
0x1c: {  	[sflag:s14] =	ssyncset.done $0x0  }
0x1d: {  	[sflag:s14] =	ssyncadd.s32 $0xFFFFFC00  }
0x1e: {  	[tilespmem:s15], [sflag:$0x6] =	stream.linear.gather [hbm4b:s8+s3], $0x400, $0x38;
	[tilespmem:$0x1D000] =	vst v63  }
0x1f: {  	_ =	swait.ge [sflag:s14], $0x400  }
0x20: {  	s24 =	simm.s32 $0x400;
	[sflag:s14] =	ssyncset.done $0x0  }
0x21: {  	s25 =	smov.u32 s12;
	s26 =	smov.u32 s11;
	[sflag:s14] =	ssyncadd.s32 $0xFFFFFC00  }
.LBB2_2:
0x22: {  	p0 =	seq.s32 s24, $0x2800  }
0x23: {  	s28 =	sand.u32 @!p0 $0x400, s24;
	s29 =	simm.s32 @!p0 $0x0;
	p1 =	seq.s32 @!p0 s24, $0x400  }
0x24: {  	[tilespmem:s28], [sflag:$0x5] =	stream.linear.gather @!p0 [hbm4b:s26+s29], $0x400, $0x38;
	[tilespmem:$0x1D000] =	vst v63  }
0x25: {  	s28 =	sor.u32 @!p0 $0x800, s28;
	p1 =	por p0, !p1  }
0x26: {  	[tilespmem:s28], [sflag:$0x5] =	stream.linear.gather @!p0 [hbm4b:s25+s29], $0x400, $0x38;
	[tilespmem:$0x1D000] =	vst v63  }
0x27: {  	_ =	swait.ge @p1 [sflag:s21], $0x4000  }
0x28: {  	[sflag:s21] =	ssyncset.done @p1 $0x0  }
0x29: {  	[sflag:s21] =	ssyncadd.s32 @p1 $0xFFFFC000  }
0x2a: {  	_ =	swait.ge @p1 [sflag:s22], $0x4000  }
0x2b: {  	s29 =	sadd.s32 $0xFFFFFC00, s24;
	[sflag:s22] =	ssyncset.done @p1 $0x0  }
0x2c: {  	s28 =	sand.u32 $0x400, s29;
	[sflag:s22] =	ssyncadd.s32 @p1 $0xFFFFC000  }
0x2d: {  	[tilespmem:s17], [sflag:$0x1] =	stream.indirect.gather [hbm4b:s4+s16], $0x80, s28, s16, $0xb8;
	[tilespmem:$0x1D000] =	vst v63  }
0x2e: {  	s30 =	sor.u32 $0x80, s28  }
0x2f: {  	[tilespmem:s18], [sflag:$0x2] =	stream.indirect.gather [hbm4b:s4+s16], $0x80, s30, s16, $0xb8;
	[tilespmem:$0x1D000] =	vst v63  }
0x30: {  	_ =	swait.ge [sflag:s19], $0x4000  }
0x31: {  	[sflag:s19] =	ssyncset.done $0x0  }
0x32: {  	s31 =	sor.u32 $0x800, s28;
	[sflag:s19] =	ssyncadd.s32 $0xFFFFC000  }
0x33: {  	[spmem:s1] =	stream.indirect.scatter.add.f32 [tilespmem:s17], [sflag:$0x3], $0x80, s31, s16, $0xb8;
	[tilespmem:$0x1D000] =	vst v63  }
0x34: {  	_ =	swait.ge [sflag:s20], $0x4000  }
0x35: {  	[sflag:s20] =	ssyncset.done $0x0  }
0x36: {  	s30 =	sor.u32 $0x880, s28;
	[sflag:s20] =	ssyncadd.s32 $0xFFFFC000  }
0x37: {  	[spmem:s1] =	stream.indirect.scatter.add.f32 [tilespmem:s18], [sflag:$0x4], $0x80, s30, s16, $0xb8;
	[tilespmem:$0x1D000] =	vst v63  }
0x38: {  	_ =	swait.ge [sflag:s21], $0x4000  }
0x39: {  	[sflag:s21] =	ssyncset.done $0x0  }
0x3a: {  	[sflag:s21] =	ssyncadd.s32 $0xFFFFC000  }
0x3b: {  	_ =	swait.ge [sflag:s22], $0x4000  }
0x3c: {  	[sflag:s22] =	ssyncset.done $0x0  }
0x3d: {  	s31 =	sor.u32 $0x100, s28;
	[sflag:s22] =	ssyncadd.s32 $0xFFFFC000  }
0x3e: {  	[tilespmem:s17], [sflag:$0x1] =	stream.indirect.gather [hbm4b:s4+s16], $0x80, s31, s16, $0xb8;
	[tilespmem:$0x1D000] =	vst v63  }
0x3f: {  	s30 =	sor.u32 $0x180, s28  }
0x40: {  	[tilespmem:s18], [sflag:$0x2] =	stream.indirect.gather [hbm4b:s4+s16], $0x80, s30, s16, $0xb8;
	[tilespmem:$0x1D000] =	vst v63  }
0x41: {  	_ =	swait.ge [sflag:s19], $0x4000  }
0x42: {  	[sflag:s19] =	ssyncset.done $0x0  }
0x43: {  	s31 =	sor.u32 $0x900, s28;
	[sflag:s19] =	ssyncadd.s32 $0xFFFFC000  }
0x44: {  	[spmem:s1] =	stream.indirect.scatter.add.f32 [tilespmem:s17], [sflag:$0x3], $0x80, s31, s16, $0xb8;
	[tilespmem:$0x1D000] =	vst v63  }
0x45: {  	_ =	swait.ge [sflag:s20], $0x4000  }
0x46: {  	[sflag:s20] =	ssyncset.done $0x0  }
0x47: {  	s30 =	sor.u32 $0x980, s28;
	[sflag:s20] =	ssyncadd.s32 $0xFFFFC000  }
0x48: {  	[spmem:s1] =	stream.indirect.scatter.add.f32 [tilespmem:s18], [sflag:$0x4], $0x80, s30, s16, $0xb8;
	[tilespmem:$0x1D000] =	vst v63  }
0x49: {  	_ =	swait.ge [sflag:s21], $0x4000  }
0x4a: {  	[sflag:s21] =	ssyncset.done $0x0  }
0x4b: {  	[sflag:s21] =	ssyncadd.s32 $0xFFFFC000  }
0x4c: {  	_ =	swait.ge [sflag:s22], $0x4000  }
0x4d: {  	[sflag:s22] =	ssyncset.done $0x0  }
0x4e: {  	s31 =	sor.u32 $0x200, s28;
	[sflag:s22] =	ssyncadd.s32 $0xFFFFC000  }
0x4f: {  	[tilespmem:s17], [sflag:$0x1] =	stream.indirect.gather [hbm4b:s4+s16], $0x80, s31, s16, $0xb8;
	[tilespmem:$0x1D000] =	vst v63  }
0x50: {  	s30 =	sor.u32 $0x280, s28  }
0x51: {  	[tilespmem:s18], [sflag:$0x2] =	stream.indirect.gather [hbm4b:s4+s16], $0x80, s30, s16, $0xb8;
	[tilespmem:$0x1D000] =	vst v63  }
0x52: {  	_ =	swait.ge [sflag:s19], $0x4000  }
0x53: {  	[sflag:s19] =	ssyncset.done $0x0  }
0x54: {  	s31 =	sor.u32 $0xA00, s28;
	[sflag:s19] =	ssyncadd.s32 $0xFFFFC000  }
0x55: {  	[spmem:s1] =	stream.indirect.scatter.add.f32 [tilespmem:s17], [sflag:$0x3], $0x80, s31, s16, $0xb8;
	[tilespmem:$0x1D000] =	vst v63  }
0x56: {  	_ =	swait.ge [sflag:s20], $0x4000  }
0x57: {  	[sflag:s20] =	ssyncset.done $0x0  }
0x58: {  	s30 =	sor.u32 $0xA80, s28;
	[sflag:s20] =	ssyncadd.s32 $0xFFFFC000  }
0x59: {  	[spmem:s1] =	stream.indirect.scatter.add.f32 [tilespmem:s18], [sflag:$0x4], $0x80, s30, s16, $0xb8;
	[tilespmem:$0x1D000] =	vst v63  }
0x5a: {  	_ =	swait.ge [sflag:s21], $0x4000  }
0x5b: {  	[sflag:s21] =	ssyncset.done $0x0  }
0x5c: {  	[sflag:s21] =	ssyncadd.s32 $0xFFFFC000  }
0x5d: {  	_ =	swait.ge [sflag:s22], $0x4000  }
0x5e: {  	[sflag:s22] =	ssyncset.done $0x0  }
0x5f: {  	s31 =	sor.u32 $0x300, s28;
	[sflag:s22] =	ssyncadd.s32 $0xFFFFC000  }
0x60: {  	[tilespmem:s17], [sflag:$0x1] =	stream.indirect.gather [hbm4b:s4+s16], $0x80, s31, s16, $0xb8;
	[tilespmem:$0x1D000] =	vst v63  }
0x61: {  	s30 =	sor.u32 $0x380, s28  }
0x62: {  	[tilespmem:s18], [sflag:$0x2] =	stream.indirect.gather [hbm4b:s4+s16], $0x80, s30, s16, $0xb8;
	[tilespmem:$0x1D000] =	vst v63  }
0x63: {  	_ =	swait.ge [sflag:s19], $0x4000  }
0x64: {  	[sflag:s19] =	ssyncset.done $0x0  }
0x65: {  	s31 =	sor.u32 $0xB00, s28;
	[sflag:s19] =	ssyncadd.s32 $0xFFFFC000  }
0x66: {  	[spmem:s1] =	stream.indirect.scatter.add.f32 [tilespmem:s17], [sflag:$0x3], $0x80, s31, s16, $0xb8;
	[tilespmem:$0x1D000] =	vst v63  }
0x67: {  	_ =	swait.ge [sflag:s20], $0x4000  }
0x68: {  	[sflag:s20] =	ssyncset.done $0x0  }
0x69: {  	s24 =	sadd.s32 @!p0 $0x400, s24;
	s28 =	sor.u32 $0xB80, s28;
	[sflag:s20] =	ssyncadd.s32 $0xFFFFC000  }
0x6a: {  	[spmem:s1] =	stream.indirect.scatter.add.f32 [tilespmem:s18], [sflag:$0x4], $0x80, s28, s16, $0xb8;
	[tilespmem:$0x1D000] =	vst v63  }
0x6b: {  	p1 =	sne.s32 @!p0 s24, $0x2C00;
	s28 =	simm.s32 @!p0 $0x5  }
0x6c: {  	p1 =	por p0, !p1;
	_ =	swait.ge @!p0 [sflag:s28], $0x400  }
.Ltmp0:
0x6d: {  	[sflag:s28] =	ssyncset.done @!p0 $0x0;
	(pc) =	sbr.rel @!p1 .LBB2_2-.Ltmp0, $4  }
0x6e: {  	[sflag:s28] =	ssyncadd.s32 @!p0 $0xFFFFFC00  }
0x6f: {  	_ =	swait.ge @!p0 [sflag:s28], $0x400  }
0x70: {  	[sflag:s28] =	ssyncset.done @!p0 $0x0  }
0x71: {  	s26 =	sadd.s32 @!p0 $0x80, s26;
	s25 =	sadd.s32 @!p0 $0x80, s25;
	[sflag:s28] =	ssyncadd.s32 @!p0 $0xFFFFFC00  }
0x72: {  	_ =	swait.ge [sflag:s21], $0x4000  }
0x73: {  	[sflag:s21] =	ssyncset.done $0x0  }
0x74: {  	[sflag:s21] =	ssyncadd.s32 $0xFFFFC000  }
0x75: {  	_ =	swait.ge [sflag:s22], $0x4000  }
0x76: {  	s23 =	sadd.s32 $0x1, s23;
	[sflag:s22] =	ssyncset.done $0x0  }
0x77: {  	p0 =	sne.s32 s23, s10;
	[sflag:s22] =	ssyncadd.s32 $0xFFFFC000  }
.Ltmp1:
0x78: {  	[bflag:$0x0] =	sbarrier.arrive $0xFFFF;
	(pc) =	sbr.rel @p0 .LBB2_1-.Ltmp1, $4  }
0x79: {  	[hbm:s9], [sflag:s6] =	dma.local [spmem:s13], $0x2800  }
0x7a: {  	_ =	swait.ge [sflag:s14], $0x2800  }
0x7b: {  	[sflag:s14] =	ssyncset.done $0x0  }
0x7c: {  	[sflag:s14] =	ssyncadd.s32 $0xFFFFD800  }
0x7d: {  	_ =	sfence.sel $0x180000  }
0x7e: {  	[bflag:$0x0] =	sbarrier.arrive $0xFFFF  }
0x7f: {  	p0 =	sne.s32 s2, $0x0;
	_ =	strace $0x90000050  }
0x80: {  	s0 =	sadd.s32 @!p0 $0x100000, s0;
	[bflag:$0x2] =	sbarrier.arrive $0xFFFF  }
0x81: {  	[sflag:s0] =	ssyncadd.tile.s32 @!p0 $0x1;
	_ =	shalt  }
.Lfunc_end2:
_tile_overlayer_lowered:
.L_overlay_start_2:
0x82: {  	(tag) =	ssettag $0x2  }
0x83: {  	s0 =	rddreg [dreg:$0x0];
	s2 =	stileid.u32  }
0x84: {  	s1 =	rddreg [dreg:$0x1];
	p0 =	sne.s32 s2, $0x0  }
0x85: {  	s3 =	rddreg [dreg:$0x2];
	[bflag:$0x3] =	sbarrier.arrive $0xFFFF;
	s2 =	simm.s32 @!p0 $0x1C06  }
0x86: {  	[timem:s3], [sflag:s2] =	dma.local @!p0 [hbm:s0], s1  }
0x87: {  	s0 =	simm.s32 @!p0 $0x6  }
0x88: {  	_ =	swait.ge @!p0 [sflag:s0], s1  }
0x89: {  	s1 =	ssub.s32 @!p0 $0x0, s1;
	[sflag:s0] =	ssyncset.done @!p0 $0x0  }
0x8a: {  	[sflag:s0] =	ssyncadd.s32 @!p0 s1  }
0x8b: {  	[bflag:$0x3] =	sbarrier.arrive $0xFFFF  }
0x8c: {  	_ =	shalt  }

</sc_bundles>
